<compile_context>
chip_gen: v7x
topology: tpu7x:2x2x1
jax: 0.10.2.dev20260603
libtpu: 0.0.44.dev20260713+nightly
codegen_flags: <defaults>
</compile_context>

<pallas_src>
import functools

import jax
import jax.numpy as jnp
from jax import lax
from jax.experimental import pallas as pl
from jax.experimental.pallas import tpu as pltpu
from jax.experimental.pallas import tpu_sc as plsc

_N = 10000
_NPAD = 10240
_E = 320000
_CHUNK = 128
_NCH = 2560
_EPAD = _NCH * _CHUNK
_NW = 32
_CPW = _NCH // _NW
_NT = 16
_RPT = _NPAD // _NT
_DEGW = 64
_G = 16
_D = 128
_R = 1024
_GRID = _NPAD // _R


def _sc_mesh():
    return plsc.VectorSubcoreMesh(core_axis_name="c", subcore_axis_name="s")


@functools.partial(
    pl.kernel,
    out_type=jax.ShapeDtypeStruct((2, _NPAD, _DEGW), jnp.float32),
    mesh=_sc_mesh(),
    scratch_types=[
        pltpu.VMEM((_CPW, _CHUNK), jnp.int32),
        pltpu.VMEM((_CHUNK, _DEGW), jnp.float32),
        pltpu.VMEM_SHARED((_NPAD, _DEGW), jnp.float32),
        pltpu.SemaphoreType.DMA,
    ],
)
def _deg_kernel(dst_hbm, out_hbm, didx_v, rows_v, acc_sh, sem):
    c = lax.axis_index("c")
    s = lax.axis_index("s")
    wid = s * 2 + c

    zero16 = jnp.zeros((16,), jnp.float32)

    def _fillz(i, carry):
        for k in range(_DEGW // 16):
            rows_v[i, pl.ds(k * 16, 16)] = zero16
        return carry

    lax.fori_loop(0, _CHUNK, _fillz, 0)

    pltpu.sync_copy(dst_hbm.at[pl.ds(wid * _CPW, _CPW)], didx_v)

    r0 = s * _RPT
    for i in range(_RPT // _CHUNK):
        pltpu.sync_copy(rows_v, acc_sh.at[pl.ds(r0 + i * _CHUNK, _CHUNK)])
    plsc.subcore_barrier()

    one16 = jnp.full((16,), 1.0, jnp.float32)

    def _fillo(i, carry):
        for k in range(_DEGW // 16):
            rows_v[i, pl.ds(k * 16, 16)] = one16
        return carry

    lax.fori_loop(0, _CHUNK, _fillo, 0)

    def _step(j, carry):
        pltpu.async_copy(rows_v, acc_sh.at[didx_v.at[j]], sem, add=True)
        return carry

    lax.fori_loop(0, _CPW, _step, 0)

    def _drain(j, carry):
        pltpu.make_async_copy(rows_v, acc_sh.at[didx_v.at[0]], sem).wait()
        return carry

    lax.fori_loop(0, _CPW, _drain, 0)
    plsc.subcore_barrier()

    pltpu.sync_copy(acc_sh.at[pl.ds(r0, _RPT)], out_hbm.at[c].at[pl.ds(r0, _RPT)])


_NBUF = 2
_GRP = 16
_NGRP = _CPW // _GRP


def _make_msg_kernel(width):

    @functools.partial(
        pl.kernel,
        out_type=jax.ShapeDtypeStruct((2, _NPAD, width), jnp.float32),
        mesh=_sc_mesh(),
        scratch_types=[
            pltpu.VMEM((2, _GRP, _CHUNK), jnp.int32),
            pltpu.VMEM((2, _GRP, _CHUNK), jnp.int32),
            pltpu.VMEM((_CHUNK, width), jnp.float32),
            pltpu.VMEM((_CHUNK, width), jnp.float32),
            pltpu.VMEM_SHARED((_NPAD, width), jnp.float32),
            pltpu.SemaphoreType.DMA,
            pltpu.SemaphoreType.DMA,
        ],
    )
    def _msg_kernel(hs_hbm, src_hbm, dst_hbm, out_hbm, sidx_v, didx_v,
                    r0v, r1v, acc_sh, sem0, sem1):
        c = lax.axis_index("c")
        s = lax.axis_index("s")
        wid = s * 2 + c
        bufs = (r0v, r1v)
        sems = (sem0, sem1)

        zero16 = jnp.zeros((16,), jnp.float32)

        def _fill(i, carry):
            for k in range(width // 16):
                r0v[i, pl.ds(k * 16, 16)] = zero16
            return carry

        lax.fori_loop(0, _CHUNK, _fill, 0)

        r0 = s * _RPT
        for i in range(_RPT // _CHUNK):
            pltpu.sync_copy(r0v, acc_sh.at[pl.ds(r0 + i * _CHUNK, _CHUNK)])
        plsc.subcore_barrier()

        base = wid * _CPW
        pltpu.sync_copy(src_hbm.at[pl.ds(base, _GRP)], sidx_v.at[0])
        pltpu.sync_copy(dst_hbm.at[pl.ds(base, _GRP)], didx_v.at[0])

        for b in range(_NBUF):
            pltpu.async_copy(hs_hbm.at[sidx_v.at[0, b]], bufs[b], sems[b])

        def _grp(g, carry):
            slot = lax.rem(g, 2)
            nslot = lax.rem(g + 1, 2)

            @pl.when(g + 1 < _NGRP)
            def _():
                pltpu.sync_copy(src_hbm.at[pl.ds(base + (g + 1) * _GRP, _GRP)],
                                sidx_v.at[nslot])
                pltpu.sync_copy(dst_hbm.at[pl.ds(base + (g + 1) * _GRP, _GRP)],
                                didx_v.at[nslot])

            def _pair(t, carry2):
                for b in range(_NBUF):
                    jl = 2 * t + b
                    pltpu.make_async_copy(hs_hbm.at[sidx_v.at[0, 0]], bufs[b],
                                          sems[b]).wait()
                    pltpu.sync_copy(bufs[b], acc_sh.at[didx_v.at[slot, jl]],
                                    add=True)
                    pltpu.async_copy(hs_hbm.at[sidx_v.at[slot, jl + 2]],
                                     bufs[b], sems[b])
                return carry2

            lax.fori_loop(0, _GRP // 2 - 1, _pair, 0)

            for b in range(_NBUF):
                jl = _GRP - 2 + b
                pltpu.make_async_copy(hs_hbm.at[sidx_v.at[0, 0]], bufs[b],
                                      sems[b]).wait()
                pltpu.sync_copy(bufs[b], acc_sh.at[didx_v.at[slot, jl]],
                                add=True)

                @pl.when(g + 1 < _NGRP)
                def _():
                    pltpu.async_copy(hs_hbm.at[sidx_v.at[nslot, b]],
                                     bufs[b], sems[b])
            return carry

        lax.fori_loop(0, _NGRP, _grp, 0)
        plsc.subcore_barrier()

        pltpu.sync_copy(acc_sh.at[pl.ds(r0, _RPT)],
                        out_hbm.at[c].at[pl.ds(r0, _RPT)])

    return _msg_kernel


_msg_kernel = _make_msg_kernel(_D)


def _dinv_block(degp):
    deg = degp[0, :, 0] + degp[1, :, 0] + 1.0
    return lax.rsqrt(deg)


def _tc1_body(x_ref, w1_ref, degp_ref, hs_ref):
    dinv = _dinv_block(degp_ref[...])
    h = jnp.dot(x_ref[...], w1_ref[...], preferred_element_type=jnp.float32)
    hs_ref[...] = h * dinv[:, None]


_tc1 = pl.pallas_call(
    _tc1_body,
    grid=(_GRID,),
    in_specs=[
        pl.BlockSpec((_R, 128), lambda i: (i, 0)),
        pl.BlockSpec((128, 128), lambda i: (0, 0)),
        pl.BlockSpec((2, _R, _DEGW), lambda i: (0, i, 0)),
    ],
    out_specs=pl.BlockSpec((_R, 128), lambda i: (i, 0)),
    out_shape=jax.ShapeDtypeStruct((_NPAD, 128), jnp.float32),
)


def _tc2_body(hs1_ref, p_ref, degp_ref, b1_ref, w2_ref, hs2_ref):
    dinv = _dinv_block(degp_ref[...])
    agg = (p_ref[0] + p_ref[1] + hs1_ref[...]) * dinv[:, None]
    out1 = jnp.maximum(agg + b1_ref[...], 0.0)
    h2 = jnp.dot(out1, w2_ref[...], preferred_element_type=jnp.float32)
    hs2_ref[...] = h2 * dinv[:, None]


_tc2 = pl.pallas_call(
    _tc2_body,
    grid=(_GRID,),
    in_specs=[
        pl.BlockSpec((_R, 128), lambda i: (i, 0)),
        pl.BlockSpec((2, _R, 128), lambda i: (0, i, 0)),
        pl.BlockSpec((2, _R, _DEGW), lambda i: (0, i, 0)),
        pl.BlockSpec((1, 128), lambda i: (0, 0)),
        pl.BlockSpec((128, 128), lambda i: (0, 0)),
    ],
    out_specs=pl.BlockSpec((_R, 128), lambda i: (i, 0)),
    out_shape=jax.ShapeDtypeStruct((_NPAD, 128), jnp.float32),
)


def _tc3_body(hs2_ref, p_ref, degp_ref, b2_ref, batch_ref, wl_ref, bl_ref,
              out_ref, sums, cnts):
    i = pl.program_id(0)
    dinv = _dinv_block(degp_ref[...])
    agg = (p_ref[0] + p_ref[1] + hs2_ref[...]) * dinv[:, None]
    out2 = jnp.maximum(agg + b2_ref[...], 0.0)

    seg = lax.broadcasted_iota(jnp.int32, (_G, _R), 0).astype(jnp.float32)
    m = (seg == batch_ref[...]).astype(jnp.float32)

    @pl.when(i == 0)
    def _():
        sums[...] = jnp.zeros_like(sums)
        cnts[...] = jnp.zeros_like(cnts)

    sums[...] += jnp.dot(m, out2, preferred_element_type=jnp.float32)
    cnts[...] += jnp.sum(m, axis=1, keepdims=True)

    @pl.when(i == _GRID - 1)
    def _():
        pooled = sums[...] / jnp.maximum(cnts[...][:, :1], 1.0)
        out_ref[...] = (jnp.dot(pooled, wl_ref[...],
                                preferred_element_type=jnp.float32)
                        + bl_ref[...])


_tc3 = pl.pallas_call(
    _tc3_body,
    grid=(_GRID,),
    in_specs=[
        pl.BlockSpec((_R, 128), lambda i: (i, 0)),
        pl.BlockSpec((2, _R, 128), lambda i: (0, i, 0)),
        pl.BlockSpec((2, _R, _DEGW), lambda i: (0, i, 0)),
        pl.BlockSpec((1, 128), lambda i: (0, 0)),
        pl.BlockSpec((1, _R), lambda i: (0, i)),
        pl.BlockSpec((128, _G), lambda i: (0, 0)),
        pl.BlockSpec((1, _G), lambda i: (0, 0)),
    ],
    out_specs=pl.BlockSpec((_G, _G), lambda i: (0, 0)),
    out_shape=jax.ShapeDtypeStruct((_G, _G), jnp.float32),
    scratch_shapes=[
        pltpu.VMEM((_G, 128), jnp.float32),
        pltpu.VMEM((_G, 128), jnp.float32),
    ],
)


def kernel(x, edge_index, batch, W1, b1, W2, b2, Wl, bl):
    f32 = jnp.float32
    xp = jnp.concatenate([x, jnp.zeros((_NPAD - _N, x.shape[1]), x.dtype)],
                         axis=0)
    pad_e = _EPAD - _E
    pad_iota = jnp.arange(pad_e, dtype=jnp.int32)
    src = jnp.concatenate(
        [edge_index[0], pad_iota % _N]).reshape(_NCH, _CHUNK)
    dst = jnp.concatenate(
        [edge_index[1], _N + pad_iota % (_NPAD - _N)]).reshape(_NCH, _CHUNK)
    batchp = jnp.concatenate(
        [batch, jnp.full((_NPAD - _N,), 255, batch.dtype)]
    ).astype(f32).reshape(1, _NPAD)

    w2p = jnp.zeros((128, 128), f32).at[:, :64].set(W2)
    b2p = jnp.zeros((1, 128), f32).at[0, :64].set(b2)
    wlp = jnp.zeros((128, _G), f32).at[:64, :].set(Wl)

    degp = _deg_kernel(dst)
    hs1 = _tc1(xp, W1, degp)
    p1 = _msg_kernel(hs1, src, dst)
    hs2 = _tc2(hs1, p1, degp, b1.reshape(1, -1), w2p)
    p2 = _msg_kernel(hs2, src, dst)
    out = _tc3(hs2, p2, degp, b2p, batchp, wlp, bl.reshape(1, -1))
    return out

# --- scband reference (transcript-rebuilt; emitter-appended) ---
"""Pipeline reference for scband-torch-net-80324478369804 (READ-ONLY COPY).

The authoritative reference and input builder live on the scoring server;
editing this copy changes nothing except your own understanding.
"""

import jax, jax.numpy as jnp
import numpy as np

N = 10000
E = 320000
D = 128
H1 = 128
H2 = 64
C = 16
G = 16


def setup_inputs(seed: int = 0) -> dict:
    key = jax.random.key(seed)
    ks = jax.random.split(key, 10)
    x = jax.random.normal(ks[0], (N, D), dtype=jnp.float32)
    edge_index = jax.random.randint(ks[1], (2, E), 0, N, dtype=jnp.int32)
    batch = jnp.sort(jax.random.randint(ks[2], (N,), 0, G, dtype=jnp.int32))
    W1 = jax.random.normal(ks[3], (D, H1), dtype=jnp.float32) * 0.05
    b1 = jnp.zeros((H1,), dtype=jnp.float32)
    W2 = jax.random.normal(ks[4], (H1, H2), dtype=jnp.float32) * 0.05
    b2 = jnp.zeros((H2,), dtype=jnp.float32)
    Wl = jax.random.normal(ks[5], (H2, C), dtype=jnp.float32) * 0.05
    bl = jnp.zeros((C,), dtype=jnp.float32)
    return {"x": x, "edge_index": edge_index, "batch": batch,
            "W1": W1, "b1": b1, "W2": W2, "b2": b2, "Wl": Wl, "bl": bl}


def _gcn_conv(x, edge_index, W, b):
    n = x.shape[0]
    h = x @ W
    loop = jnp.arange(n, dtype=edge_index.dtype)
    src = jnp.concatenate([edge_index[0], loop])
    dst = jnp.concatenate([edge_index[1], loop])
    deg = jnp.zeros((n,), dtype=h.dtype).at[dst].add(1.0)
    dinv = jnp.where(deg > 0, 1.0 / jnp.sqrt(deg), 0.0)
    norm = dinv[src] * dinv[dst]
    msg = h[src] * norm[:, None]
    out = jnp.zeros_like(h).at[dst].add(msg)
    return out + b


def reference(x, edge_index, batch, W1, b1, W2, b2, Wl, bl):
    h = jax.nn.relu(_gcn_conv(x, edge_index, W1, b1))
    h = jax.nn.relu(_gcn_conv(h, edge_index, W2, b2))
    sums = jax.ops.segment_sum(h, batch, num_segments=G)
    cnt = jax.ops.segment_sum(jnp.ones((h.shape[0],), dtype=h.dtype), batch, num_segments=G)
    pooled = sums / jnp.maximum(cnt, 1.0)[:, None]
    return pooled @ Wl + bl

if __name__ == "__main__":
    import jax
    _d = setup_inputs()
    print(jax.jit(kernel)(*tuple(_d.values())))

</pallas_src>

<mosaic_0001>
#map = affine_map<(d0, d1) -> (0, 0)>
#map1 = affine_map<(d0, d1) -> (0, 0, 0)>
module attributes {stable_mosaic.version = 14 : i64} {
  func.func @_deg_kernel(%arg0: i32, %arg1: i32, %arg2: memref<2560x128xi32, #tpu.memory_space<hbm>>, %arg3: memref<2x10240x64xf32, #tpu.memory_space<hbm>>, %arg4: memref<80x128xi32, #tpu.memory_space<vmem>>, %arg5: memref<128x64xf32, #tpu.memory_space<vmem>>, %arg6: memref<10240x64xf32, #tpu.memory_space<vmem_shared>>, %arg7: memref<!tpu.dma_semaphore, #tpu.memory_space<semaphore_mem>>) attributes {dimension_semantics = [#tpu.dimension_semantics<core_parallel>, #tpu.dimension_semantics<subcore_parallel>], iteration_bounds = array<i64: 2, 16>, scalar_prefetch = 0 : i64, scratch_operands = 4 : i64, tpu.core_type = #tpu.core_type<sc_vector_subcore>, window_params = [{transform_indices = #map}, {transform_indices = #map1}]} {
    %mul3A = arith.constant 2 : i32
    %mul3A_0 = arith.muli %arg1, %mul3A : i32
    %add3A = arith.addi %mul3A_0, %arg0 : i32
    %broadcast_in_dim3A = arith.constant 0.000000e+00 : f32
    %broadcast_in_dim3A_1 = vector.broadcast %broadcast_in_dim3A : f32 to vector<16xf32>
    %scan3A = arith.constant 0 : i32
    %scan3A_2 = arith.constant 0 : i32
    %scan3A_3 = arith.constant 128 : i32
    %scan3A_4 = arith.addi %scan3A_2, %scan3A_3 : i32
    %scan3A_5 = arith.constant 1 : i32
    scf.for %scan3A_42 = %scan3A_2 to %scan3A_4 step %scan3A_5  : i32 {
      %swap3A = arith.index_cast %scan3A_42 : i32 to index
      %swap3A_43 = arith.constant 0 : index
      %swap3A_44 = tpu.vector_load %arg5[%swap3A, %swap3A_43] {strides = array<i32>} : memref<128x64xf32, #tpu.memory_space<vmem>>, vector<1x16xf32>,
      %swap3A_45 = vector.shape_cast %swap3A_44 : vector<1x16xf32> to vector<16xf32>
      %swap3A_46 = vector.shape_cast %broadcast_in_dim3A_1 : vector<16xf32> to vector<1x16xf32>
      tpu.vector_store %arg5[%swap3A, %swap3A_43], %swap3A_46 {strides = array<i32>} : memref<128x64xf32, #tpu.memory_space<vmem>>, vector<1x16xf32>,
      %swap3A_47 = arith.index_cast %scan3A_42 : i32 to index
      %swap3A_48 = arith.constant 16 : index
      %swap3A_49 = tpu.vector_load %arg5[%swap3A_47, %swap3A_48] {strides = array<i32>} : memref<128x64xf32, #tpu.memory_space<vmem>>, vector<1x16xf32>,
      %swap3A_50 = vector.shape_cast %swap3A_49 : vector<1x16xf32> to vector<16xf32>
      %swap3A_51 = vector.shape_cast %broadcast_in_dim3A_1 : vector<16xf32> to vector<1x16xf32>
      tpu.vector_store %arg5[%swap3A_47, %swap3A_48], %swap3A_51 {strides = array<i32>} : memref<128x64xf32, #tpu.memory_space<vmem>>, vector<1x16xf32>,
      %swap3A_52 = arith.index_cast %scan3A_42 : i32 to index
      %swap3A_53 = arith.constant 32 : index
      %swap3A_54 = tpu.vector_load %arg5[%swap3A_52, %swap3A_53] {strides = array<i32>} : memref<128x64xf32, #tpu.memory_space<vmem>>, vector<1x16xf32>,
      %swap3A_55 = vector.shape_cast %swap3A_54 : vector<1x16xf32> to vector<16xf32>
      %swap3A_56 = vector.shape_cast %broadcast_in_dim3A_1 : vector<16xf32> to vector<1x16xf32>
      tpu.vector_store %arg5[%swap3A_52, %swap3A_53], %swap3A_56 {strides = array<i32>} : memref<128x64xf32, #tpu.memory_space<vmem>>, vector<1x16xf32>,
      %swap3A_57 = arith.index_cast %scan3A_42 : i32 to index
      %swap3A_58 = arith.constant 48 : index
      %swap3A_59 = tpu.vector_load %arg5[%swap3A_57, %swap3A_58] {strides = array<i32>} : memref<128x64xf32, #tpu.memory_space<vmem>>, vector<1x16xf32>,
      %swap3A_60 = vector.shape_cast %swap3A_59 : vector<1x16xf32> to vector<16xf32>
      %swap3A_61 = vector.shape_cast %broadcast_in_dim3A_1 : vector<16xf32> to vector<1x16xf32>
      tpu.vector_store %arg5[%swap3A_57, %swap3A_58], %swap3A_61 {strides = array<i32>} : memref<128x64xf32, #tpu.memory_space<vmem>>, vector<1x16xf32>,
    }
    %scan3A_6 = arith.constant 128 : i32
    %mul3A_7 = arith.constant 80 : i32
    %mul3A_8 = arith.muli %add3A, %mul3A_7 : i32
    "tpu.region"() ({
      %run_scoped3A = tpu.sem_alloc : memref<!tpu.dma_semaphore, #tpu.memory_space<semaphore_mem>>
      %dma_start3A = arith.constant 0 : i32
      %dma_start3A_42 = tpu.memref_slice %arg2[%mul3A_8, %dma_start3A] : memref<2560x128xi32, #tpu.memory_space<hbm>> -> memref<80x128xi32, #tpu.memory_space<hbm>>
      %dma_start3A_43 = arith.constant 0 : i32
      %dma_start3A_44 = tpu.memref_slice %arg2[%mul3A_8, %dma_start3A_43] : memref<2560x128xi32, #tpu.memory_space<hbm>> -> memref<80x128xi32, #tpu.memory_space<hbm>>
      tpu.enqueue_dma source(%dma_start3A_44 : memref<80x128xi32, #tpu.memory_space<hbm>>) target(%arg4 : memref<80x128xi32, #tpu.memory_space<vmem>>) target_semaphore(%run_scoped3A : memref<!tpu.dma_semaphore, #tpu.memory_space<semaphore_mem>>)
      %dma_wait3A = arith.constant 0 : i32
      %dma_wait3A_45 = tpu.memref_slice %arg2[%mul3A_8, %dma_wait3A] : memref<2560x128xi32, #tpu.memory_space<hbm>> -> memref<80x128xi32, #tpu.memory_space<hbm>>
      %dma_wait3A_46 = arith.constant 0 : i32
      %dma_wait3A_47 = tpu.memref_slice %arg2[%mul3A_8, %dma_wait3A_46] : memref<2560x128xi32, #tpu.memory_space<hbm>> -> memref<80x128xi32, #tpu.memory_space<hbm>>
      tpu.wait_dma2 semaphore(%run_scoped3A : memref<!tpu.dma_semaphore, #tpu.memory_space<semaphore_mem>>) src(%dma_wait3A_47 : memref<80x128xi32, #tpu.memory_space<hbm>>) dst(%arg4 : memref<80x128xi32, #tpu.memory_space<vmem>>)
      tpu.yield
    }) : () -> ()
    %mul3A_9 = arith.constant 640 : i32
    %mul3A_10 = arith.muli %arg1, %mul3A_9 : i32
    %add3A_11 = arith.constant 0 : i32
    %add3A_12 = arith.addi %mul3A_10, %add3A_11 : i32
    "tpu.region"() ({
      %run_scoped3A = tpu.sem_alloc : memref<!tpu.dma_semaphore, #tpu.memory_space<semaphore_mem>>
      %dma_start3A = arith.constant 0 : i32
      %dma_start3A_42 = tpu.memref_slice %arg6[%add3A_12, %dma_start3A] : memref<10240x64xf32, #tpu.memory_space<vmem_shared>> -> memref<128x64xf32, #tpu.memory_space<vmem_shared>>
      %dma_start3A_43 = arith.constant 0 : i32
      %dma_start3A_44 = tpu.memref_slice %arg6[%add3A_12, %dma_start3A_43] : memref<10240x64xf32, #tpu.memory_space<vmem_shared>> -> memref<128x64xf32, #tpu.memory_space<vmem_shared>>
      tpu.enqueue_dma source(%arg5 : memref<128x64xf32, #tpu.memory_space<vmem>>) target(%dma_start3A_44 : memref<128x64xf32, #tpu.memory_space<vmem_shared>>) target_semaphore(%run_scoped3A : memref<!tpu.dma_semaphore, #tpu.memory_space<semaphore_mem>>)
      %dma_wait3A = arith.constant 0 : i32
      %dma_wait3A_45 = tpu.memref_slice %arg6[%add3A_12, %dma_wait3A] : memref<10240x64xf32, #tpu.memory_space<vmem_shared>> -> memref<128x64xf32, #tpu.memory_space<vmem_shared>>
      %dma_wait3A_46 = arith.constant 0 : i32
      %dma_wait3A_47 = tpu.memref_slice %arg6[%add3A_12, %dma_wait3A_46] : memref<10240x64xf32, #tpu.memory_space<vmem_shared>> -> memref<128x64xf32, #tpu.memory_space<vmem_shared>>
      tpu.wait_dma2 semaphore(%run_scoped3A : memref<!tpu.dma_semaphore, #tpu.memory_space<semaphore_mem>>) src(%arg5 : memref<128x64xf32, #tpu.memory_space<vmem>>) dst(%dma_wait3A_47 : memref<128x64xf32, #tpu.memory_space<vmem_shared>>)
      tpu.yield
    }) : () -> ()
    %add3A_13 = arith.constant 128 : i32
    %add3A_14 = arith.addi %mul3A_10, %add3A_13 : i32
    "tpu.region"() ({
      %run_scoped3A = tpu.sem_alloc : memref<!tpu.dma_semaphore, #tpu.memory_space<semaphore_mem>>
      %dma_start3A = arith.constant 0 : i32
      %dma_start3A_42 = tpu.memref_slice %arg6[%add3A_14, %dma_start3A] : memref<10240x64xf32, #tpu.memory_space<vmem_shared>> -> memref<128x64xf32, #tpu.memory_space<vmem_shared>>
      %dma_start3A_43 = arith.constant 0 : i32
      %dma_start3A_44 = tpu.memref_slice %arg6[%add3A_14, %dma_start3A_43] : memref<10240x64xf32, #tpu.memory_space<vmem_shared>> -> memref<128x64xf32, #tpu.memory_space<vmem_shared>>
      tpu.enqueue_dma source(%arg5 : memref<128x64xf32, #tpu.memory_space<vmem>>) target(%dma_start3A_44 : memref<128x64xf32, #tpu.memory_space<vmem_shared>>) target_semaphore(%run_scoped3A : memref<!tpu.dma_semaphore, #tpu.memory_space<semaphore_mem>>)
      %dma_wait3A = arith.constant 0 : i32
      %dma_wait3A_45 = tpu.memref_slice %arg6[%add3A_14, %dma_wait3A] : memref<10240x64xf32, #tpu.memory_space<vmem_shared>> -> memref<128x64xf32, #tpu.memory_space<vmem_shared>>
      %dma_wait3A_46 = arith.constant 0 : i32
      %dma_wait3A_47 = tpu.memref_slice %arg6[%add3A_14, %dma_wait3A_46] : memref<10240x64xf32, #tpu.memory_space<vmem_shared>> -> memref<128x64xf32, #tpu.memory_space<vmem_shared>>
      tpu.wait_dma2 semaphore(%run_scoped3A : memref<!tpu.dma_semaphore, #tpu.memory_space<semaphore_mem>>) src(%arg5 : memref<128x64xf32, #tpu.memory_space<vmem>>) dst(%dma_wait3A_47 : memref<128x64xf32, #tpu.memory_space<vmem_shared>>)
      tpu.yield
    }) : () -> ()
    %add3A_15 = arith.constant 256 : i32
    %add3A_16 = arith.addi %mul3A_10, %add3A_15 : i32
    "tpu.region"() ({
      %run_scoped3A = tpu.sem_alloc : memref<!tpu.dma_semaphore, #tpu.memory_space<semaphore_mem>>
      %dma_start3A = arith.constant 0 : i32
      %dma_start3A_42 = tpu.memref_slice %arg6[%add3A_16, %dma_start3A] : memref<10240x64xf32, #tpu.memory_space<vmem_shared>> -> memref<128x64xf32, #tpu.memory_space<vmem_shared>>
      %dma_start3A_43 = arith.constant 0 : i32
      %dma_start3A_44 = tpu.memref_slice %arg6[%add3A_16, %dma_start3A_43] : memref<10240x64xf32, #tpu.memory_space<vmem_shared>> -> memref<128x64xf32, #tpu.memory_space<vmem_shared>>
      tpu.enqueue_dma source(%arg5 : memref<128x64xf32, #tpu.memory_space<vmem>>) target(%dma_start3A_44 : memref<128x64xf32, #tpu.memory_space<vmem_shared>>) target_semaphore(%run_scoped3A : memref<!tpu.dma_semaphore, #tpu.memory_space<semaphore_mem>>)
      %dma_wait3A = arith.constant 0 : i32
      %dma_wait3A_45 = tpu.memref_slice %arg6[%add3A_16, %dma_wait3A] : memref<10240x64xf32, #tpu.memory_space<vmem_shared>> -> memref<128x64xf32, #tpu.memory_space<vmem_shared>>
      %dma_wait3A_46 = arith.constant 0 : i32
      %dma_wait3A_47 = tpu.memref_slice %arg6[%add3A_16, %dma_wait3A_46] : memref<10240x64xf32, #tpu.memory_space<vmem_shared>> -> memref<128x64xf32, #tpu.memory_space<vmem_shared>>
      tpu.wait_dma2 semaphore(%run_scoped3A : memref<!tpu.dma_semaphore, #tpu.memory_space<semaphore_mem>>) src(%arg5 : memref<128x64xf32, #tpu.memory_space<vmem>>) dst(%dma_wait3A_47 : memref<128x64xf32, #tpu.memory_space<vmem_shared>>)
      tpu.yield
    }) : () -> ()
    %add3A_17 = arith.constant 384 : i32
    %add3A_18 = arith.addi %mul3A_10, %add3A_17 : i32
    "tpu.region"() ({
      %run_scoped3A = tpu.sem_alloc : memref<!tpu.dma_semaphore, #tpu.memory_space<semaphore_mem>>
      %dma_start3A = arith.constant 0 : i32
      %dma_start3A_42 = tpu.memref_slice %arg6[%add3A_18, %dma_start3A] : memref<10240x64xf32, #tpu.memory_space<vmem_shared>> -> memref<128x64xf32, #tpu.memory_space<vmem_shared>>
      %dma_start3A_43 = arith.constant 0 : i32
      %dma_start3A_44 = tpu.memref_slice %arg6[%add3A_18, %dma_start3A_43] : memref<10240x64xf32, #tpu.memory_space<vmem_shared>> -> memref<128x64xf32, #tpu.memory_space<vmem_shared>>
      tpu.enqueue_dma source(%arg5 : memref<128x64xf32, #tpu.memory_space<vmem>>) target(%dma_start3A_44 : memref<128x64xf32, #tpu.memory_space<vmem_shared>>) target_semaphore(%run_scoped3A : memref<!tpu.dma_semaphore, #tpu.memory_space<semaphore_mem>>)
      %dma_wait3A = arith.constant 0 : i32
      %dma_wait3A_45 = tpu.memref_slice %arg6[%add3A_18, %dma_wait3A] : memref<10240x64xf32, #tpu.memory_space<vmem_shared>> -> memref<128x64xf32, #tpu.memory_space<vmem_shared>>
      %dma_wait3A_46 = arith.constant 0 : i32
      %dma_wait3A_47 = tpu.memref_slice %arg6[%add3A_18, %dma_wait3A_46] : memref<10240x64xf32, #tpu.memory_space<vmem_shared>> -> memref<128x64xf32, #tpu.memory_space<vmem_shared>>
      tpu.wait_dma2 semaphore(%run_scoped3A : memref<!tpu.dma_semaphore, #tpu.memory_space<semaphore_mem>>) src(%arg5 : memref<128x64xf32, #tpu.memory_space<vmem>>) dst(%dma_wait3A_47 : memref<128x64xf32, #tpu.memory_space<vmem_shared>>)
      tpu.yield
    }) : () -> ()
    %add3A_19 = arith.constant 512 : i32
    %add3A_20 = arith.addi %mul3A_10, %add3A_19 : i32
    "tpu.region"() ({
      %run_scoped3A = tpu.sem_alloc : memref<!tpu.dma_semaphore, #tpu.memory_space<semaphore_mem>>
      %dma_start3A = arith.constant 0 : i32
      %dma_start3A_42 = tpu.memref_slice %arg6[%add3A_20, %dma_start3A] : memref<10240x64xf32, #tpu.memory_space<vmem_shared>> -> memref<128x64xf32, #tpu.memory_space<vmem_shared>>
      %dma_start3A_43 = arith.constant 0 : i32
      %dma_start3A_44 = tpu.memref_slice %arg6[%add3A_20, %dma_start3A_43] : memref<10240x64xf32, #tpu.memory_space<vmem_shared>> -> memref<128x64xf32, #tpu.memory_space<vmem_shared>>
      tpu.enqueue_dma source(%arg5 : memref<128x64xf32, #tpu.memory_space<vmem>>) target(%dma_start3A_44 : memref<128x64xf32, #tpu.memory_space<vmem_shared>>) target_semaphore(%run_scoped3A : memref<!tpu.dma_semaphore, #tpu.memory_space<semaphore_mem>>)
      %dma_wait3A = arith.constant 0 : i32
      %dma_wait3A_45 = tpu.memref_slice %arg6[%add3A_20, %dma_wait3A] : memref<10240x64xf32, #tpu.memory_space<vmem_shared>> -> memref<128x64xf32, #tpu.memory_space<vmem_shared>>
      %dma_wait3A_46 = arith.constant 0 : i32
      %dma_wait3A_47 = tpu.memref_slice %arg6[%add3A_20, %dma_wait3A_46] : memref<10240x64xf32, #tpu.memory_space<vmem_shared>> -> memref<128x64xf32, #tpu.memory_space<vmem_shared>>
      tpu.wait_dma2 semaphore(%run_scoped3A : memref<!tpu.dma_semaphore, #tpu.memory_space<semaphore_mem>>) src(%arg5 : memref<128x64xf32, #tpu.memory_space<vmem>>) dst(%dma_wait3A_47 : memref<128x64xf32, #tpu.memory_space<vmem_shared>>)
      tpu.yield
    }) : () -> ()
    %barrier3A = arith.constant 0 : index
    tpu.barrier barrier_id(%barrier3A)
    %broadcast_in_dim3A_21 = arith.constant 1.000000e+00 : f32
    %broadcast_in_dim3A_22 = vector.broadcast %broadcast_in_dim3A_21 : f32 to vector<16xf32>
    %scan3A_23 = arith.constant 0 : i32
    %scan3A_24 = arith.constant 0 : i32
    %scan3A_25 = arith.constant 128 : i32
    %scan3A_26 = arith.addi %scan3A_24, %scan3A_25 : i32
    %scan3A_27 = arith.constant 1 : i32
    scf.for %scan3A_42 = %scan3A_24 to %scan3A_26 step %scan3A_27  : i32 {
      %swap3A = arith.index_cast %scan3A_42 : i32 to index
      %swap3A_43 = arith.constant 0 : index
      %swap3A_44 = tpu.vector_load %arg5[%swap3A, %swap3A_43] {strides = array<i32>} : memref<128x64xf32, #tpu.memory_space<vmem>>, vector<1x16xf32>,
      %swap3A_45 = vector.shape_cast %swap3A_44 : vector<1x16xf32> to vector<16xf32>
      %swap3A_46 = vector.shape_cast %broadcast_in_dim3A_22 : vector<16xf32> to vector<1x16xf32>
      tpu.vector_store %arg5[%swap3A, %swap3A_43], %swap3A_46 {strides = array<i32>} : memref<128x64xf32, #tpu.memory_space<vmem>>, vector<1x16xf32>,
      %swap3A_47 = arith.index_cast %scan3A_42 : i32 to index
      %swap3A_48 = arith.constant 16 : index
      %swap3A_49 = tpu.vector_load %arg5[%swap3A_47, %swap3A_48] {strides = array<i32>} : memref<128x64xf32, #tpu.memory_space<vmem>>, vector<1x16xf32>,
      %swap3A_50 = vector.shape_cast %swap3A_49 : vector<1x16xf32> to vector<16xf32>
      %swap3A_51 = vector.shape_cast %broadcast_in_dim3A_22 : vector<16xf32> to vector<1x16xf32>
      tpu.vector_store %arg5[%swap3A_47, %swap3A_48], %swap3A_51 {strides = array<i32>} : memref<128x64xf32, #tpu.memory_space<vmem>>, vector<1x16xf32>,
      %swap3A_52 = arith.index_cast %scan3A_42 : i32 to index
      %swap3A_53 = arith.constant 32 : index
      %swap3A_54 = tpu.vector_load %arg5[%swap3A_52, %swap3A_53] {strides = array<i32>} : memref<128x64xf32, #tpu.memory_space<vmem>>, vector<1x16xf32>,
      %swap3A_55 = vector.shape_cast %swap3A_54 : vector<1x16xf32> to vector<16xf32>
      %swap3A_56 = vector.shape_cast %broadcast_in_dim3A_22 : vector<16xf32> to vector<1x16xf32>
      tpu.vector_store %arg5[%swap3A_52, %swap3A_53], %swap3A_56 {strides = array<i32>} : memref<128x64xf32, #tpu.memory_space<vmem>>, vector<1x16xf32>,
      %swap3A_57 = arith.index_cast %scan3A_42 : i32 to index
      %swap3A_58 = arith.constant 48 : index
      %swap3A_59 = tpu.vector_load %arg5[%swap3A_57, %swap3A_58] {strides = array<i32>} : memref<128x64xf32, #tpu.memory_space<vmem>>, vector<1x16xf32>,
      %swap3A_60 = vector.shape_cast %swap3A_59 : vector<1x16xf32> to vector<16xf32>
      %swap3A_61 = vector.shape_cast %broadcast_in_dim3A_22 : vector<16xf32> to vector<1x16xf32>
      tpu.vector_store %arg5[%swap3A_57, %swap3A_58], %swap3A_61 {strides = array<i32>} : memref<128x64xf32, #tpu.memory_space<vmem>>, vector<1x16xf32>,
    }
    %scan3A_28 = arith.constant 128 : i32
    %scan3A_29 = arith.constant 0 : i32
    %scan3A_30 = arith.constant 0 : i32
    %scan3A_31 = arith.constant 80 : i32
    %scan3A_32 = arith.addi %scan3A_30, %scan3A_31 : i32
    %scan3A_33 = arith.constant 1 : i32
    scf.for %scan3A_42 = %scan3A_30 to %scan3A_32 step %scan3A_33  : i32 {
      %dma_start3A = arith.constant 0 : i32
      %dma_start3A_43 = tpu.memref_slice %arg4[%scan3A_42, %dma_start3A] : memref<80x128xi32, #tpu.memory_space<vmem>> -> memref<1x128xi32, #tpu.memory_space<vmem>>
      %dma_start3A_44 = tpu.memref_squeeze %dma_start3A_43 : memref<1x128xi32, #tpu.memory_space<vmem>> -> memref<128xi32, #tpu.memory_space<vmem>>
      %dma_start3A_45 = arith.constant 0 : i32
      %dma_start3A_46 = arith.constant 0 : i32
      %dma_start3A_47 = tpu.memref_slice %arg6[%dma_start3A_45, %dma_start3A_46] : memref<10240x64xf32, #tpu.memory_space<vmem_shared>> -> memref<10240x64xf32, #tpu.memory_space<vmem_shared>>
      tpu.enqueue_indirect_dma source(%arg5 : memref<128x64xf32, #tpu.memory_space<vmem>>) target(%dma_start3A_47 : memref<10240x64xf32, #tpu.memory_space<vmem_shared>>) offsets(%dma_start3A_44 : memref<128xi32, #tpu.memory_space<vmem>>) semaphore(%arg7 : memref<!tpu.dma_semaphore, #tpu.memory_space<semaphore_mem>>) {add = true}
    }
    %scan3A_34 = arith.constant 80 : i32
    %scan3A_35 = arith.constant 0 : i32
    %scan3A_36 = arith.constant 0 : i32
    %scan3A_37 = arith.constant 80 : i32
    %scan3A_38 = arith.addi %scan3A_36, %scan3A_37 : i32
    %scan3A_39 = arith.constant 1 : i32
    scf.for %scan3A_42 = %scan3A_36 to %scan3A_38 step %scan3A_39  : i32 {
      %dma_wait3A = arith.constant 0 : i32
      %dma_wait3A_43 = arith.constant 0 : i32
      %dma_wait3A_44 = tpu.memref_slice %arg4[%dma_wait3A, %dma_wait3A_43] : memref<80x128xi32, #tpu.memory_space<vmem>> -> memref<1x128xi32, #tpu.memory_space<vmem>>
      %dma_wait3A_45 = tpu.memref_squeeze %dma_wait3A_44 : memref<1x128xi32, #tpu.memory_space<vmem>> -> memref<128xi32, #tpu.memory_space<vmem>>
      %dma_wait3A_46 = arith.constant 0 : i32
      %dma_wait3A_47 = arith.constant 0 : i32
      %dma_wait3A_48 = tpu.memref_slice %arg6[%dma_wait3A_46, %dma_wait3A_47] : memref<10240x64xf32, #tpu.memory_space<vmem_shared>> -> memref<10240x64xf32, #tpu.memory_space<vmem_shared>>
      tpu.wait_indirect_dma semaphore(%arg7 : memref<!tpu.dma_semaphore, #tpu.memory_space<semaphore_mem>>) src(%arg5 : memref<128x64xf32, #tpu.memory_space<vmem>>) dst(%dma_wait3A_48 : memref<10240x64xf32, #tpu.memory_space<vmem_shared>>)
    }
    %scan3A_40 = arith.constant 80 : i32
    %barrier3A_41 = arith.constant 0 : index
    tpu.barrier barrier_id(%barrier3A_41)
    "tpu.region"() ({
      %run_scoped3A = tpu.sem_alloc : memref<!tpu.dma_semaphore, #tpu.memory_space<semaphore_mem>>
      %dma_start3A = arith.constant 0 : i32
      %dma_start3A_42 = arith.constant 0 : i32
      %dma_start3A_43 = tpu.memref_slice %arg3[%arg0, %dma_start3A, %dma_start3A_42] : memref<2x10240x64xf32, #tpu.memory_space<hbm>> -> memref<1x10240x64xf32, #tpu.memory_space<hbm>>
      %dma_start3A_44 = tpu.memref_squeeze %dma_start3A_43 : memref<1x10240x64xf32, #tpu.memory_space<hbm>> -> memref<10240x64xf32, #tpu.memory_space<hbm>>
      %dma_start3A_45 = arith.constant 0 : i32
      %dma_start3A_46 = tpu.memref_slice %dma_start3A_44[%mul3A_10, %dma_start3A_45] : memref<10240x64xf32, #tpu.memory_space<hbm>> -> memref<640x64xf32, #tpu.memory_space<hbm>>
      %dma_start3A_47 = arith.constant 0 : i32
      %dma_start3A_48 = tpu.memref_slice %arg6[%mul3A_10, %dma_start3A_47] : memref<10240x64xf32, #tpu.memory_space<vmem_shared>> -> memref<640x64xf32, #tpu.memory_space<vmem_shared>>
      tpu.enqueue_dma source(%dma_start3A_48 : memref<640x64xf32, #tpu.memory_space<vmem_shared>>) target(%dma_start3A_46 : memref<640x64xf32, #tpu.memory_space<hbm>>) target_semaphore(%run_scoped3A : memref<!tpu.dma_semaphore, #tpu.memory_space<semaphore_mem>>)
      %dma_wait3A = arith.constant 0 : i32
      %dma_wait3A_49 = arith.constant 0 : i32
      %dma_wait3A_50 = tpu.memref_slice %arg3[%arg0, %dma_wait3A, %dma_wait3A_49] : memref<2x10240x64xf32, #tpu.memory_space<hbm>> -> memref<1x10240x64xf32, #tpu.memory_space<hbm>>
      %dma_wait3A_51 = tpu.memref_squeeze %dma_wait3A_50 : memref<1x10240x64xf32, #tpu.memory_space<hbm>> -> memref<10240x64xf32, #tpu.memory_space<hbm>>
      %dma_wait3A_52 = arith.constant 0 : i32
      %dma_wait3A_53 = tpu.memref_slice %dma_wait3A_51[%mul3A_10, %dma_wait3A_52] : memref<10240x64xf32, #tpu.memory_space<hbm>> -> memref<640x64xf32, #tpu.memory_space<hbm>>
      %dma_wait3A_54 = arith.constant 0 : i32
      %dma_wait3A_55 = tpu.memref_slice %arg6[%mul3A_10, %dma_wait3A_54] : memref<10240x64xf32, #tpu.memory_space<vmem_shared>> -> memref<640x64xf32, #tpu.memory_space<vmem_shared>>
      tpu.wait_dma2 semaphore(%run_scoped3A : memref<!tpu.dma_semaphore, #tpu.memory_space<semaphore_mem>>) src(%dma_wait3A_55 : memref<640x64xf32, #tpu.memory_space<vmem_shared>>) dst(%dma_wait3A_53 : memref<640x64xf32, #tpu.memory_space<hbm>>)
      tpu.yield
    }) : () -> ()
    return
  }
}

#map = affine_map<(d0, d1) -> (0, 0)>
#map1 = affine_map<(d0, d1) -> (0, 0, 0)>
module attributes {stable_mosaic.version = 14 : i64} {
  func.func @_msg_kernel(%arg0: i32, %arg1: i32, %arg2: memref<10240x128xf32, #tpu.memory_space<hbm>>, %arg3: memref<2560x128xi32, #tpu.memory_space<hbm>>, %arg4: memref<2560x128xi32, #tpu.memory_space<hbm>>, %arg5: memref<2x10240x128xf32, #tpu.memory_space<hbm>>, %arg6: memref<2x16x128xi32, #tpu.memory_space<vmem>>, %arg7: memref<2x16x128xi32, #tpu.memory_space<vmem>>, %arg8: memref<128x128xf32, #tpu.memory_space<vmem>>, %arg9: memref<128x128xf32, #tpu.memory_space<vmem>>, %arg10: memref<10240x128xf32, #tpu.memory_space<vmem_shared>>, %arg11: memref<!tpu.dma_semaphore, #tpu.memory_space<semaphore_mem>>, %arg12: memref<!tpu.dma_semaphore, #tpu.memory_space<semaphore_mem>>) attributes {dimension_semantics = [#tpu.dimension_semantics<core_parallel>, #tpu.dimension_semantics<subcore_parallel>], iteration_bounds = array<i64: 2, 16>, scalar_prefetch = 0 : i64, scratch_operands = 7 : i64, tpu.core_type = #tpu.core_type<sc_vector_subcore>, window_params = [{transform_indices = #map}, {transform_indices = #map}, {transform_indices = #map}, {transform_indices = #map1}]} {
    %mul3A = arith.constant 2 : i32
    %mul3A_0 = arith.muli %arg1, %mul3A : i32
    %add3A = arith.addi %mul3A_0, %arg0 : i32
    %broadcast_in_dim3A = arith.constant 0.000000e+00 : f32
    %broadcast_in_dim3A_1 = vector.broadcast %broadcast_in_dim3A : f32 to vector<16xf32>
    %scan3A = arith.constant 0 : i32
    %scan3A_2 = arith.constant 0 : i32
    %scan3A_3 = arith.constant 128 : i32
    %scan3A_4 = arith.addi %scan3A_2, %scan3A_3 : i32
    %scan3A_5 = arith.constant 1 : i32
    scf.for %scan3A_44 = %scan3A_2 to %scan3A_4 step %scan3A_5  : i32 {
      %swap3A = arith.index_cast %scan3A_44 : i32 to index
      %swap3A_45 = arith.constant 0 : index
      %swap3A_46 = tpu.vector_load %arg8[%swap3A, %swap3A_45] {strides = array<i32>} : memref<128x128xf32, #tpu.memory_space<vmem>>, vector<1x16xf32>,
      %swap3A_47 = vector.shape_cast %swap3A_46 : vector<1x16xf32> to vector<16xf32>
      %swap3A_48 = vector.shape_cast %broadcast_in_dim3A_1 : vector<16xf32> to vector<1x16xf32>
      tpu.vector_store %arg8[%swap3A, %swap3A_45], %swap3A_48 {strides = array<i32>} : memref<128x128xf32, #tpu.memory_space<vmem>>, vector<1x16xf32>,
      %swap3A_49 = arith.index_cast %scan3A_44 : i32 to index
      %swap3A_50 = arith.constant 16 : index
      %swap3A_51 = tpu.vector_load %arg8[%swap3A_49, %swap3A_50] {strides = array<i32>} : memref<128x128xf32, #tpu.memory_space<vmem>>, vector<1x16xf32>,
      %swap3A_52 = vector.shape_cast %swap3A_51 : vector<1x16xf32> to vector<16xf32>
      %swap3A_53 = vector.shape_cast %broadcast_in_dim3A_1 : vector<16xf32> to vector<1x16xf32>
      tpu.vector_store %arg8[%swap3A_49, %swap3A_50], %swap3A_53 {strides = array<i32>} : memref<128x128xf32, #tpu.memory_space<vmem>>, vector<1x16xf32>,
      %swap3A_54 = arith.index_cast %scan3A_44 : i32 to index
      %swap3A_55 = arith.constant 32 : index
      %swap3A_56 = tpu.vector_load %arg8[%swap3A_54, %swap3A_55] {strides = array<i32>} : memref<128x128xf32, #tpu.memory_space<vmem>>, vector<1x16xf32>,
      %swap3A_57 = vector.shape_cast %swap3A_56 : vector<1x16xf32> to vector<16xf32>
      %swap3A_58 = vector.shape_cast %broadcast_in_dim3A_1 : vector<16xf32> to vector<1x16xf32>
      tpu.vector_store %arg8[%swap3A_54, %swap3A_55], %swap3A_58 {strides = array<i32>} : memref<128x128xf32, #tpu.memory_space<vmem>>, vector<1x16xf32>,
      %swap3A_59 = arith.index_cast %scan3A_44 : i32 to index
      %swap3A_60 = arith.constant 48 : index
      %swap3A_61 = tpu.vector_load %arg8[%swap3A_59, %swap3A_60] {strides = array<i32>} : memref<128x128xf32, #tpu.memory_space<vmem>>, vector<1x16xf32>,
      %swap3A_62 = vector.shape_cast %swap3A_61 : vector<1x16xf32> to vector<16xf32>
      %swap3A_63 = vector.shape_cast %broadcast_in_dim3A_1 : vector<16xf32> to vector<1x16xf32>
      tpu.vector_store %arg8[%swap3A_59, %swap3A_60], %swap3A_63 {strides = array<i32>} : memref<128x128xf32, #tpu.memory_space<vmem>>, vector<1x16xf32>,
      %swap3A_64 = arith.index_cast %scan3A_44 : i32 to index
      %swap3A_65 = arith.constant 64 : index
      %swap3A_66 = tpu.vector_load %arg8[%swap3A_64, %swap3A_65] {strides = array<i32>} : memref<128x128xf32, #tpu.memory_space<vmem>>, vector<1x16xf32>,
      %swap3A_67 = vector.shape_cast %swap3A_66 : vector<1x16xf32> to vector<16xf32>
      %swap3A_68 = vector.shape_cast %broadcast_in_dim3A_1 : vector<16xf32> to vector<1x16xf32>
      tpu.vector_store %arg8[%swap3A_64, %swap3A_65], %swap3A_68 {strides = array<i32>} : memref<128x128xf32, #tpu.memory_space<vmem>>, vector<1x16xf32>,
      %swap3A_69 = arith.index_cast %scan3A_44 : i32 to index
      %swap3A_70 = arith.constant 80 : index
      %swap3A_71 = tpu.vector_load %arg8[%swap3A_69, %swap3A_70] {strides = array<i32>} : memref<128x128xf32, #tpu.memory_space<vmem>>, vector<1x16xf32>,
      %swap3A_72 = vector.shape_cast %swap3A_71 : vector<1x16xf32> to vector<16xf32>
      %swap3A_73 = vector.shape_cast %broadcast_in_dim3A_1 : vector<16xf32> to vector<1x16xf32>
      tpu.vector_store %arg8[%swap3A_69, %swap3A_70], %swap3A_73 {strides = array<i32>} : memref<128x128xf32, #tpu.memory_space<vmem>>, vector<1x16xf32>,
      %swap3A_74 = arith.index_cast %scan3A_44 : i32 to index
      %swap3A_75 = arith.constant 96 : index
      %swap3A_76 = tpu.vector_load %arg8[%swap3A_74, %swap3A_75] {strides = array<i32>} : memref<128x128xf32, #tpu.memory_space<vmem>>, vector<1x16xf32>,
      %swap3A_77 = vector.shape_cast %swap3A_76 : vector<1x16xf32> to vector<16xf32>
      %swap3A_78 = vector.shape_cast %broadcast_in_dim3A_1 : vector<16xf32> to vector<1x16xf32>
      tpu.vector_store %arg8[%swap3A_74, %swap3A_75], %swap3A_78 {strides = array<i32>} : memref<128x128xf32, #tpu.memory_space<vmem>>, vector<1x16xf32>,
      %swap3A_79 = arith.index_cast %scan3A_44 : i32 to index
      %swap3A_80 = arith.constant 112 : index
      %swap3A_81 = tpu.vector_load %arg8[%swap3A_79, %swap3A_80] {strides = array<i32>} : memref<128x128xf32, #tpu.memory_space<vmem>>, vector<1x16xf32>,
      %swap3A_82 = vector.shape_cast %swap3A_81 : vector<1x16xf32> to vector<16xf32>
      %swap3A_83 = vector.shape_cast %broadcast_in_dim3A_1 : vector<16xf32> to vector<1x16xf32>
      tpu.vector_store %arg8[%swap3A_79, %swap3A_80], %swap3A_83 {strides = array<i32>} : memref<128x128xf32, #tpu.memory_space<vmem>>, vector<1x16xf32>,
    }
    %scan3A_6 = arith.constant 128 : i32
    %mul3A_7 = arith.constant 640 : i32
    %mul3A_8 = arith.muli %arg1, %mul3A_7 : i32
    %add3A_9 = arith.constant 0 : i32
    %add3A_10 = arith.addi %mul3A_8, %add3A_9 : i32
    "tpu.region"() ({
      %run_scoped3A_44 = tpu.sem_alloc : memref<!tpu.dma_semaphore, #tpu.memory_space<semaphore_mem>>
      %dma_start3A_45 = arith.constant 0 : i32
      %dma_start3A_46 = tpu.memref_slice %arg10[%add3A_10, %dma_start3A_45] : memref<10240x128xf32, #tpu.memory_space<vmem_shared>> -> memref<128x128xf32, #tpu.memory_space<vmem_shared>>
      %dma_start3A_47 = arith.constant 0 : i32
      %dma_start3A_48 = tpu.memref_slice %arg10[%add3A_10, %dma_start3A_47] : memref<10240x128xf32, #tpu.memory_space<vmem_shared>> -> memref<128x128xf32, #tpu.memory_space<vmem_shared>>
      tpu.enqueue_dma source(%arg8 : memref<128x128xf32, #tpu.memory_space<vmem>>) target(%dma_start3A_48 : memref<128x128xf32, #tpu.memory_space<vmem_shared>>) target_semaphore(%run_scoped3A_44 : memref<!tpu.dma_semaphore, #tpu.memory_space<semaphore_mem>>)
      %dma_wait3A = arith.constant 0 : i32
      %dma_wait3A_49 = tpu.memref_slice %arg10[%add3A_10, %dma_wait3A] : memref<10240x128xf32, #tpu.memory_space<vmem_shared>> -> memref<128x128xf32, #tpu.memory_space<vmem_shared>>
      %dma_wait3A_50 = arith.constant 0 : i32
      %dma_wait3A_51 = tpu.memref_slice %arg10[%add3A_10, %dma_wait3A_50] : memref<10240x128xf32, #tpu.memory_space<vmem_shared>> -> memref<128x128xf32, #tpu.memory_space<vmem_shared>>
      tpu.wait_dma2 semaphore(%run_scoped3A_44 : memref<!tpu.dma_semaphore, #tpu.memory_space<semaphore_mem>>) src(%arg8 : memref<128x128xf32, #tpu.memory_space<vmem>>) dst(%dma_wait3A_51 : memref<128x128xf32, #tpu.memory_space<vmem_shared>>)
      tpu.yield
    }) : () -> ()
    %add3A_11 = arith.constant 128 : i32
    %add3A_12 = arith.addi %mul3A_8, %add3A_11 : i32
    "tpu.region"() ({
      %run_scoped3A_44 = tpu.sem_alloc : memref<!tpu.dma_semaphore, #tpu.memory_space<semaphore_mem>>
      %dma_start3A_45 = arith.constant 0 : i32
      %dma_start3A_46 = tpu.memref_slice %arg10[%add3A_12, %dma_start3A_45] : memref<10240x128xf32, #tpu.memory_space<vmem_shared>> -> memref<128x128xf32, #tpu.memory_space<vmem_shared>>
      %dma_start3A_47 = arith.constant 0 : i32
      %dma_start3A_48 = tpu.memref_slice %arg10[%add3A_12, %dma_start3A_47] : memref<10240x128xf32, #tpu.memory_space<vmem_shared>> -> memref<128x128xf32, #tpu.memory_space<vmem_shared>>
      tpu.enqueue_dma source(%arg8 : memref<128x128xf32, #tpu.memory_space<vmem>>) target(%dma_start3A_48 : memref<128x128xf32, #tpu.memory_space<vmem_shared>>) target_semaphore(%run_scoped3A_44 : memref<!tpu.dma_semaphore, #tpu.memory_space<semaphore_mem>>)
      %dma_wait3A = arith.constant 0 : i32
      %dma_wait3A_49 = tpu.memref_slice %arg10[%add3A_12, %dma_wait3A] : memref<10240x128xf32, #tpu.memory_space<vmem_shared>> -> memref<128x128xf32, #tpu.memory_space<vmem_shared>>
      %dma_wait3A_50 = arith.constant 0 : i32
      %dma_wait3A_51 = tpu.memref_slice %arg10[%add3A_12, %dma_wait3A_50] : memref<10240x128xf32, #tpu.memory_space<vmem_shared>> -> memref<128x128xf32, #tpu.memory_space<vmem_shared>>
      tpu.wait_dma2 semaphore(%run_scoped3A_44 : memref<!tpu.dma_semaphore, #tpu.memory_space<semaphore_mem>>) src(%arg8 : memref<128x128xf32, #tpu.memory_space<vmem>>) dst(%dma_wait3A_51 : memref<128x128xf32, #tpu.memory_space<vmem_shared>>)
      tpu.yield
    }) : () -> ()
    %add3A_13 = arith.constant 256 : i32
    %add3A_14 = arith.addi %mul3A_8, %add3A_13 : i32
    "tpu.region"() ({
      %run_scoped3A_44 = tpu.sem_alloc : memref<!tpu.dma_semaphore, #tpu.memory_space<semaphore_mem>>
      %dma_start3A_45 = arith.constant 0 : i32
      %dma_start3A_46 = tpu.memref_slice %arg10[%add3A_14, %dma_start3A_45] : memref<10240x128xf32, #tpu.memory_space<vmem_shared>> -> memref<128x128xf32, #tpu.memory_space<vmem_shared>>
      %dma_start3A_47 = arith.constant 0 : i32
      %dma_start3A_48 = tpu.memref_slice %arg10[%add3A_14, %dma_start3A_47] : memref<10240x128xf32, #tpu.memory_space<vmem_shared>> -> memref<128x128xf32, #tpu.memory_space<vmem_shared>>
      tpu.enqueue_dma source(%arg8 : memref<128x128xf32, #tpu.memory_space<vmem>>) target(%dma_start3A_48 : memref<128x128xf32, #tpu.memory_space<vmem_shared>>) target_semaphore(%run_scoped3A_44 : memref<!tpu.dma_semaphore, #tpu.memory_space<semaphore_mem>>)
      %dma_wait3A = arith.constant 0 : i32
      %dma_wait3A_49 = tpu.memref_slice %arg10[%add3A_14, %dma_wait3A] : memref<10240x128xf32, #tpu.memory_space<vmem_shared>> -> memref<128x128xf32, #tpu.memory_space<vmem_shared>>
      %dma_wait3A_50 = arith.constant 0 : i32
      %dma_wait3A_51 = tpu.memref_slice %arg10[%add3A_14, %dma_wait3A_50] : memref<10240x128xf32, #tpu.memory_space<vmem_shared>> -> memref<128x128xf32, #tpu.memory_space<vmem_shared>>
      tpu.wait_dma2 semaphore(%run_scoped3A_44 : memref<!tpu.dma_semaphore, #tpu.memory_space<semaphore_mem>>) src(%arg8 : memref<128x128xf32, #tpu.memory_space<vmem>>) dst(%dma_wait3A_51 : memref<128x128xf32, #tpu.memory_space<vmem_shared>>)
      tpu.yield
    }) : () -> ()
    %add3A_15 = arith.constant 384 : i32
    %add3A_16 = arith.addi %mul3A_8, %add3A_15 : i32
    "tpu.region"() ({
      %run_scoped3A_44 = tpu.sem_alloc : memref<!tpu.dma_semaphore, #tpu.memory_space<semaphore_mem>>
      %dma_start3A_45 = arith.constant 0 : i32
      %dma_start3A_46 = tpu.memref_slice %arg10[%add3A_16, %dma_start3A_45] : memref<10240x128xf32, #tpu.memory_space<vmem_shared>> -> memref<128x128xf32, #tpu.memory_space<vmem_shared>>
      %dma_start3A_47 = arith.constant 0 : i32
      %dma_start3A_48 = tpu.memref_slice %arg10[%add3A_16, %dma_start3A_47] : memref<10240x128xf32, #tpu.memory_space<vmem_shared>> -> memref<128x128xf32, #tpu.memory_space<vmem_shared>>
      tpu.enqueue_dma source(%arg8 : memref<128x128xf32, #tpu.memory_space<vmem>>) target(%dma_start3A_48 : memref<128x128xf32, #tpu.memory_space<vmem_shared>>) target_semaphore(%run_scoped3A_44 : memref<!tpu.dma_semaphore, #tpu.memory_space<semaphore_mem>>)
      %dma_wait3A = arith.constant 0 : i32
      %dma_wait3A_49 = tpu.memref_slice %arg10[%add3A_16, %dma_wait3A] : memref<10240x128xf32, #tpu.memory_space<vmem_shared>> -> memref<128x128xf32, #tpu.memory_space<vmem_shared>>
      %dma_wait3A_50 = arith.constant 0 : i32
      %dma_wait3A_51 = tpu.memref_slice %arg10[%add3A_16, %dma_wait3A_50] : memref<10240x128xf32, #tpu.memory_space<vmem_shared>> -> memref<128x128xf32, #tpu.memory_space<vmem_shared>>
      tpu.wait_dma2 semaphore(%run_scoped3A_44 : memref<!tpu.dma_semaphore, #tpu.memory_space<semaphore_mem>>) src(%arg8 : memref<128x128xf32, #tpu.memory_space<vmem>>) dst(%dma_wait3A_51 : memref<128x128xf32, #tpu.memory_space<vmem_shared>>)
      tpu.yield
    }) : () -> ()
    %add3A_17 = arith.constant 512 : i32
    %add3A_18 = arith.addi %mul3A_8, %add3A_17 : i32
    "tpu.region"() ({
      %run_scoped3A_44 = tpu.sem_alloc : memref<!tpu.dma_semaphore, #tpu.memory_space<semaphore_mem>>
      %dma_start3A_45 = arith.constant 0 : i32
      %dma_start3A_46 = tpu.memref_slice %arg10[%add3A_18, %dma_start3A_45] : memref<10240x128xf32, #tpu.memory_space<vmem_shared>> -> memref<128x128xf32, #tpu.memory_space<vmem_shared>>
      %dma_start3A_47 = arith.constant 0 : i32
      %dma_start3A_48 = tpu.memref_slice %arg10[%add3A_18, %dma_start3A_47] : memref<10240x128xf32, #tpu.memory_space<vmem_shared>> -> memref<128x128xf32, #tpu.memory_space<vmem_shared>>
      tpu.enqueue_dma source(%arg8 : memref<128x128xf32, #tpu.memory_space<vmem>>) target(%dma_start3A_48 : memref<128x128xf32, #tpu.memory_space<vmem_shared>>) target_semaphore(%run_scoped3A_44 : memref<!tpu.dma_semaphore, #tpu.memory_space<semaphore_mem>>)
      %dma_wait3A = arith.constant 0 : i32
      %dma_wait3A_49 = tpu.memref_slice %arg10[%add3A_18, %dma_wait3A] : memref<10240x128xf32, #tpu.memory_space<vmem_shared>> -> memref<128x128xf32, #tpu.memory_space<vmem_shared>>
      %dma_wait3A_50 = arith.constant 0 : i32
      %dma_wait3A_51 = tpu.memref_slice %arg10[%add3A_18, %dma_wait3A_50] : memref<10240x128xf32, #tpu.memory_space<vmem_shared>> -> memref<128x128xf32, #tpu.memory_space<vmem_shared>>
      tpu.wait_dma2 semaphore(%run_scoped3A_44 : memref<!tpu.dma_semaphore, #tpu.memory_space<semaphore_mem>>) src(%arg8 : memref<128x128xf32, #tpu.memory_space<vmem>>) dst(%dma_wait3A_51 : memref<128x128xf32, #tpu.memory_space<vmem_shared>>)
      tpu.yield
    }) : () -> ()
    %barrier3A = arith.constant 0 : index
    tpu.barrier barrier_id(%barrier3A)
    %mul3A_19 = arith.constant 80 : i32
    %mul3A_20 = arith.muli %add3A, %mul3A_19 : i32
    %run_scoped3A = arith.constant 0 : i32
    "tpu.region"() ({
      %run_scoped3A_44 = tpu.sem_alloc : memref<!tpu.dma_semaphore, #tpu.memory_space<semaphore_mem>>
      %dma_start3A_45 = arith.constant 0 : i32
      %dma_start3A_46 = arith.constant 0 : i32
      %dma_start3A_47 = tpu.memref_slice %arg6[%run_scoped3A, %dma_start3A_45, %dma_start3A_46] : memref<2x16x128xi32, #tpu.memory_space<vmem>> -> memref<1x16x128xi32, #tpu.memory_space<vmem>>
      %dma_start3A_48 = tpu.memref_squeeze %dma_start3A_47 : memref<1x16x128xi32, #tpu.memory_space<vmem>> -> memref<16x128xi32, #tpu.memory_space<vmem>>
      %dma_start3A_49 = arith.constant 0 : i32
      %dma_start3A_50 = tpu.memref_slice %arg3[%mul3A_20, %dma_start3A_49] : memref<2560x128xi32, #tpu.memory_space<hbm>> -> memref<16x128xi32, #tpu.memory_space<hbm>>
      %dma_start3A_51 = arith.constant 0 : i32
      %dma_start3A_52 = arith.constant 0 : i32
      %dma_start3A_53 = tpu.memref_slice %arg6[%run_scoped3A, %dma_start3A_51, %dma_start3A_52] : memref<2x16x128xi32, #tpu.memory_space<vmem>> -> memref<1x16x128xi32, #tpu.memory_space<vmem>>
      %dma_start3A_54 = tpu.memref_squeeze %dma_start3A_53 : memref<1x16x128xi32, #tpu.memory_space<vmem>> -> memref<16x128xi32, #tpu.memory_space<vmem>>
      %dma_start3A_55 = arith.constant 0 : i32
      %dma_start3A_56 = tpu.memref_slice %arg3[%mul3A_20, %dma_start3A_55] : memref<2560x128xi32, #tpu.memory_space<hbm>> -> memref<16x128xi32, #tpu.memory_space<hbm>>
      tpu.enqueue_dma source(%dma_start3A_56 : memref<16x128xi32, #tpu.memory_space<hbm>>) target(%dma_start3A_54 : memref<16x128xi32, #tpu.memory_space<vmem>>) target_semaphore(%run_scoped3A_44 : memref<!tpu.dma_semaphore, #tpu.memory_space<semaphore_mem>>)
      %dma_wait3A = arith.constant 0 : i32
      %dma_wait3A_57 = arith.constant 0 : i32
      %dma_wait3A_58 = tpu.memref_slice %arg6[%run_scoped3A, %dma_wait3A, %dma_wait3A_57] : memref<2x16x128xi32, #tpu.memory_space<vmem>> -> memref<1x16x128xi32, #tpu.memory_space<vmem>>
      %dma_wait3A_59 = tpu.memref_squeeze %dma_wait3A_58 : memref<1x16x128xi32, #tpu.memory_space<vmem>> -> memref<16x128xi32, #tpu.memory_space<vmem>>
      %dma_wait3A_60 = arith.constant 0 : i32
      %dma_wait3A_61 = tpu.memref_slice %arg3[%mul3A_20, %dma_wait3A_60] : memref<2560x128xi32, #tpu.memory_space<hbm>> -> memref<16x128xi32, #tpu.memory_space<hbm>>
      %dma_wait3A_62 = arith.constant 0 : i32
      %dma_wait3A_63 = arith.constant 0 : i32
      %dma_wait3A_64 = tpu.memref_slice %arg6[%run_scoped3A, %dma_wait3A_62, %dma_wait3A_63] : memref<2x16x128xi32, #tpu.memory_space<vmem>> -> memref<1x16x128xi32, #tpu.memory_space<vmem>>
      %dma_wait3A_65 = tpu.memref_squeeze %dma_wait3A_64 : memref<1x16x128xi32, #tpu.memory_space<vmem>> -> memref<16x128xi32, #tpu.memory_space<vmem>>
      %dma_wait3A_66 = arith.constant 0 : i32
      %dma_wait3A_67 = tpu.memref_slice %arg3[%mul3A_20, %dma_wait3A_66] : memref<2560x128xi32, #tpu.memory_space<hbm>> -> memref<16x128xi32, #tpu.memory_space<hbm>>
      tpu.wait_dma2 semaphore(%run_scoped3A_44 : memref<!tpu.dma_semaphore, #tpu.memory_space<semaphore_mem>>) src(%dma_wait3A_67 : memref<16x128xi32, #tpu.memory_space<hbm>>) dst(%dma_wait3A_65 : memref<16x128xi32, #tpu.memory_space<vmem>>)
      tpu.yield
    }) : () -> ()
    %run_scoped3A_21 = arith.constant 0 : i32
    "tpu.region"() ({
      %run_scoped3A_44 = tpu.sem_alloc : memref<!tpu.dma_semaphore, #tpu.memory_space<semaphore_mem>>
      %dma_start3A_45 = arith.constant 0 : i32
      %dma_start3A_46 = arith.constant 0 : i32
      %dma_start3A_47 = tpu.memref_slice %arg7[%run_scoped3A_21, %dma_start3A_45, %dma_start3A_46] : memref<2x16x128xi32, #tpu.memory_space<vmem>> -> memref<1x16x128xi32, #tpu.memory_space<vmem>>
      %dma_start3A_48 = tpu.memref_squeeze %dma_start3A_47 : memref<1x16x128xi32, #tpu.memory_space<vmem>> -> memref<16x128xi32, #tpu.memory_space<vmem>>
      %dma_start3A_49 = arith.constant 0 : i32
      %dma_start3A_50 = tpu.memref_slice %arg4[%mul3A_20, %dma_start3A_49] : memref<2560x128xi32, #tpu.memory_space<hbm>> -> memref<16x128xi32, #tpu.memory_space<hbm>>
      %dma_start3A_51 = arith.constant 0 : i32
      %dma_start3A_52 = arith.constant 0 : i32
      %dma_start3A_53 = tpu.memref_slice %arg7[%run_scoped3A_21, %dma_start3A_51, %dma_start3A_52] : memref<2x16x128xi32, #tpu.memory_space<vmem>> -> memref<1x16x128xi32, #tpu.memory_space<vmem>>
      %dma_start3A_54 = tpu.memref_squeeze %dma_start3A_53 : memref<1x16x128xi32, #tpu.memory_space<vmem>> -> memref<16x128xi32, #tpu.memory_space<vmem>>
      %dma_start3A_55 = arith.constant 0 : i32
      %dma_start3A_56 = tpu.memref_slice %arg4[%mul3A_20, %dma_start3A_55] : memref<2560x128xi32, #tpu.memory_space<hbm>> -> memref<16x128xi32, #tpu.memory_space<hbm>>
      tpu.enqueue_dma source(%dma_start3A_56 : memref<16x128xi32, #tpu.memory_space<hbm>>) target(%dma_start3A_54 : memref<16x128xi32, #tpu.memory_space<vmem>>) target_semaphore(%run_scoped3A_44 : memref<!tpu.dma_semaphore, #tpu.memory_space<semaphore_mem>>)
      %dma_wait3A = arith.constant 0 : i32
      %dma_wait3A_57 = arith.constant 0 : i32
      %dma_wait3A_58 = tpu.memref_slice %arg7[%run_scoped3A_21, %dma_wait3A, %dma_wait3A_57] : memref<2x16x128xi32, #tpu.memory_space<vmem>> -> memref<1x16x128xi32, #tpu.memory_space<vmem>>
      %dma_wait3A_59 = tpu.memref_squeeze %dma_wait3A_58 : memref<1x16x128xi32, #tpu.memory_space<vmem>> -> memref<16x128xi32, #tpu.memory_space<vmem>>
      %dma_wait3A_60 = arith.constant 0 : i32
      %dma_wait3A_61 = tpu.memref_slice %arg4[%mul3A_20, %dma_wait3A_60] : memref<2560x128xi32, #tpu.memory_space<hbm>> -> memref<16x128xi32, #tpu.memory_space<hbm>>
      %dma_wait3A_62 = arith.constant 0 : i32
      %dma_wait3A_63 = arith.constant 0 : i32
      %dma_wait3A_64 = tpu.memref_slice %arg7[%run_scoped3A_21, %dma_wait3A_62, %dma_wait3A_63] : memref<2x16x128xi32, #tpu.memory_space<vmem>> -> memref<1x16x128xi32, #tpu.memory_space<vmem>>
      %dma_wait3A_65 = tpu.memref_squeeze %dma_wait3A_64 : memref<1x16x128xi32, #tpu.memory_space<vmem>> -> memref<16x128xi32, #tpu.memory_space<vmem>>
      %dma_wait3A_66 = arith.constant 0 : i32
      %dma_wait3A_67 = tpu.memref_slice %arg4[%mul3A_20, %dma_wait3A_66] : memref<2560x128xi32, #tpu.memory_space<hbm>> -> memref<16x128xi32, #tpu.memory_space<hbm>>
      tpu.wait_dma2 semaphore(%run_scoped3A_44 : memref<!tpu.dma_semaphore, #tpu.memory_space<semaphore_mem>>) src(%dma_wait3A_67 : memref<16x128xi32, #tpu.memory_space<hbm>>) dst(%dma_wait3A_65 : memref<16x128xi32, #tpu.memory_space<vmem>>)
      tpu.yield
    }) : () -> ()
    %dma_start3A = arith.constant 0 : i32
    %dma_start3A_22 = arith.constant 0 : i32
    %dma_start3A_23 = arith.constant 0 : i32
    %dma_start3A_24 = tpu.memref_slice %arg6[%dma_start3A, %dma_start3A_22, %dma_start3A_23] : memref<2x16x128xi32, #tpu.memory_space<vmem>> -> memref<1x1x128xi32, #tpu.memory_space<vmem>>
    %dma_start3A_25 = tpu.memref_squeeze %dma_start3A_24 : memref<1x1x128xi32, #tpu.memory_space<vmem>> -> memref<128xi32, #tpu.memory_space<vmem>>
    %dma_start3A_26 = arith.constant 0 : i32
    %dma_start3A_27 = arith.constant 0 : i32
    %dma_start3A_28 = tpu.memref_slice %arg2[%dma_start3A_26, %dma_start3A_27] : memref<10240x128xf32, #tpu.memory_space<hbm>> -> memref<10240x128xf32, #tpu.memory_space<hbm>>
    tpu.enqueue_indirect_dma source(%dma_start3A_28 : memref<10240x128xf32, #tpu.memory_space<hbm>>) target(%arg8 : memref<128x128xf32, #tpu.memory_space<vmem>>) offsets(%dma_start3A_25 : memref<128xi32, #tpu.memory_space<vmem>>) semaphore(%arg11 : memref<!tpu.dma_semaphore, #tpu.memory_space<semaphore_mem>>)
    %dma_start3A_29 = arith.constant 0 : i32
    %dma_start3A_30 = arith.constant 1 : i32
    %dma_start3A_31 = arith.constant 0 : i32
    %dma_start3A_32 = tpu.memref_slice %arg6[%dma_start3A_29, %dma_start3A_30, %dma_start3A_31] : memref<2x16x128xi32, #tpu.memory_space<vmem>> -> memref<1x1x128xi32, #tpu.memory_space<vmem>>
    %dma_start3A_33 = tpu.memref_squeeze %dma_start3A_32 : memref<1x1x128xi32, #tpu.memory_space<vmem>> -> memref<128xi32, #tpu.memory_space<vmem>>
    %dma_start3A_34 = arith.constant 0 : i32
    %dma_start3A_35 = arith.constant 0 : i32
    %dma_start3A_36 = tpu.memref_slice %arg2[%dma_start3A_34, %dma_start3A_35] : memref<10240x128xf32, #tpu.memory_space<hbm>> -> memref<10240x128xf32, #tpu.memory_space<hbm>>
    tpu.enqueue_indirect_dma source(%dma_start3A_36 : memref<10240x128xf32, #tpu.memory_space<hbm>>) target(%arg9 : memref<128x128xf32, #tpu.memory_space<vmem>>) offsets(%dma_start3A_33 : memref<128xi32, #tpu.memory_space<vmem>>) semaphore(%arg12 : memref<!tpu.dma_semaphore, #tpu.memory_space<semaphore_mem>>)
    %scan3A_37 = arith.constant 0 : i32
    %scan3A_38 = arith.constant 0 : i32
    %scan3A_39 = arith.constant 5 : i32
    %scan3A_40 = arith.addi %scan3A_38, %scan3A_39 : i32
    %scan3A_41 = arith.constant 1 : i32
    scf.for %scan3A_44 = %scan3A_38 to %scan3A_40 step %scan3A_41  : i32 {
      %rem3A = arith.constant 2 : i32
      %rem3A_45 = arith.remsi %scan3A_44, %rem3A : i32
      %add3A_46 = arith.constant 1 : i32
      %add3A_47 = arith.addi %scan3A_44, %add3A_46 : i32
      %rem3A_48 = arith.constant 2 : i32
      %rem3A_49 = arith.remsi %add3A_47, %rem3A_48 : i32
      %add3A_50 = arith.constant 1 : i32
      %add3A_51 = arith.addi %scan3A_44, %add3A_50 : i32
      %lt3A = arith.constant 5 : i32
      %lt3A_52 = arith.cmpi slt, %add3A_51, %lt3A : i32
      %convert_element_type3A = arith.extui %lt3A_52 : i1 to i32
      %cond3A = arith.constant 0 : i32
      %cond3A_53 = arith.cmpi ne, %convert_element_type3A, %cond3A : i32
      scf.if %cond3A_53 {
        %add3A_91 = arith.constant 1 : i32
        %add3A_92 = arith.addi %scan3A_44, %add3A_91 : i32
        %mul3A_93 = arith.constant 16 : i32
        %mul3A_94 = arith.muli %add3A_92, %mul3A_93 : i32
        %add3A_95 = arith.addi %mul3A_20, %mul3A_94 : i32
        "tpu.region"() ({
          %run_scoped3A_101 = tpu.sem_alloc : memref<!tpu.dma_semaphore, #tpu.memory_space<semaphore_mem>>
          %dma_start3A_102 = arith.constant 0 : i32
          %dma_start3A_103 = arith.constant 0 : i32
          %dma_start3A_104 = tpu.memref_slice %arg6[%rem3A_49, %dma_start3A_102, %dma_start3A_103] : memref<2x16x128xi32, #tpu.memory_space<vmem>> -> memref<1x16x128xi32, #tpu.memory_space<vmem>>
          %dma_start3A_105 = tpu.memref_squeeze %dma_start3A_104 : memref<1x16x128xi32, #tpu.memory_space<vmem>> -> memref<16x128xi32, #tpu.memory_space<vmem>>
          %dma_start3A_106 = arith.constant 0 : i32
          %dma_start3A_107 = tpu.memref_slice %arg3[%add3A_95, %dma_start3A_106] : memref<2560x128xi32, #tpu.memory_space<hbm>> -> memref<16x128xi32, #tpu.memory_space<hbm>>
          %dma_start3A_108 = arith.constant 0 : i32
          %dma_start3A_109 = arith.constant 0 : i32
          %dma_start3A_110 = tpu.memref_slice %arg6[%rem3A_49, %dma_start3A_108, %dma_start3A_109] : memref<2x16x128xi32, #tpu.memory_space<vmem>> -> memref<1x16x128xi32, #tpu.memory_space<vmem>>
          %dma_start3A_111 = tpu.memref_squeeze %dma_start3A_110 : memref<1x16x128xi32, #tpu.memory_space<vmem>> -> memref<16x128xi32, #tpu.memory_space<vmem>>
          %dma_start3A_112 = arith.constant 0 : i32
          %dma_start3A_113 = tpu.memref_slice %arg3[%add3A_95, %dma_start3A_112] : memref<2560x128xi32, #tpu.memory_space<hbm>> -> memref<16x128xi32, #tpu.memory_space<hbm>>
          tpu.enqueue_dma source(%dma_start3A_113 : memref<16x128xi32, #tpu.memory_space<hbm>>) target(%dma_start3A_111 : memref<16x128xi32, #tpu.memory_space<vmem>>) target_semaphore(%run_scoped3A_101 : memref<!tpu.dma_semaphore, #tpu.memory_space<semaphore_mem>>)
          %dma_wait3A_114 = arith.constant 0 : i32
          %dma_wait3A_115 = arith.constant 0 : i32
          %dma_wait3A_116 = tpu.memref_slice %arg6[%rem3A_49, %dma_wait3A_114, %dma_wait3A_115] : memref<2x16x128xi32, #tpu.memory_space<vmem>> -> memref<1x16x128xi32, #tpu.memory_space<vmem>>
          %dma_wait3A_117 = tpu.memref_squeeze %dma_wait3A_116 : memref<1x16x128xi32, #tpu.memory_space<vmem>> -> memref<16x128xi32, #tpu.memory_space<vmem>>
          %dma_wait3A_118 = arith.constant 0 : i32
          %dma_wait3A_119 = tpu.memref_slice %arg3[%add3A_95, %dma_wait3A_118] : memref<2560x128xi32, #tpu.memory_space<hbm>> -> memref<16x128xi32, #tpu.memory_space<hbm>>
          %dma_wait3A_120 = arith.constant 0 : i32
          %dma_wait3A_121 = arith.constant 0 : i32
          %dma_wait3A_122 = tpu.memref_slice %arg6[%rem3A_49, %dma_wait3A_120, %dma_wait3A_121] : memref<2x16x128xi32, #tpu.memory_space<vmem>> -> memref<1x16x128xi32, #tpu.memory_space<vmem>>
          %dma_wait3A_123 = tpu.memref_squeeze %dma_wait3A_122 : memref<1x16x128xi32, #tpu.memory_space<vmem>> -> memref<16x128xi32, #tpu.memory_space<vmem>>
          %dma_wait3A_124 = arith.constant 0 : i32
          %dma_wait3A_125 = tpu.memref_slice %arg3[%add3A_95, %dma_wait3A_124] : memref<2560x128xi32, #tpu.memory_space<hbm>> -> memref<16x128xi32, #tpu.memory_space<hbm>>
          tpu.wait_dma2 semaphore(%run_scoped3A_101 : memref<!tpu.dma_semaphore, #tpu.memory_space<semaphore_mem>>) src(%dma_wait3A_125 : memref<16x128xi32, #tpu.memory_space<hbm>>) dst(%dma_wait3A_123 : memref<16x128xi32, #tpu.memory_space<vmem>>)
          tpu.yield
        }) : () -> ()
        %add3A_96 = arith.constant 1 : i32
        %add3A_97 = arith.addi %scan3A_44, %add3A_96 : i32
        %mul3A_98 = arith.constant 16 : i32
        %mul3A_99 = arith.muli %add3A_97, %mul3A_98 : i32
        %add3A_100 = arith.addi %mul3A_20, %mul3A_99 : i32
        "tpu.region"() ({
          %run_scoped3A_101 = tpu.sem_alloc : memref<!tpu.dma_semaphore, #tpu.memory_space<semaphore_mem>>
          %dma_start3A_102 = arith.constant 0 : i32
          %dma_start3A_103 = arith.constant 0 : i32
          %dma_start3A_104 = tpu.memref_slice %arg7[%rem3A_49, %dma_start3A_102, %dma_start3A_103] : memref<2x16x128xi32, #tpu.memory_space<vmem>> -> memref<1x16x128xi32, #tpu.memory_space<vmem>>
          %dma_start3A_105 = tpu.memref_squeeze %dma_start3A_104 : memref<1x16x128xi32, #tpu.memory_space<vmem>> -> memref<16x128xi32, #tpu.memory_space<vmem>>
          %dma_start3A_106 = arith.constant 0 : i32
          %dma_start3A_107 = tpu.memref_slice %arg4[%add3A_100, %dma_start3A_106] : memref<2560x128xi32, #tpu.memory_space<hbm>> -> memref<16x128xi32, #tpu.memory_space<hbm>>
          %dma_start3A_108 = arith.constant 0 : i32
          %dma_start3A_109 = arith.constant 0 : i32
          %dma_start3A_110 = tpu.memref_slice %arg7[%rem3A_49, %dma_start3A_108, %dma_start3A_109] : memref<2x16x128xi32, #tpu.memory_space<vmem>> -> memref<1x16x128xi32, #tpu.memory_space<vmem>>
          %dma_start3A_111 = tpu.memref_squeeze %dma_start3A_110 : memref<1x16x128xi32, #tpu.memory_space<vmem>> -> memref<16x128xi32, #tpu.memory_space<vmem>>
          %dma_start3A_112 = arith.constant 0 : i32
          %dma_start3A_113 = tpu.memref_slice %arg4[%add3A_100, %dma_start3A_112] : memref<2560x128xi32, #tpu.memory_space<hbm>> -> memref<16x128xi32, #tpu.memory_space<hbm>>
          tpu.enqueue_dma source(%dma_start3A_113 : memref<16x128xi32, #tpu.memory_space<hbm>>) target(%dma_start3A_111 : memref<16x128xi32, #tpu.memory_space<vmem>>) target_semaphore(%run_scoped3A_101 : memref<!tpu.dma_semaphore, #tpu.memory_space<semaphore_mem>>)
          %dma_wait3A_114 = arith.constant 0 : i32
          %dma_wait3A_115 = arith.constant 0 : i32
          %dma_wait3A_116 = tpu.memref_slice %arg7[%rem3A_49, %dma_wait3A_114, %dma_wait3A_115] : memref<2x16x128xi32, #tpu.memory_space<vmem>> -> memref<1x16x128xi32, #tpu.memory_space<vmem>>
          %dma_wait3A_117 = tpu.memref_squeeze %dma_wait3A_116 : memref<1x16x128xi32, #tpu.memory_space<vmem>> -> memref<16x128xi32, #tpu.memory_space<vmem>>
          %dma_wait3A_118 = arith.constant 0 : i32
          %dma_wait3A_119 = tpu.memref_slice %arg4[%add3A_100, %dma_wait3A_118] : memref<2560x128xi32, #tpu.memory_space<hbm>> -> memref<16x128xi32, #tpu.memory_space<hbm>>
          %dma_wait3A_120 = arith.constant 0 : i32
          %dma_wait3A_121 = arith.constant 0 : i32
          %dma_wait3A_122 = tpu.memref_slice %arg7[%rem3A_49, %dma_wait3A_120, %dma_wait3A_121] : memref<2x16x128xi32, #tpu.memory_space<vmem>> -> memref<1x16x128xi32, #tpu.memory_space<vmem>>
          %dma_wait3A_123 = tpu.memref_squeeze %dma_wait3A_122 : memref<1x16x128xi32, #tpu.memory_space<vmem>> -> memref<16x128xi32, #tpu.memory_space<vmem>>
          %dma_wait3A_124 = arith.constant 0 : i32
          %dma_wait3A_125 = tpu.memref_slice %arg4[%add3A_100, %dma_wait3A_124] : memref<2560x128xi32, #tpu.memory_space<hbm>> -> memref<16x128xi32, #tpu.memory_space<hbm>>
          tpu.wait_dma2 semaphore(%run_scoped3A_101 : memref<!tpu.dma_semaphore, #tpu.memory_space<semaphore_mem>>) src(%dma_wait3A_125 : memref<16x128xi32, #tpu.memory_space<hbm>>) dst(%dma_wait3A_123 : memref<16x128xi32, #tpu.memory_space<vmem>>)
          tpu.yield
        }) : () -> ()
      } else {
      }
      %scan3A_54 = arith.constant 0 : i32
      %scan3A_55 = arith.constant 0 : i32
      %scan3A_56 = arith.constant 7 : i32
      %scan3A_57 = arith.addi %scan3A_55, %scan3A_56 : i32
      %scan3A_58 = arith.constant 1 : i32
      scf.for %scan3A_91 = %scan3A_55 to %scan3A_57 step %scan3A_58  : i32 {
        %mul3A_92 = arith.constant 2 : i32
        %mul3A_93 = arith.muli %mul3A_92, %scan3A_91 : i32
        %add3A_94 = arith.constant 0 : i32
        %add3A_95 = arith.addi %mul3A_93, %add3A_94 : i32
        %dma_wait3A_96 = arith.constant 0 : i32
        %dma_wait3A_97 = arith.constant 0 : i32
        %dma_wait3A_98 = arith.constant 0 : i32
        %dma_wait3A_99 = tpu.memref_slice %arg6[%dma_wait3A_96, %dma_wait3A_97, %dma_wait3A_98] : memref<2x16x128xi32, #tpu.memory_space<vmem>> -> memref<1x1x128xi32, #tpu.memory_space<vmem>>
        %dma_wait3A_100 = tpu.memref_squeeze %dma_wait3A_99 : memref<1x1x128xi32, #tpu.memory_space<vmem>> -> memref<128xi32, #tpu.memory_space<vmem>>
        %dma_wait3A_101 = arith.constant 0 : i32
        %dma_wait3A_102 = arith.constant 0 : i32
        %dma_wait3A_103 = tpu.memref_slice %arg2[%dma_wait3A_101, %dma_wait3A_102] : memref<10240x128xf32, #tpu.memory_space<hbm>> -> memref<10240x128xf32, #tpu.memory_space<hbm>>
        tpu.wait_indirect_dma semaphore(%arg11 : memref<!tpu.dma_semaphore, #tpu.memory_space<semaphore_mem>>) src(%dma_wait3A_103 : memref<10240x128xf32, #tpu.memory_space<hbm>>) dst(%arg8 : memref<128x128xf32, #tpu.memory_space<vmem>>)
        "tpu.region"() ({
          %run_scoped3A_132 = tpu.sem_alloc : memref<!tpu.dma_semaphore, #tpu.memory_space<semaphore_mem>>
          %dma_start3A_133 = arith.constant 0 : i32
          %dma_start3A_134 = tpu.memref_slice %arg7[%rem3A_45, %add3A_95, %dma_start3A_133] : memref<2x16x128xi32, #tpu.memory_space<vmem>> -> memref<1x1x128xi32, #tpu.memory_space<vmem>>
          %dma_start3A_135 = tpu.memref_squeeze %dma_start3A_134 : memref<1x1x128xi32, #tpu.memory_space<vmem>> -> memref<128xi32, #tpu.memory_space<vmem>>
          %dma_start3A_136 = arith.constant 0 : i32
          %dma_start3A_137 = arith.constant 0 : i32
          %dma_start3A_138 = tpu.memref_slice %arg10[%dma_start3A_136, %dma_start3A_137] : memref<10240x128xf32, #tpu.memory_space<vmem_shared>> -> memref<10240x128xf32, #tpu.memory_space<vmem_shared>>
          tpu.enqueue_indirect_dma source(%arg8 : memref<128x128xf32, #tpu.memory_space<vmem>>) target(%dma_start3A_138 : memref<10240x128xf32, #tpu.memory_space<vmem_shared>>) offsets(%dma_start3A_135 : memref<128xi32, #tpu.memory_space<vmem>>) semaphore(%run_scoped3A_132 : memref<!tpu.dma_semaphore, #tpu.memory_space<semaphore_mem>>) {add = true}
          %dma_wait3A_139 = arith.constant 0 : i32
          %dma_wait3A_140 = tpu.memref_slice %arg7[%rem3A_45, %add3A_95, %dma_wait3A_139] : memref<2x16x128xi32, #tpu.memory_space<vmem>> -> memref<1x1x128xi32, #tpu.memory_space<vmem>>
          %dma_wait3A_141 = tpu.memref_squeeze %dma_wait3A_140 : memref<1x1x128xi32, #tpu.memory_space<vmem>> -> memref<128xi32, #tpu.memory_space<vmem>>
          %dma_wait3A_142 = arith.constant 0 : i32
          %dma_wait3A_143 = arith.constant 0 : i32
          %dma_wait3A_144 = tpu.memref_slice %arg10[%dma_wait3A_142, %dma_wait3A_143] : memref<10240x128xf32, #tpu.memory_space<vmem_shared>> -> memref<10240x128xf32, #tpu.memory_space<vmem_shared>>
          tpu.wait_indirect_dma semaphore(%run_scoped3A_132 : memref<!tpu.dma_semaphore, #tpu.memory_space<semaphore_mem>>) src(%arg8 : memref<128x128xf32, #tpu.memory_space<vmem>>) dst(%dma_wait3A_144 : memref<10240x128xf32, #tpu.memory_space<vmem_shared>>)
          tpu.yield
        }) : () -> ()
        %add3A_104 = arith.constant 2 : i32
        %add3A_105 = arith.addi %add3A_95, %add3A_104 : i32
        %dma_start3A_106 = arith.constant 0 : i32
        %dma_start3A_107 = tpu.memref_slice %arg6[%rem3A_45, %add3A_105, %dma_start3A_106] : memref<2x16x128xi32, #tpu.memory_space<vmem>> -> memref<1x1x128xi32, #tpu.memory_space<vmem>>
        %dma_start3A_108 = tpu.memref_squeeze %dma_start3A_107 : memref<1x1x128xi32, #tpu.memory_space<vmem>> -> memref<128xi32, #tpu.memory_space<vmem>>
        %dma_start3A_109 = arith.constant 0 : i32
        %dma_start3A_110 = arith.constant 0 : i32
        %dma_start3A_111 = tpu.memref_slice %arg2[%dma_start3A_109, %dma_start3A_110] : memref<10240x128xf32, #tpu.memory_space<hbm>> -> memref<10240x128xf32, #tpu.memory_space<hbm>>
        tpu.enqueue_indirect_dma source(%dma_start3A_111 : memref<10240x128xf32, #tpu.memory_space<hbm>>) target(%arg8 : memref<128x128xf32, #tpu.memory_space<vmem>>) offsets(%dma_start3A_108 : memref<128xi32, #tpu.memory_space<vmem>>) semaphore(%arg11 : memref<!tpu.dma_semaphore, #tpu.memory_space<semaphore_mem>>)
        %mul3A_112 = arith.constant 2 : i32
        %mul3A_113 = arith.muli %mul3A_112, %scan3A_91 : i32
        %add3A_114 = arith.constant 1 : i32
        %add3A_115 = arith.addi %mul3A_113, %add3A_114 : i32
        %dma_wait3A_116 = arith.constant 0 : i32
        %dma_wait3A_117 = arith.constant 0 : i32
        %dma_wait3A_118 = arith.constant 0 : i32
        %dma_wait3A_119 = tpu.memref_slice %arg6[%dma_wait3A_116, %dma_wait3A_117, %dma_wait3A_118] : memref<2x16x128xi32, #tpu.memory_space<vmem>> -> memref<1x1x128xi32, #tpu.memory_space<vmem>>
        %dma_wait3A_120 = tpu.memref_squeeze %dma_wait3A_119 : memref<1x1x128xi32, #tpu.memory_space<vmem>> -> memref<128xi32, #tpu.memory_space<vmem>>
        %dma_wait3A_121 = arith.constant 0 : i32
        %dma_wait3A_122 = arith.constant 0 : i32
        %dma_wait3A_123 = tpu.memref_slice %arg2[%dma_wait3A_121, %dma_wait3A_122] : memref<10240x128xf32, #tpu.memory_space<hbm>> -> memref<10240x128xf32, #tpu.memory_space<hbm>>
        tpu.wait_indirect_dma semaphore(%arg12 : memref<!tpu.dma_semaphore, #tpu.memory_space<semaphore_mem>>) src(%dma_wait3A_123 : memref<10240x128xf32, #tpu.memory_space<hbm>>) dst(%arg9 : memref<128x128xf32, #tpu.memory_space<vmem>>)
        "tpu.region"() ({
          %run_scoped3A_132 = tpu.sem_alloc : memref<!tpu.dma_semaphore, #tpu.memory_space<semaphore_mem>>
          %dma_start3A_133 = arith.constant 0 : i32
          %dma_start3A_134 = tpu.memref_slice %arg7[%rem3A_45, %add3A_115, %dma_start3A_133] : memref<2x16x128xi32, #tpu.memory_space<vmem>> -> memref<1x1x128xi32, #tpu.memory_space<vmem>>
          %dma_start3A_135 = tpu.memref_squeeze %dma_start3A_134 : memref<1x1x128xi32, #tpu.memory_space<vmem>> -> memref<128xi32, #tpu.memory_space<vmem>>
          %dma_start3A_136 = arith.constant 0 : i32
          %dma_start3A_137 = arith.constant 0 : i32
          %dma_start3A_138 = tpu.memref_slice %arg10[%dma_start3A_136, %dma_start3A_137] : memref<10240x128xf32, #tpu.memory_space<vmem_shared>> -> memref<10240x128xf32, #tpu.memory_space<vmem_shared>>
          tpu.enqueue_indirect_dma source(%arg9 : memref<128x128xf32, #tpu.memory_space<vmem>>) target(%dma_start3A_138 : memref<10240x128xf32, #tpu.memory_space<vmem_shared>>) offsets(%dma_start3A_135 : memref<128xi32, #tpu.memory_space<vmem>>) semaphore(%run_scoped3A_132 : memref<!tpu.dma_semaphore, #tpu.memory_space<semaphore_mem>>) {add = true}
          %dma_wait3A_139 = arith.constant 0 : i32
          %dma_wait3A_140 = tpu.memref_slice %arg7[%rem3A_45, %add3A_115, %dma_wait3A_139] : memref<2x16x128xi32, #tpu.memory_space<vmem>> -> memref<1x1x128xi32, #tpu.memory_space<vmem>>
          %dma_wait3A_141 = tpu.memref_squeeze %dma_wait3A_140 : memref<1x1x128xi32, #tpu.memory_space<vmem>> -> memref<128xi32, #tpu.memory_space<vmem>>
          %dma_wait3A_142 = arith.constant 0 : i32
          %dma_wait3A_143 = arith.constant 0 : i32
          %dma_wait3A_144 = tpu.memref_slice %arg10[%dma_wait3A_142, %dma_wait3A_143] : memref<10240x128xf32, #tpu.memory_space<vmem_shared>> -> memref<10240x128xf32, #tpu.memory_space<vmem_shared>>
          tpu.wait_indirect_dma semaphore(%run_scoped3A_132 : memref<!tpu.dma_semaphore, #tpu.memory_space<semaphore_mem>>) src(%arg9 : memref<128x128xf32, #tpu.memory_space<vmem>>) dst(%dma_wait3A_144 : memref<10240x128xf32, #tpu.memory_space<vmem_shared>>)
          tpu.yield
        }) : () -> ()
        %add3A_124 = arith.constant 2 : i32
        %add3A_125 = arith.addi %add3A_115, %add3A_124 : i32
        %dma_start3A_126 = arith.constant 0 : i32
        %dma_start3A_127 = tpu.memref_slice %arg6[%rem3A_45, %add3A_125, %dma_start3A_126] : memref<2x16x128xi32, #tpu.memory_space<vmem>> -> memref<1x1x128xi32, #tpu.memory_space<vmem>>
        %dma_start3A_128 = tpu.memref_squeeze %dma_start3A_127 : memref<1x1x128xi32, #tpu.memory_space<vmem>> -> memref<128xi32, #tpu.memory_space<vmem>>
        %dma_start3A_129 = arith.constant 0 : i32
        %dma_start3A_130 = arith.constant 0 : i32
        %dma_start3A_131 = tpu.memref_slice %arg2[%dma_start3A_129, %dma_start3A_130] : memref<10240x128xf32, #tpu.memory_space<hbm>> -> memref<10240x128xf32, #tpu.memory_space<hbm>>
        tpu.enqueue_indirect_dma source(%dma_start3A_131 : memref<10240x128xf32, #tpu.memory_space<hbm>>) target(%arg9 : memref<128x128xf32, #tpu.memory_space<vmem>>) offsets(%dma_start3A_128 : memref<128xi32, #tpu.memory_space<vmem>>) semaphore(%arg12 : memref<!tpu.dma_semaphore, #tpu.memory_space<semaphore_mem>>)
      }
      %scan3A_59 = arith.constant 7 : i32
      %dma_wait3A = arith.constant 0 : i32
      %dma_wait3A_60 = arith.constant 0 : i32
      %dma_wait3A_61 = arith.constant 0 : i32
      %dma_wait3A_62 = tpu.memref_slice %arg6[%dma_wait3A, %dma_wait3A_60, %dma_wait3A_61] : memref<2x16x128xi32, #tpu.memory_space<vmem>> -> memref<1x1x128xi32, #tpu.memory_space<vmem>>
      %dma_wait3A_63 = tpu.memref_squeeze %dma_wait3A_62 : memref<1x1x128xi32, #tpu.memory_space<vmem>> -> memref<128xi32, #tpu.memory_space<vmem>>
      %dma_wait3A_64 = arith.constant 0 : i32
      %dma_wait3A_65 = arith.constant 0 : i32
      %dma_wait3A_66 = tpu.memref_slice %arg2[%dma_wait3A_64, %dma_wait3A_65] : memref<10240x128xf32, #tpu.memory_space<hbm>> -> memref<10240x128xf32, #tpu.memory_space<hbm>>
      tpu.wait_indirect_dma semaphore(%arg11 : memref<!tpu.dma_semaphore, #tpu.memory_space<semaphore_mem>>) src(%dma_wait3A_66 : memref<10240x128xf32, #tpu.memory_space<hbm>>) dst(%arg8 : memref<128x128xf32, #tpu.memory_space<vmem>>)
      %run_scoped3A_67 = arith.constant 14 : i32
      "tpu.region"() ({
        %run_scoped3A_91 = tpu.sem_alloc : memref<!tpu.dma_semaphore, #tpu.memory_space<semaphore_mem>>
        %dma_start3A_92 = arith.constant 0 : i32
        %dma_start3A_93 = tpu.memref_slice %arg7[%rem3A_45, %run_scoped3A_67, %dma_start3A_92] : memref<2x16x128xi32, #tpu.memory_space<vmem>> -> memref<1x1x128xi32, #tpu.memory_space<vmem>>
        %dma_start3A_94 = tpu.memref_squeeze %dma_start3A_93 : memref<1x1x128xi32, #tpu.memory_space<vmem>> -> memref<128xi32, #tpu.memory_space<vmem>>
        %dma_start3A_95 = arith.constant 0 : i32
        %dma_start3A_96 = arith.constant 0 : i32
        %dma_start3A_97 = tpu.memref_slice %arg10[%dma_start3A_95, %dma_start3A_96] : memref<10240x128xf32, #tpu.memory_space<vmem_shared>> -> memref<10240x128xf32, #tpu.memory_space<vmem_shared>>
        tpu.enqueue_indirect_dma source(%arg8 : memref<128x128xf32, #tpu.memory_space<vmem>>) target(%dma_start3A_97 : memref<10240x128xf32, #tpu.memory_space<vmem_shared>>) offsets(%dma_start3A_94 : memref<128xi32, #tpu.memory_space<vmem>>) semaphore(%run_scoped3A_91 : memref<!tpu.dma_semaphore, #tpu.memory_space<semaphore_mem>>) {add = true}
        %dma_wait3A_98 = arith.constant 0 : i32
        %dma_wait3A_99 = tpu.memref_slice %arg7[%rem3A_45, %run_scoped3A_67, %dma_wait3A_98] : memref<2x16x128xi32, #tpu.memory_space<vmem>> -> memref<1x1x128xi32, #tpu.memory_space<vmem>>
        %dma_wait3A_100 = tpu.memref_squeeze %dma_wait3A_99 : memref<1x1x128xi32, #tpu.memory_space<vmem>> -> memref<128xi32, #tpu.memory_space<vmem>>
        %dma_wait3A_101 = arith.constant 0 : i32
        %dma_wait3A_102 = arith.constant 0 : i32
        %dma_wait3A_103 = tpu.memref_slice %arg10[%dma_wait3A_101, %dma_wait3A_102] : memref<10240x128xf32, #tpu.memory_space<vmem_shared>> -> memref<10240x128xf32, #tpu.memory_space<vmem_shared>>
        tpu.wait_indirect_dma semaphore(%run_scoped3A_91 : memref<!tpu.dma_semaphore, #tpu.memory_space<semaphore_mem>>) src(%arg8 : memref<128x128xf32, #tpu.memory_space<vmem>>) dst(%dma_wait3A_103 : memref<10240x128xf32, #tpu.memory_space<vmem_shared>>)
        tpu.yield
      }) : () -> ()
      %add3A_68 = arith.constant 1 : i32
      %add3A_69 = arith.addi %scan3A_44, %add3A_68 : i32
      %lt3A_70 = arith.constant 5 : i32
      %lt3A_71 = arith.cmpi slt, %add3A_69, %lt3A_70 : i32
      %convert_element_type3A_72 = arith.extui %lt3A_71 : i1 to i32
      %cond3A_73 = arith.constant 0 : i32
      %cond3A_74 = arith.cmpi ne, %convert_element_type3A_72, %cond3A_73 : i32
      scf.if %cond3A_74 {
        %dma_start3A_91 = arith.constant 0 : i32
        %dma_start3A_92 = arith.constant 0 : i32
        %dma_start3A_93 = tpu.memref_slice %arg6[%rem3A_49, %dma_start3A_91, %dma_start3A_92] : memref<2x16x128xi32, #tpu.memory_space<vmem>> -> memref<1x1x128xi32, #tpu.memory_space<vmem>>
        %dma_start3A_94 = tpu.memref_squeeze %dma_start3A_93 : memref<1x1x128xi32, #tpu.memory_space<vmem>> -> memref<128xi32, #tpu.memory_space<vmem>>
        %dma_start3A_95 = arith.constant 0 : i32
        %dma_start3A_96 = arith.constant 0 : i32
        %dma_start3A_97 = tpu.memref_slice %arg2[%dma_start3A_95, %dma_start3A_96] : memref<10240x128xf32, #tpu.memory_space<hbm>> -> memref<10240x128xf32, #tpu.memory_space<hbm>>
        tpu.enqueue_indirect_dma source(%dma_start3A_97 : memref<10240x128xf32, #tpu.memory_space<hbm>>) target(%arg8 : memref<128x128xf32, #tpu.memory_space<vmem>>) offsets(%dma_start3A_94 : memref<128xi32, #tpu.memory_space<vmem>>) semaphore(%arg11 : memref<!tpu.dma_semaphore, #tpu.memory_space<semaphore_mem>>)
      } else {
      }
      %dma_wait3A_75 = arith.constant 0 : i32
      %dma_wait3A_76 = arith.constant 0 : i32
      %dma_wait3A_77 = arith.constant 0 : i32
      %dma_wait3A_78 = tpu.memref_slice %arg6[%dma_wait3A_75, %dma_wait3A_76, %dma_wait3A_77] : memref<2x16x128xi32, #tpu.memory_space<vmem>> -> memref<1x1x128xi32, #tpu.memory_space<vmem>>
      %dma_wait3A_79 = tpu.memref_squeeze %dma_wait3A_78 : memref<1x1x128xi32, #tpu.memory_space<vmem>> -> memref<128xi32, #tpu.memory_space<vmem>>
      %dma_wait3A_80 = arith.constant 0 : i32
      %dma_wait3A_81 = arith.constant 0 : i32
      %dma_wait3A_82 = tpu.memref_slice %arg2[%dma_wait3A_80, %dma_wait3A_81] : memref<10240x128xf32, #tpu.memory_space<hbm>> -> memref<10240x128xf32, #tpu.memory_space<hbm>>
      tpu.wait_indirect_dma semaphore(%arg12 : memref<!tpu.dma_semaphore, #tpu.memory_space<semaphore_mem>>) src(%dma_wait3A_82 : memref<10240x128xf32, #tpu.memory_space<hbm>>) dst(%arg9 : memref<128x128xf32, #tpu.memory_space<vmem>>)
      %run_scoped3A_83 = arith.constant 15 : i32
      "tpu.region"() ({
        %run_scoped3A_91 = tpu.sem_alloc : memref<!tpu.dma_semaphore, #tpu.memory_space<semaphore_mem>>
        %dma_start3A_92 = arith.constant 0 : i32
        %dma_start3A_93 = tpu.memref_slice %arg7[%rem3A_45, %run_scoped3A_83, %dma_start3A_92] : memref<2x16x128xi32, #tpu.memory_space<vmem>> -> memref<1x1x128xi32, #tpu.memory_space<vmem>>
        %dma_start3A_94 = tpu.memref_squeeze %dma_start3A_93 : memref<1x1x128xi32, #tpu.memory_space<vmem>> -> memref<128xi32, #tpu.memory_space<vmem>>
        %dma_start3A_95 = arith.constant 0 : i32
        %dma_start3A_96 = arith.constant 0 : i32
        %dma_start3A_97 = tpu.memref_slice %arg10[%dma_start3A_95, %dma_start3A_96] : memref<10240x128xf32, #tpu.memory_space<vmem_shared>> -> memref<10240x128xf32, #tpu.memory_space<vmem_shared>>
        tpu.enqueue_indirect_dma source(%arg9 : memref<128x128xf32, #tpu.memory_space<vmem>>) target(%dma_start3A_97 : memref<10240x128xf32, #tpu.memory_space<vmem_shared>>) offsets(%dma_start3A_94 : memref<128xi32, #tpu.memory_space<vmem>>) semaphore(%run_scoped3A_91 : memref<!tpu.dma_semaphore, #tpu.memory_space<semaphore_mem>>) {add = true}
        %dma_wait3A_98 = arith.constant 0 : i32
        %dma_wait3A_99 = tpu.memref_slice %arg7[%rem3A_45, %run_scoped3A_83, %dma_wait3A_98] : memref<2x16x128xi32, #tpu.memory_space<vmem>> -> memref<1x1x128xi32, #tpu.memory_space<vmem>>
        %dma_wait3A_100 = tpu.memref_squeeze %dma_wait3A_99 : memref<1x1x128xi32, #tpu.memory_space<vmem>> -> memref<128xi32, #tpu.memory_space<vmem>>
        %dma_wait3A_101 = arith.constant 0 : i32
        %dma_wait3A_102 = arith.constant 0 : i32
        %dma_wait3A_103 = tpu.memref_slice %arg10[%dma_wait3A_101, %dma_wait3A_102] : memref<10240x128xf32, #tpu.memory_space<vmem_shared>> -> memref<10240x128xf32, #tpu.memory_space<vmem_shared>>
        tpu.wait_indirect_dma semaphore(%run_scoped3A_91 : memref<!tpu.dma_semaphore, #tpu.memory_space<semaphore_mem>>) src(%arg9 : memref<128x128xf32, #tpu.memory_space<vmem>>) dst(%dma_wait3A_103 : memref<10240x128xf32, #tpu.memory_space<vmem_shared>>)
        tpu.yield
      }) : () -> ()
      %add3A_84 = arith.constant 1 : i32
      %add3A_85 = arith.addi %scan3A_44, %add3A_84 : i32
      %lt3A_86 = arith.constant 5 : i32
      %lt3A_87 = arith.cmpi slt, %add3A_85, %lt3A_86 : i32
      %convert_element_type3A_88 = arith.extui %lt3A_87 : i1 to i32
      %cond3A_89 = arith.constant 0 : i32
      %cond3A_90 = arith.cmpi ne, %convert_element_type3A_88, %cond3A_89 : i32
      scf.if %cond3A_90 {
        %dma_start3A_91 = arith.constant 1 : i32
        %dma_start3A_92 = arith.constant 0 : i32
        %dma_start3A_93 = tpu.memref_slice %arg6[%rem3A_49, %dma_start3A_91, %dma_start3A_92] : memref<2x16x128xi32, #tpu.memory_space<vmem>> -> memref<1x1x128xi32, #tpu.memory_space<vmem>>
        %dma_start3A_94 = tpu.memref_squeeze %dma_start3A_93 : memref<1x1x128xi32, #tpu.memory_space<vmem>> -> memref<128xi32, #tpu.memory_space<vmem>>
        %dma_start3A_95 = arith.constant 0 : i32
        %dma_start3A_96 = arith.constant 0 : i32
        %dma_start3A_97 = tpu.memref_slice %arg2[%dma_start3A_95, %dma_start3A_96] : memref<10240x128xf32, #tpu.memory_space<hbm>> -> memref<10240x128xf32, #tpu.memory_space<hbm>>
        tpu.enqueue_indirect_dma source(%dma_start3A_97 : memref<10240x128xf32, #tpu.memory_space<hbm>>) target(%arg9 : memref<128x128xf32, #tpu.memory_space<vmem>>) offsets(%dma_start3A_94 : memref<128xi32, #tpu.memory_space<vmem>>) semaphore(%arg12 : memref<!tpu.dma_semaphore, #tpu.memory_space<semaphore_mem>>)
      } else {
      }
    }
    %scan3A_42 = arith.constant 5 : i32
    %barrier3A_43 = arith.constant 0 : index
    tpu.barrier barrier_id(%barrier3A_43)
    "tpu.region"() ({
      %run_scoped3A_44 = tpu.sem_alloc : memref<!tpu.dma_semaphore, #tpu.memory_space<semaphore_mem>>
      %dma_start3A_45 = arith.constant 0 : i32
      %dma_start3A_46 = arith.constant 0 : i32
      %dma_start3A_47 = tpu.memref_slice %arg5[%arg0, %dma_start3A_45, %dma_start3A_46] : memref<2x10240x128xf32, #tpu.memory_space<hbm>> -> memref<1x10240x128xf32, #tpu.memory_space<hbm>>
      %dma_start3A_48 = tpu.memref_squeeze %dma_start3A_47 : memref<1x10240x128xf32, #tpu.memory_space<hbm>> -> memref<10240x128xf32, #tpu.memory_space<hbm>>
      %dma_start3A_49 = arith.constant 0 : i32
      %dma_start3A_50 = tpu.memref_slice %dma_start3A_48[%mul3A_8, %dma_start3A_49] : memref<10240x128xf32, #tpu.memory_space<hbm>> -> memref<640x128xf32, #tpu.memory_space<hbm>>
      %dma_start3A_51 = arith.constant 0 : i32
      %dma_start3A_52 = tpu.memref_slice %arg10[%mul3A_8, %dma_start3A_51] : memref<10240x128xf32, #tpu.memory_space<vmem_shared>> -> memref<640x128xf32, #tpu.memory_space<vmem_shared>>
      tpu.enqueue_dma source(%dma_start3A_52 : memref<640x128xf32, #tpu.memory_space<vmem_shared>>) target(%dma_start3A_50 : memref<640x128xf32, #tpu.memory_space<hbm>>) target_semaphore(%run_scoped3A_44 : memref<!tpu.dma_semaphore, #tpu.memory_space<semaphore_mem>>)
      %dma_wait3A = arith.constant 0 : i32
      %dma_wait3A_53 = arith.constant 0 : i32
      %dma_wait3A_54 = tpu.memref_slice %arg5[%arg0, %dma_wait3A, %dma_wait3A_53] : memref<2x10240x128xf32, #tpu.memory_space<hbm>> -> memref<1x10240x128xf32, #tpu.memory_space<hbm>>
      %dma_wait3A_55 = tpu.memref_squeeze %dma_wait3A_54 : memref<1x10240x128xf32, #tpu.memory_space<hbm>> -> memref<10240x128xf32, #tpu.memory_space<hbm>>
      %dma_wait3A_56 = arith.constant 0 : i32
      %dma_wait3A_57 = tpu.memref_slice %dma_wait3A_55[%mul3A_8, %dma_wait3A_56] : memref<10240x128xf32, #tpu.memory_space<hbm>> -> memref<640x128xf32, #tpu.memory_space<hbm>>
      %dma_wait3A_58 = arith.constant 0 : i32
      %dma_wait3A_59 = tpu.memref_slice %arg10[%mul3A_8, %dma_wait3A_58] : memref<10240x128xf32, #tpu.memory_space<vmem_shared>> -> memref<640x128xf32, #tpu.memory_space<vmem_shared>>
      tpu.wait_dma2 semaphore(%run_scoped3A_44 : memref<!tpu.dma_semaphore, #tpu.memory_space<semaphore_mem>>) src(%dma_wait3A_59 : memref<640x128xf32, #tpu.memory_space<vmem_shared>>) dst(%dma_wait3A_57 : memref<640x128xf32, #tpu.memory_space<hbm>>)
      tpu.yield
    }) : () -> ()
    return
  }
}

#map = affine_map<(d0, d1) -> (0, 0)>
#map1 = affine_map<(d0, d1) -> (0, 0, 0)>
module attributes {stable_mosaic.version = 14 : i64} {
  func.func @_msg_kernel(%arg0: i32, %arg1: i32, %arg2: memref<10240x128xf32, #tpu.memory_space<hbm>>, %arg3: memref<2560x128xi32, #tpu.memory_space<hbm>>, %arg4: memref<2560x128xi32, #tpu.memory_space<hbm>>, %arg5: memref<2x10240x128xf32, #tpu.memory_space<hbm>>, %arg6: memref<2x16x128xi32, #tpu.memory_space<vmem>>, %arg7: memref<2x16x128xi32, #tpu.memory_space<vmem>>, %arg8: memref<128x128xf32, #tpu.memory_space<vmem>>, %arg9: memref<128x128xf32, #tpu.memory_space<vmem>>, %arg10: memref<10240x128xf32, #tpu.memory_space<vmem_shared>>, %arg11: memref<!tpu.dma_semaphore, #tpu.memory_space<semaphore_mem>>, %arg12: memref<!tpu.dma_semaphore, #tpu.memory_space<semaphore_mem>>) attributes {dimension_semantics = [#tpu.dimension_semantics<core_parallel>, #tpu.dimension_semantics<subcore_parallel>], iteration_bounds = array<i64: 2, 16>, scalar_prefetch = 0 : i64, scratch_operands = 7 : i64, tpu.core_type = #tpu.core_type<sc_vector_subcore>, window_params = [{transform_indices = #map}, {transform_indices = #map}, {transform_indices = #map}, {transform_indices = #map1}]} {
    %mul3A = arith.constant 2 : i32
    %mul3A_0 = arith.muli %arg1, %mul3A : i32
    %add3A = arith.addi %mul3A_0, %arg0 : i32
    %broadcast_in_dim3A = arith.constant 0.000000e+00 : f32
    %broadcast_in_dim3A_1 = vector.broadcast %broadcast_in_dim3A : f32 to vector<16xf32>
    %scan3A = arith.constant 0 : i32
    %scan3A_2 = arith.constant 0 : i32
    %scan3A_3 = arith.constant 128 : i32
    %scan3A_4 = arith.addi %scan3A_2, %scan3A_3 : i32
    %scan3A_5 = arith.constant 1 : i32
    scf.for %scan3A_44 = %scan3A_2 to %scan3A_4 step %scan3A_5  : i32 {
      %swap3A = arith.index_cast %scan3A_44 : i32 to index
      %swap3A_45 = arith.constant 0 : index
      %swap3A_46 = tpu.vector_load %arg8[%swap3A, %swap3A_45] {strides = array<i32>} : memref<128x128xf32, #tpu.memory_space<vmem>>, vector<1x16xf32>,
      %swap3A_47 = vector.shape_cast %swap3A_46 : vector<1x16xf32> to vector<16xf32>
      %swap3A_48 = vector.shape_cast %broadcast_in_dim3A_1 : vector<16xf32> to vector<1x16xf32>
      tpu.vector_store %arg8[%swap3A, %swap3A_45], %swap3A_48 {strides = array<i32>} : memref<128x128xf32, #tpu.memory_space<vmem>>, vector<1x16xf32>,
      %swap3A_49 = arith.index_cast %scan3A_44 : i32 to index
      %swap3A_50 = arith.constant 16 : index
      %swap3A_51 = tpu.vector_load %arg8[%swap3A_49, %swap3A_50] {strides = array<i32>} : memref<128x128xf32, #tpu.memory_space<vmem>>, vector<1x16xf32>,
      %swap3A_52 = vector.shape_cast %swap3A_51 : vector<1x16xf32> to vector<16xf32>
      %swap3A_53 = vector.shape_cast %broadcast_in_dim3A_1 : vector<16xf32> to vector<1x16xf32>
      tpu.vector_store %arg8[%swap3A_49, %swap3A_50], %swap3A_53 {strides = array<i32>} : memref<128x128xf32, #tpu.memory_space<vmem>>, vector<1x16xf32>,
      %swap3A_54 = arith.index_cast %scan3A_44 : i32 to index
      %swap3A_55 = arith.constant 32 : index
      %swap3A_56 = tpu.vector_load %arg8[%swap3A_54, %swap3A_55] {strides = array<i32>} : memref<128x128xf32, #tpu.memory_space<vmem>>, vector<1x16xf32>,
      %swap3A_57 = vector.shape_cast %swap3A_56 : vector<1x16xf32> to vector<16xf32>
      %swap3A_58 = vector.shape_cast %broadcast_in_dim3A_1 : vector<16xf32> to vector<1x16xf32>
      tpu.vector_store %arg8[%swap3A_54, %swap3A_55], %swap3A_58 {strides = array<i32>} : memref<128x128xf32, #tpu.memory_space<vmem>>, vector<1x16xf32>,
      %swap3A_59 = arith.index_cast %scan3A_44 : i32 to index
      %swap3A_60 = arith.constant 48 : index
      %swap3A_61 = tpu.vector_load %arg8[%swap3A_59, %swap3A_60] {strides = array<i32>} : memref<128x128xf32, #tpu.memory_space<vmem>>, vector<1x16xf32>,
      %swap3A_62 = vector.shape_cast %swap3A_61 : vector<1x16xf32> to vector<16xf32>
      %swap3A_63 = vector.shape_cast %broadcast_in_dim3A_1 : vector<16xf32> to vector<1x16xf32>
      tpu.vector_store %arg8[%swap3A_59, %swap3A_60], %swap3A_63 {strides = array<i32>} : memref<128x128xf32, #tpu.memory_space<vmem>>, vector<1x16xf32>,
      %swap3A_64 = arith.index_cast %scan3A_44 : i32 to index
      %swap3A_65 = arith.constant 64 : index
      %swap3A_66 = tpu.vector_load %arg8[%swap3A_64, %swap3A_65] {strides = array<i32>} : memref<128x128xf32, #tpu.memory_space<vmem>>, vector<1x16xf32>,
      %swap3A_67 = vector.shape_cast %swap3A_66 : vector<1x16xf32> to vector<16xf32>
      %swap3A_68 = vector.shape_cast %broadcast_in_dim3A_1 : vector<16xf32> to vector<1x16xf32>
      tpu.vector_store %arg8[%swap3A_64, %swap3A_65], %swap3A_68 {strides = array<i32>} : memref<128x128xf32, #tpu.memory_space<vmem>>, vector<1x16xf32>,
      %swap3A_69 = arith.index_cast %scan3A_44 : i32 to index
      %swap3A_70 = arith.constant 80 : index
      %swap3A_71 = tpu.vector_load %arg8[%swap3A_69, %swap3A_70] {strides = array<i32>} : memref<128x128xf32, #tpu.memory_space<vmem>>, vector<1x16xf32>,
      %swap3A_72 = vector.shape_cast %swap3A_71 : vector<1x16xf32> to vector<16xf32>
      %swap3A_73 = vector.shape_cast %broadcast_in_dim3A_1 : vector<16xf32> to vector<1x16xf32>
      tpu.vector_store %arg8[%swap3A_69, %swap3A_70], %swap3A_73 {strides = array<i32>} : memref<128x128xf32, #tpu.memory_space<vmem>>, vector<1x16xf32>,
      %swap3A_74 = arith.index_cast %scan3A_44 : i32 to index
      %swap3A_75 = arith.constant 96 : index
      %swap3A_76 = tpu.vector_load %arg8[%swap3A_74, %swap3A_75] {strides = array<i32>} : memref<128x128xf32, #tpu.memory_space<vmem>>, vector<1x16xf32>,
      %swap3A_77 = vector.shape_cast %swap3A_76 : vector<1x16xf32> to vector<16xf32>
      %swap3A_78 = vector.shape_cast %broadcast_in_dim3A_1 : vector<16xf32> to vector<1x16xf32>
      tpu.vector_store %arg8[%swap3A_74, %swap3A_75], %swap3A_78 {strides = array<i32>} : memref<128x128xf32, #tpu.memory_space<vmem>>, vector<1x16xf32>,
      %swap3A_79 = arith.index_cast %scan3A_44 : i32 to index
      %swap3A_80 = arith.constant 112 : index
      %swap3A_81 = tpu.vector_load %arg8[%swap3A_79, %swap3A_80] {strides = array<i32>} : memref<128x128xf32, #tpu.memory_space<vmem>>, vector<1x16xf32>,
      %swap3A_82 = vector.shape_cast %swap3A_81 : vector<1x16xf32> to vector<16xf32>
      %swap3A_83 = vector.shape_cast %broadcast_in_dim3A_1 : vector<16xf32> to vector<1x16xf32>
      tpu.vector_store %arg8[%swap3A_79, %swap3A_80], %swap3A_83 {strides = array<i32>} : memref<128x128xf32, #tpu.memory_space<vmem>>, vector<1x16xf32>,
    }
    %scan3A_6 = arith.constant 128 : i32
    %mul3A_7 = arith.constant 640 : i32
    %mul3A_8 = arith.muli %arg1, %mul3A_7 : i32
    %add3A_9 = arith.constant 0 : i32
    %add3A_10 = arith.addi %mul3A_8, %add3A_9 : i32
    "tpu.region"() ({
      %run_scoped3A_44 = tpu.sem_alloc : memref<!tpu.dma_semaphore, #tpu.memory_space<semaphore_mem>>
      %dma_start3A_45 = arith.constant 0 : i32
      %dma_start3A_46 = tpu.memref_slice %arg10[%add3A_10, %dma_start3A_45] : memref<10240x128xf32, #tpu.memory_space<vmem_shared>> -> memref<128x128xf32, #tpu.memory_space<vmem_shared>>
      %dma_start3A_47 = arith.constant 0 : i32
      %dma_start3A_48 = tpu.memref_slice %arg10[%add3A_10, %dma_start3A_47] : memref<10240x128xf32, #tpu.memory_space<vmem_shared>> -> memref<128x128xf32, #tpu.memory_space<vmem_shared>>
      tpu.enqueue_dma source(%arg8 : memref<128x128xf32, #tpu.memory_space<vmem>>) target(%dma_start3A_48 : memref<128x128xf32, #tpu.memory_space<vmem_shared>>) target_semaphore(%run_scoped3A_44 : memref<!tpu.dma_semaphore, #tpu.memory_space<semaphore_mem>>)
      %dma_wait3A = arith.constant 0 : i32
      %dma_wait3A_49 = tpu.memref_slice %arg10[%add3A_10, %dma_wait3A] : memref<10240x128xf32, #tpu.memory_space<vmem_shared>> -> memref<128x128xf32, #tpu.memory_space<vmem_shared>>
      %dma_wait3A_50 = arith.constant 0 : i32
      %dma_wait3A_51 = tpu.memref_slice %arg10[%add3A_10, %dma_wait3A_50] : memref<10240x128xf32, #tpu.memory_space<vmem_shared>> -> memref<128x128xf32, #tpu.memory_space<vmem_shared>>
      tpu.wait_dma2 semaphore(%run_scoped3A_44 : memref<!tpu.dma_semaphore, #tpu.memory_space<semaphore_mem>>) src(%arg8 : memref<128x128xf32, #tpu.memory_space<vmem>>) dst(%dma_wait3A_51 : memref<128x128xf32, #tpu.memory_space<vmem_shared>>)
      tpu.yield
    }) : () -> ()
    %add3A_11 = arith.constant 128 : i32
    %add3A_12 = arith.addi %mul3A_8, %add3A_11 : i32
    "tpu.region"() ({
      %run_scoped3A_44 = tpu.sem_alloc : memref<!tpu.dma_semaphore, #tpu.memory_space<semaphore_mem>>
      %dma_start3A_45 = arith.constant 0 : i32
      %dma_start3A_46 = tpu.memref_slice %arg10[%add3A_12, %dma_start3A_45] : memref<10240x128xf32, #tpu.memory_space<vmem_shared>> -> memref<128x128xf32, #tpu.memory_space<vmem_shared>>
      %dma_start3A_47 = arith.constant 0 : i32
      %dma_start3A_48 = tpu.memref_slice %arg10[%add3A_12, %dma_start3A_47] : memref<10240x128xf32, #tpu.memory_space<vmem_shared>> -> memref<128x128xf32, #tpu.memory_space<vmem_shared>>
      tpu.enqueue_dma source(%arg8 : memref<128x128xf32, #tpu.memory_space<vmem>>) target(%dma_start3A_48 : memref<128x128xf32, #tpu.memory_space<vmem_shared>>) target_semaphore(%run_scoped3A_44 : memref<!tpu.dma_semaphore, #tpu.memory_space<semaphore_mem>>)
      %dma_wait3A = arith.constant 0 : i32
      %dma_wait3A_49 = tpu.memref_slice %arg10[%add3A_12, %dma_wait3A] : memref<10240x128xf32, #tpu.memory_space<vmem_shared>> -> memref<128x128xf32, #tpu.memory_space<vmem_shared>>
      %dma_wait3A_50 = arith.constant 0 : i32
      %dma_wait3A_51 = tpu.memref_slice %arg10[%add3A_12, %dma_wait3A_50] : memref<10240x128xf32, #tpu.memory_space<vmem_shared>> -> memref<128x128xf32, #tpu.memory_space<vmem_shared>>
      tpu.wait_dma2 semaphore(%run_scoped3A_44 : memref<!tpu.dma_semaphore, #tpu.memory_space<semaphore_mem>>) src(%arg8 : memref<128x128xf32, #tpu.memory_space<vmem>>) dst(%dma_wait3A_51 : memref<128x128xf32, #tpu.memory_space<vmem_shared>>)
      tpu.yield
    }) : () -> ()
    %add3A_13 = arith.constant 256 : i32
    %add3A_14 = arith.addi %mul3A_8, %add3A_13 : i32
    "tpu.region"() ({
      %run_scoped3A_44 = tpu.sem_alloc : memref<!tpu.dma_semaphore, #tpu.memory_space<semaphore_mem>>
      %dma_start3A_45 = arith.constant 0 : i32
      %dma_start3A_46 = tpu.memref_slice %arg10[%add3A_14, %dma_start3A_45] : memref<10240x128xf32, #tpu.memory_space<vmem_shared>> -> memref<128x128xf32, #tpu.memory_space<vmem_shared>>
      %dma_start3A_47 = arith.constant 0 : i32
      %dma_start3A_48 = tpu.memref_slice %arg10[%add3A_14, %dma_start3A_47] : memref<10240x128xf32, #tpu.memory_space<vmem_shared>> -> memref<128x128xf32, #tpu.memory_space<vmem_shared>>
      tpu.enqueue_dma source(%arg8 : memref<128x128xf32, #tpu.memory_space<vmem>>) target(%dma_start3A_48 : memref<128x128xf32, #tpu.memory_space<vmem_shared>>) target_semaphore(%run_scoped3A_44 : memref<!tpu.dma_semaphore, #tpu.memory_space<semaphore_mem>>)
      %dma_wait3A = arith.constant 0 : i32
      %dma_wait3A_49 = tpu.memref_slice %arg10[%add3A_14, %dma_wait3A] : memref<10240x128xf32, #tpu.memory_space<vmem_shared>> -> memref<128x128xf32, #tpu.memory_space<vmem_shared>>
      %dma_wait3A_50 = arith.constant 0 : i32
      %dma_wait3A_51 = tpu.memref_slice %arg10[%add3A_14, %dma_wait3A_50] : memref<10240x128xf32, #tpu.memory_space<vmem_shared>> -> memref<128x128xf32, #tpu.memory_space<vmem_shared>>
      tpu.wait_dma2 semaphore(%run_scoped3A_44 : memref<!tpu.dma_semaphore, #tpu.memory_space<semaphore_mem>>) src(%arg8 : memref<128x128xf32, #tpu.memory_space<vmem>>) dst(%dma_wait3A_51 : memref<128x128xf32, #tpu.memory_space<vmem_shared>>)
      tpu.yield
    }) : () -> ()
    %add3A_15 = arith.constant 384 : i32
    %add3A_16 = arith.addi %mul3A_8, %add3A_15 : i32
    "tpu.region"() ({
      %run_scoped3A_44 = tpu.sem_alloc : memref<!tpu.dma_semaphore, #tpu.memory_space<semaphore_mem>>
      %dma_start3A_45 = arith.constant 0 : i32
      %dma_start3A_46 = tpu.memref_slice %arg10[%add3A_16, %dma_start3A_45] : memref<10240x128xf32, #tpu.memory_space<vmem_shared>> -> memref<128x128xf32, #tpu.memory_space<vmem_shared>>
      %dma_start3A_47 = arith.constant 0 : i32
      %dma_start3A_48 = tpu.memref_slice %arg10[%add3A_16, %dma_start3A_47] : memref<10240x128xf32, #tpu.memory_space<vmem_shared>> -> memref<128x128xf32, #tpu.memory_space<vmem_shared>>
      tpu.enqueue_dma source(%arg8 : memref<128x128xf32, #tpu.memory_space<vmem>>) target(%dma_start3A_48 : memref<128x128xf32, #tpu.memory_space<vmem_shared>>) target_semaphore(%run_scoped3A_44 : memref<!tpu.dma_semaphore, #tpu.memory_space<semaphore_mem>>)
      %dma_wait3A = arith.constant 0 : i32
      %dma_wait3A_49 = tpu.memref_slice %arg10[%add3A_16, %dma_wait3A] : memref<10240x128xf32, #tpu.memory_space<vmem_shared>> -> memref<128x128xf32, #tpu.memory_space<vmem_shared>>
      %dma_wait3A_50 = arith.constant 0 : i32
      %dma_wait3A_51 = tpu.memref_slice %arg10[%add3A_16, %dma_wait3A_50] : memref<10240x128xf32, #tpu.memory_space<vmem_shared>> -> memref<128x128xf32, #tpu.memory_space<vmem_shared>>
      tpu.wait_dma2 semaphore(%run_scoped3A_44 : memref<!tpu.dma_semaphore, #tpu.memory_space<semaphore_mem>>) src(%arg8 : memref<128x128xf32, #tpu.memory_space<vmem>>) dst(%dma_wait3A_51 : memref<128x128xf32, #tpu.memory_space<vmem_shared>>)
      tpu.yield
    }) : () -> ()
    %add3A_17 = arith.constant 512 : i32
    %add3A_18 = arith.addi %mul3A_8, %add3A_17 : i32
    "tpu.region"() ({
      %run_scoped3A_44 = tpu.sem_alloc : memref<!tpu.dma_semaphore, #tpu.memory_space<semaphore_mem>>
      %dma_start3A_45 = arith.constant 0 : i32
      %dma_start3A_46 = tpu.memref_slice %arg10[%add3A_18, %dma_start3A_45] : memref<10240x128xf32, #tpu.memory_space<vmem_shared>> -> memref<128x128xf32, #tpu.memory_space<vmem_shared>>
      %dma_start3A_47 = arith.constant 0 : i32
      %dma_start3A_48 = tpu.memref_slice %arg10[%add3A_18, %dma_start3A_47] : memref<10240x128xf32, #tpu.memory_space<vmem_shared>> -> memref<128x128xf32, #tpu.memory_space<vmem_shared>>
      tpu.enqueue_dma source(%arg8 : memref<128x128xf32, #tpu.memory_space<vmem>>) target(%dma_start3A_48 : memref<128x128xf32, #tpu.memory_space<vmem_shared>>) target_semaphore(%run_scoped3A_44 : memref<!tpu.dma_semaphore, #tpu.memory_space<semaphore_mem>>)
      %dma_wait3A = arith.constant 0 : i32
      %dma_wait3A_49 = tpu.memref_slice %arg10[%add3A_18, %dma_wait3A] : memref<10240x128xf32, #tpu.memory_space<vmem_shared>> -> memref<128x128xf32, #tpu.memory_space<vmem_shared>>
      %dma_wait3A_50 = arith.constant 0 : i32
      %dma_wait3A_51 = tpu.memref_slice %arg10[%add3A_18, %dma_wait3A_50] : memref<10240x128xf32, #tpu.memory_space<vmem_shared>> -> memref<128x128xf32, #tpu.memory_space<vmem_shared>>
      tpu.wait_dma2 semaphore(%run_scoped3A_44 : memref<!tpu.dma_semaphore, #tpu.memory_space<semaphore_mem>>) src(%arg8 : memref<128x128xf32, #tpu.memory_space<vmem>>) dst(%dma_wait3A_51 : memref<128x128xf32, #tpu.memory_space<vmem_shared>>)
      tpu.yield
    }) : () -> ()
    %barrier3A = arith.constant 0 : index
    tpu.barrier barrier_id(%barrier3A)
    %mul3A_19 = arith.constant 80 : i32
    %mul3A_20 = arith.muli %add3A, %mul3A_19 : i32
    %run_scoped3A = arith.constant 0 : i32
    "tpu.region"() ({
      %run_scoped3A_44 = tpu.sem_alloc : memref<!tpu.dma_semaphore, #tpu.memory_space<semaphore_mem>>
      %dma_start3A_45 = arith.constant 0 : i32
      %dma_start3A_46 = arith.constant 0 : i32
      %dma_start3A_47 = tpu.memref_slice %arg6[%run_scoped3A, %dma_start3A_45, %dma_start3A_46] : memref<2x16x128xi32, #tpu.memory_space<vmem>> -> memref<1x16x128xi32, #tpu.memory_space<vmem>>
      %dma_start3A_48 = tpu.memref_squeeze %dma_start3A_47 : memref<1x16x128xi32, #tpu.memory_space<vmem>> -> memref<16x128xi32, #tpu.memory_space<vmem>>
      %dma_start3A_49 = arith.constant 0 : i32
      %dma_start3A_50 = tpu.memref_slice %arg3[%mul3A_20, %dma_start3A_49] : memref<2560x128xi32, #tpu.memory_space<hbm>> -> memref<16x128xi32, #tpu.memory_space<hbm>>
      %dma_start3A_51 = arith.constant 0 : i32
      %dma_start3A_52 = arith.constant 0 : i32
      %dma_start3A_53 = tpu.memref_slice %arg6[%run_scoped3A, %dma_start3A_51, %dma_start3A_52] : memref<2x16x128xi32, #tpu.memory_space<vmem>> -> memref<1x16x128xi32, #tpu.memory_space<vmem>>
      %dma_start3A_54 = tpu.memref_squeeze %dma_start3A_53 : memref<1x16x128xi32, #tpu.memory_space<vmem>> -> memref<16x128xi32, #tpu.memory_space<vmem>>
      %dma_start3A_55 = arith.constant 0 : i32
      %dma_start3A_56 = tpu.memref_slice %arg3[%mul3A_20, %dma_start3A_55] : memref<2560x128xi32, #tpu.memory_space<hbm>> -> memref<16x128xi32, #tpu.memory_space<hbm>>
      tpu.enqueue_dma source(%dma_start3A_56 : memref<16x128xi32, #tpu.memory_space<hbm>>) target(%dma_start3A_54 : memref<16x128xi32, #tpu.memory_space<vmem>>) target_semaphore(%run_scoped3A_44 : memref<!tpu.dma_semaphore, #tpu.memory_space<semaphore_mem>>)
      %dma_wait3A = arith.constant 0 : i32
      %dma_wait3A_57 = arith.constant 0 : i32
      %dma_wait3A_58 = tpu.memref_slice %arg6[%run_scoped3A, %dma_wait3A, %dma_wait3A_57] : memref<2x16x128xi32, #tpu.memory_space<vmem>> -> memref<1x16x128xi32, #tpu.memory_space<vmem>>
      %dma_wait3A_59 = tpu.memref_squeeze %dma_wait3A_58 : memref<1x16x128xi32, #tpu.memory_space<vmem>> -> memref<16x128xi32, #tpu.memory_space<vmem>>
      %dma_wait3A_60 = arith.constant 0 : i32
      %dma_wait3A_61 = tpu.memref_slice %arg3[%mul3A_20, %dma_wait3A_60] : memref<2560x128xi32, #tpu.memory_space<hbm>> -> memref<16x128xi32, #tpu.memory_space<hbm>>
      %dma_wait3A_62 = arith.constant 0 : i32
      %dma_wait3A_63 = arith.constant 0 : i32
      %dma_wait3A_64 = tpu.memref_slice %arg6[%run_scoped3A, %dma_wait3A_62, %dma_wait3A_63] : memref<2x16x128xi32, #tpu.memory_space<vmem>> -> memref<1x16x128xi32, #tpu.memory_space<vmem>>
      %dma_wait3A_65 = tpu.memref_squeeze %dma_wait3A_64 : memref<1x16x128xi32, #tpu.memory_space<vmem>> -> memref<16x128xi32, #tpu.memory_space<vmem>>
      %dma_wait3A_66 = arith.constant 0 : i32
      %dma_wait3A_67 = tpu.memref_slice %arg3[%mul3A_20, %dma_wait3A_66] : memref<2560x128xi32, #tpu.memory_space<hbm>> -> memref<16x128xi32, #tpu.memory_space<hbm>>
      tpu.wait_dma2 semaphore(%run_scoped3A_44 : memref<!tpu.dma_semaphore, #tpu.memory_space<semaphore_mem>>) src(%dma_wait3A_67 : memref<16x128xi32, #tpu.memory_space<hbm>>) dst(%dma_wait3A_65 : memref<16x128xi32, #tpu.memory_space<vmem>>)
      tpu.yield
    }) : () -> ()
    %run_scoped3A_21 = arith.constant 0 : i32
    "tpu.region"() ({
      %run_scoped3A_44 = tpu.sem_alloc : memref<!tpu.dma_semaphore, #tpu.memory_space<semaphore_mem>>
      %dma_start3A_45 = arith.constant 0 : i32
      %dma_start3A_46 = arith.constant 0 : i32
      %dma_start3A_47 = tpu.memref_slice %arg7[%run_scoped3A_21, %dma_start3A_45, %dma_start3A_46] : memref<2x16x128xi32, #tpu.memory_space<vmem>> -> memref<1x16x128xi32, #tpu.memory_space<vmem>>
      %dma_start3A_48 = tpu.memref_squeeze %dma_start3A_47 : memref<1x16x128xi32, #tpu.memory_space<vmem>> -> memref<16x128xi32, #tpu.memory_space<vmem>>
      %dma_start3A_49 = arith.constant 0 : i32
      %dma_start3A_50 = tpu.memref_slice %arg4[%mul3A_20, %dma_start3A_49] : memref<2560x128xi32, #tpu.memory_space<hbm>> -> memref<16x128xi32, #tpu.memory_space<hbm>>
      %dma_start3A_51 = arith.constant 0 : i32
      %dma_start3A_52 = arith.constant 0 : i32
      %dma_start3A_53 = tpu.memref_slice %arg7[%run_scoped3A_21, %dma_start3A_51, %dma_start3A_52] : memref<2x16x128xi32, #tpu.memory_space<vmem>> -> memref<1x16x128xi32, #tpu.memory_space<vmem>>
      %dma_start3A_54 = tpu.memref_squeeze %dma_start3A_53 : memref<1x16x128xi32, #tpu.memory_space<vmem>> -> memref<16x128xi32, #tpu.memory_space<vmem>>
      %dma_start3A_55 = arith.constant 0 : i32
      %dma_start3A_56 = tpu.memref_slice %arg4[%mul3A_20, %dma_start3A_55] : memref<2560x128xi32, #tpu.memory_space<hbm>> -> memref<16x128xi32, #tpu.memory_space<hbm>>
      tpu.enqueue_dma source(%dma_start3A_56 : memref<16x128xi32, #tpu.memory_space<hbm>>) target(%dma_start3A_54 : memref<16x128xi32, #tpu.memory_space<vmem>>) target_semaphore(%run_scoped3A_44 : memref<!tpu.dma_semaphore, #tpu.memory_space<semaphore_mem>>)
      %dma_wait3A = arith.constant 0 : i32
      %dma_wait3A_57 = arith.constant 0 : i32
      %dma_wait3A_58 = tpu.memref_slice %arg7[%run_scoped3A_21, %dma_wait3A, %dma_wait3A_57] : memref<2x16x128xi32, #tpu.memory_space<vmem>> -> memref<1x16x128xi32, #tpu.memory_space<vmem>>
      %dma_wait3A_59 = tpu.memref_squeeze %dma_wait3A_58 : memref<1x16x128xi32, #tpu.memory_space<vmem>> -> memref<16x128xi32, #tpu.memory_space<vmem>>
      %dma_wait3A_60 = arith.constant 0 : i32
      %dma_wait3A_61 = tpu.memref_slice %arg4[%mul3A_20, %dma_wait3A_60] : memref<2560x128xi32, #tpu.memory_space<hbm>> -> memref<16x128xi32, #tpu.memory_space<hbm>>
      %dma_wait3A_62 = arith.constant 0 : i32
      %dma_wait3A_63 = arith.constant 0 : i32
      %dma_wait3A_64 = tpu.memref_slice %arg7[%run_scoped3A_21, %dma_wait3A_62, %dma_wait3A_63] : memref<2x16x128xi32, #tpu.memory_space<vmem>> -> memref<1x16x128xi32, #tpu.memory_space<vmem>>
      %dma_wait3A_65 = tpu.memref_squeeze %dma_wait3A_64 : memref<1x16x128xi32, #tpu.memory_space<vmem>> -> memref<16x128xi32, #tpu.memory_space<vmem>>
      %dma_wait3A_66 = arith.constant 0 : i32
      %dma_wait3A_67 = tpu.memref_slice %arg4[%mul3A_20, %dma_wait3A_66] : memref<2560x128xi32, #tpu.memory_space<hbm>> -> memref<16x128xi32, #tpu.memory_space<hbm>>
      tpu.wait_dma2 semaphore(%run_scoped3A_44 : memref<!tpu.dma_semaphore, #tpu.memory_space<semaphore_mem>>) src(%dma_wait3A_67 : memref<16x128xi32, #tpu.memory_space<hbm>>) dst(%dma_wait3A_65 : memref<16x128xi32, #tpu.memory_space<vmem>>)
      tpu.yield
    }) : () -> ()
    %dma_start3A = arith.constant 0 : i32
    %dma_start3A_22 = arith.constant 0 : i32
    %dma_start3A_23 = arith.constant 0 : i32
    %dma_start3A_24 = tpu.memref_slice %arg6[%dma_start3A, %dma_start3A_22, %dma_start3A_23] : memref<2x16x128xi32, #tpu.memory_space<vmem>> -> memref<1x1x128xi32, #tpu.memory_space<vmem>>
    %dma_start3A_25 = tpu.memref_squeeze %dma_start3A_24 : memref<1x1x128xi32, #tpu.memory_space<vmem>> -> memref<128xi32, #tpu.memory_space<vmem>>
    %dma_start3A_26 = arith.constant 0 : i32
    %dma_start3A_27 = arith.constant 0 : i32
    %dma_start3A_28 = tpu.memref_slice %arg2[%dma_start3A_26, %dma_start3A_27] : memref<10240x128xf32, #tpu.memory_space<hbm>> -> memref<10240x128xf32, #tpu.memory_space<hbm>>
    tpu.enqueue_indirect_dma source(%dma_start3A_28 : memref<10240x128xf32, #tpu.memory_space<hbm>>) target(%arg8 : memref<128x128xf32, #tpu.memory_space<vmem>>) offsets(%dma_start3A_25 : memref<128xi32, #tpu.memory_space<vmem>>) semaphore(%arg11 : memref<!tpu.dma_semaphore, #tpu.memory_space<semaphore_mem>>)
    %dma_start3A_29 = arith.constant 0 : i32
    %dma_start3A_30 = arith.constant 1 : i32
    %dma_start3A_31 = arith.constant 0 : i32
    %dma_start3A_32 = tpu.memref_slice %arg6[%dma_start3A_29, %dma_start3A_30, %dma_start3A_31] : memref<2x16x128xi32, #tpu.memory_space<vmem>> -> memref<1x1x128xi32, #tpu.memory_space<vmem>>
    %dma_start3A_33 = tpu.memref_squeeze %dma_start3A_32 : memref<1x1x128xi32, #tpu.memory_space<vmem>> -> memref<128xi32, #tpu.memory_space<vmem>>
    %dma_start3A_34 = arith.constant 0 : i32
    %dma_start3A_35 = arith.constant 0 : i32
    %dma_start3A_36 = tpu.memref_slice %arg2[%dma_start3A_34, %dma_start3A_35] : memref<10240x128xf32, #tpu.memory_space<hbm>> -> memref<10240x128xf32, #tpu.memory_space<hbm>>
    tpu.enqueue_indirect_dma source(%dma_start3A_36 : memref<10240x128xf32, #tpu.memory_space<hbm>>) target(%arg9 : memref<128x128xf32, #tpu.memory_space<vmem>>) offsets(%dma_start3A_33 : memref<128xi32, #tpu.memory_space<vmem>>) semaphore(%arg12 : memref<!tpu.dma_semaphore, #tpu.memory_space<semaphore_mem>>)
    %scan3A_37 = arith.constant 0 : i32
    %scan3A_38 = arith.constant 0 : i32
    %scan3A_39 = arith.constant 5 : i32
    %scan3A_40 = arith.addi %scan3A_38, %scan3A_39 : i32
    %scan3A_41 = arith.constant 1 : i32
    scf.for %scan3A_44 = %scan3A_38 to %scan3A_40 step %scan3A_41  : i32 {
      %rem3A = arith.constant 2 : i32
      %rem3A_45 = arith.remsi %scan3A_44, %rem3A : i32
      %add3A_46 = arith.constant 1 : i32
      %add3A_47 = arith.addi %scan3A_44, %add3A_46 : i32
      %rem3A_48 = arith.constant 2 : i32
      %rem3A_49 = arith.remsi %add3A_47, %rem3A_48 : i32
      %add3A_50 = arith.constant 1 : i32
      %add3A_51 = arith.addi %scan3A_44, %add3A_50 : i32
      %lt3A = arith.constant 5 : i32
      %lt3A_52 = arith.cmpi slt, %add3A_51, %lt3A : i32
      %convert_element_type3A = arith.extui %lt3A_52 : i1 to i32
      %cond3A = arith.constant 0 : i32
      %cond3A_53 = arith.cmpi ne, %convert_element_type3A, %cond3A : i32
      scf.if %cond3A_53 {
        %add3A_91 = arith.constant 1 : i32
        %add3A_92 = arith.addi %scan3A_44, %add3A_91 : i32
        %mul3A_93 = arith.constant 16 : i32
        %mul3A_94 = arith.muli %add3A_92, %mul3A_93 : i32
        %add3A_95 = arith.addi %mul3A_20, %mul3A_94 : i32
        "tpu.region"() ({
          %run_scoped3A_101 = tpu.sem_alloc : memref<!tpu.dma_semaphore, #tpu.memory_space<semaphore_mem>>
          %dma_start3A_102 = arith.constant 0 : i32
          %dma_start3A_103 = arith.constant 0 : i32
          %dma_start3A_104 = tpu.memref_slice %arg6[%rem3A_49, %dma_start3A_102, %dma_start3A_103] : memref<2x16x128xi32, #tpu.memory_space<vmem>> -> memref<1x16x128xi32, #tpu.memory_space<vmem>>
          %dma_start3A_105 = tpu.memref_squeeze %dma_start3A_104 : memref<1x16x128xi32, #tpu.memory_space<vmem>> -> memref<16x128xi32, #tpu.memory_space<vmem>>
          %dma_start3A_106 = arith.constant 0 : i32
          %dma_start3A_107 = tpu.memref_slice %arg3[%add3A_95, %dma_start3A_106] : memref<2560x128xi32, #tpu.memory_space<hbm>> -> memref<16x128xi32, #tpu.memory_space<hbm>>
          %dma_start3A_108 = arith.constant 0 : i32
          %dma_start3A_109 = arith.constant 0 : i32
          %dma_start3A_110 = tpu.memref_slice %arg6[%rem3A_49, %dma_start3A_108, %dma_start3A_109] : memref<2x16x128xi32, #tpu.memory_space<vmem>> -> memref<1x16x128xi32, #tpu.memory_space<vmem>>
          %dma_start3A_111 = tpu.memref_squeeze %dma_start3A_110 : memref<1x16x128xi32, #tpu.memory_space<vmem>> -> memref<16x128xi32, #tpu.memory_space<vmem>>
          %dma_start3A_112 = arith.constant 0 : i32
          %dma_start3A_113 = tpu.memref_slice %arg3[%add3A_95, %dma_start3A_112] : memref<2560x128xi32, #tpu.memory_space<hbm>> -> memref<16x128xi32, #tpu.memory_space<hbm>>
          tpu.enqueue_dma source(%dma_start3A_113 : memref<16x128xi32, #tpu.memory_space<hbm>>) target(%dma_start3A_111 : memref<16x128xi32, #tpu.memory_space<vmem>>) target_semaphore(%run_scoped3A_101 : memref<!tpu.dma_semaphore, #tpu.memory_space<semaphore_mem>>)
          %dma_wait3A_114 = arith.constant 0 : i32
          %dma_wait3A_115 = arith.constant 0 : i32
          %dma_wait3A_116 = tpu.memref_slice %arg6[%rem3A_49, %dma_wait3A_114, %dma_wait3A_115] : memref<2x16x128xi32, #tpu.memory_space<vmem>> -> memref<1x16x128xi32, #tpu.memory_space<vmem>>
          %dma_wait3A_117 = tpu.memref_squeeze %dma_wait3A_116 : memref<1x16x128xi32, #tpu.memory_space<vmem>> -> memref<16x128xi32, #tpu.memory_space<vmem>>
          %dma_wait3A_118 = arith.constant 0 : i32
          %dma_wait3A_119 = tpu.memref_slice %arg3[%add3A_95, %dma_wait3A_118] : memref<2560x128xi32, #tpu.memory_space<hbm>> -> memref<16x128xi32, #tpu.memory_space<hbm>>
          %dma_wait3A_120 = arith.constant 0 : i32
          %dma_wait3A_121 = arith.constant 0 : i32
          %dma_wait3A_122 = tpu.memref_slice %arg6[%rem3A_49, %dma_wait3A_120, %dma_wait3A_121] : memref<2x16x128xi32, #tpu.memory_space<vmem>> -> memref<1x16x128xi32, #tpu.memory_space<vmem>>
          %dma_wait3A_123 = tpu.memref_squeeze %dma_wait3A_122 : memref<1x16x128xi32, #tpu.memory_space<vmem>> -> memref<16x128xi32, #tpu.memory_space<vmem>>
          %dma_wait3A_124 = arith.constant 0 : i32
          %dma_wait3A_125 = tpu.memref_slice %arg3[%add3A_95, %dma_wait3A_124] : memref<2560x128xi32, #tpu.memory_space<hbm>> -> memref<16x128xi32, #tpu.memory_space<hbm>>
          tpu.wait_dma2 semaphore(%run_scoped3A_101 : memref<!tpu.dma_semaphore, #tpu.memory_space<semaphore_mem>>) src(%dma_wait3A_125 : memref<16x128xi32, #tpu.memory_space<hbm>>) dst(%dma_wait3A_123 : memref<16x128xi32, #tpu.memory_space<vmem>>)
          tpu.yield
        }) : () -> ()
        %add3A_96 = arith.constant 1 : i32
        %add3A_97 = arith.addi %scan3A_44, %add3A_96 : i32
        %mul3A_98 = arith.constant 16 : i32
        %mul3A_99 = arith.muli %add3A_97, %mul3A_98 : i32
        %add3A_100 = arith.addi %mul3A_20, %mul3A_99 : i32
        "tpu.region"() ({
          %run_scoped3A_101 = tpu.sem_alloc : memref<!tpu.dma_semaphore, #tpu.memory_space<semaphore_mem>>
          %dma_start3A_102 = arith.constant 0 : i32
          %dma_start3A_103 = arith.constant 0 : i32
          %dma_start3A_104 = tpu.memref_slice %arg7[%rem3A_49, %dma_start3A_102, %dma_start3A_103] : memref<2x16x128xi32, #tpu.memory_space<vmem>> -> memref<1x16x128xi32, #tpu.memory_space<vmem>>
          %dma_start3A_105 = tpu.memref_squeeze %dma_start3A_104 : memref<1x16x128xi32, #tpu.memory_space<vmem>> -> memref<16x128xi32, #tpu.memory_space<vmem>>
          %dma_start3A_106 = arith.constant 0 : i32
          %dma_start3A_107 = tpu.memref_slice %arg4[%add3A_100, %dma_start3A_106] : memref<2560x128xi32, #tpu.memory_space<hbm>> -> memref<16x128xi32, #tpu.memory_space<hbm>>
          %dma_start3A_108 = arith.constant 0 : i32
          %dma_start3A_109 = arith.constant 0 : i32
          %dma_start3A_110 = tpu.memref_slice %arg7[%rem3A_49, %dma_start3A_108, %dma_start3A_109] : memref<2x16x128xi32, #tpu.memory_space<vmem>> -> memref<1x16x128xi32, #tpu.memory_space<vmem>>
          %dma_start3A_111 = tpu.memref_squeeze %dma_start3A_110 : memref<1x16x128xi32, #tpu.memory_space<vmem>> -> memref<16x128xi32, #tpu.memory_space<vmem>>
          %dma_start3A_112 = arith.constant 0 : i32
          %dma_start3A_113 = tpu.memref_slice %arg4[%add3A_100, %dma_start3A_112] : memref<2560x128xi32, #tpu.memory_space<hbm>> -> memref<16x128xi32, #tpu.memory_space<hbm>>
          tpu.enqueue_dma source(%dma_start3A_113 : memref<16x128xi32, #tpu.memory_space<hbm>>) target(%dma_start3A_111 : memref<16x128xi32, #tpu.memory_space<vmem>>) target_semaphore(%run_scoped3A_101 : memref<!tpu.dma_semaphore, #tpu.memory_space<semaphore_mem>>)
          %dma_wait3A_114 = arith.constant 0 : i32
          %dma_wait3A_115 = arith.constant 0 : i32
          %dma_wait3A_116 = tpu.memref_slice %arg7[%rem3A_49, %dma_wait3A_114, %dma_wait3A_115] : memref<2x16x128xi32, #tpu.memory_space<vmem>> -> memref<1x16x128xi32, #tpu.memory_space<vmem>>
          %dma_wait3A_117 = tpu.memref_squeeze %dma_wait3A_116 : memref<1x16x128xi32, #tpu.memory_space<vmem>> -> memref<16x128xi32, #tpu.memory_space<vmem>>
          %dma_wait3A_118 = arith.constant 0 : i32
          %dma_wait3A_119 = tpu.memref_slice %arg4[%add3A_100, %dma_wait3A_118] : memref<2560x128xi32, #tpu.memory_space<hbm>> -> memref<16x128xi32, #tpu.memory_space<hbm>>
          %dma_wait3A_120 = arith.constant 0 : i32
          %dma_wait3A_121 = arith.constant 0 : i32
          %dma_wait3A_122 = tpu.memref_slice %arg7[%rem3A_49, %dma_wait3A_120, %dma_wait3A_121] : memref<2x16x128xi32, #tpu.memory_space<vmem>> -> memref<1x16x128xi32, #tpu.memory_space<vmem>>
          %dma_wait3A_123 = tpu.memref_squeeze %dma_wait3A_122 : memref<1x16x128xi32, #tpu.memory_space<vmem>> -> memref<16x128xi32, #tpu.memory_space<vmem>>
          %dma_wait3A_124 = arith.constant 0 : i32
          %dma_wait3A_125 = tpu.memref_slice %arg4[%add3A_100, %dma_wait3A_124] : memref<2560x128xi32, #tpu.memory_space<hbm>> -> memref<16x128xi32, #tpu.memory_space<hbm>>
          tpu.wait_dma2 semaphore(%run_scoped3A_101 : memref<!tpu.dma_semaphore, #tpu.memory_space<semaphore_mem>>) src(%dma_wait3A_125 : memref<16x128xi32, #tpu.memory_space<hbm>>) dst(%dma_wait3A_123 : memref<16x128xi32, #tpu.memory_space<vmem>>)
          tpu.yield
        }) : () -> ()
      } else {
      }
      %scan3A_54 = arith.constant 0 : i32
      %scan3A_55 = arith.constant 0 : i32
      %scan3A_56 = arith.constant 7 : i32
      %scan3A_57 = arith.addi %scan3A_55, %scan3A_56 : i32
      %scan3A_58 = arith.constant 1 : i32
      scf.for %scan3A_91 = %scan3A_55 to %scan3A_57 step %scan3A_58  : i32 {
        %mul3A_92 = arith.constant 2 : i32
        %mul3A_93 = arith.muli %mul3A_92, %scan3A_91 : i32
        %add3A_94 = arith.constant 0 : i32
        %add3A_95 = arith.addi %mul3A_93, %add3A_94 : i32
        %dma_wait3A_96 = arith.constant 0 : i32
        %dma_wait3A_97 = arith.constant 0 : i32
        %dma_wait3A_98 = arith.constant 0 : i32
        %dma_wait3A_99 = tpu.memref_slice %arg6[%dma_wait3A_96, %dma_wait3A_97, %dma_wait3A_98] : memref<2x16x128xi32, #tpu.memory_space<vmem>> -> memref<1x1x128xi32, #tpu.memory_space<vmem>>
        %dma_wait3A_100 = tpu.memref_squeeze %dma_wait3A_99 : memref<1x1x128xi32, #tpu.memory_space<vmem>> -> memref<128xi32, #tpu.memory_space<vmem>>
        %dma_wait3A_101 = arith.constant 0 : i32
        %dma_wait3A_102 = arith.constant 0 : i32
        %dma_wait3A_103 = tpu.memref_slice %arg2[%dma_wait3A_101, %dma_wait3A_102] : memref<10240x128xf32, #tpu.memory_space<hbm>> -> memref<10240x128xf32, #tpu.memory_space<hbm>>
        tpu.wait_indirect_dma semaphore(%arg11 : memref<!tpu.dma_semaphore, #tpu.memory_space<semaphore_mem>>) src(%dma_wait3A_103 : memref<10240x128xf32, #tpu.memory_space<hbm>>) dst(%arg8 : memref<128x128xf32, #tpu.memory_space<vmem>>)
        "tpu.region"() ({
          %run_scoped3A_132 = tpu.sem_alloc : memref<!tpu.dma_semaphore, #tpu.memory_space<semaphore_mem>>
          %dma_start3A_133 = arith.constant 0 : i32
          %dma_start3A_134 = tpu.memref_slice %arg7[%rem3A_45, %add3A_95, %dma_start3A_133] : memref<2x16x128xi32, #tpu.memory_space<vmem>> -> memref<1x1x128xi32, #tpu.memory_space<vmem>>
          %dma_start3A_135 = tpu.memref_squeeze %dma_start3A_134 : memref<1x1x128xi32, #tpu.memory_space<vmem>> -> memref<128xi32, #tpu.memory_space<vmem>>
          %dma_start3A_136 = arith.constant 0 : i32
          %dma_start3A_137 = arith.constant 0 : i32
          %dma_start3A_138 = tpu.memref_slice %arg10[%dma_start3A_136, %dma_start3A_137] : memref<10240x128xf32, #tpu.memory_space<vmem_shared>> -> memref<10240x128xf32, #tpu.memory_space<vmem_shared>>
          tpu.enqueue_indirect_dma source(%arg8 : memref<128x128xf32, #tpu.memory_space<vmem>>) target(%dma_start3A_138 : memref<10240x128xf32, #tpu.memory_space<vmem_shared>>) offsets(%dma_start3A_135 : memref<128xi32, #tpu.memory_space<vmem>>) semaphore(%run_scoped3A_132 : memref<!tpu.dma_semaphore, #tpu.memory_space<semaphore_mem>>) {add = true}
          %dma_wait3A_139 = arith.constant 0 : i32
          %dma_wait3A_140 = tpu.memref_slice %arg7[%rem3A_45, %add3A_95, %dma_wait3A_139] : memref<2x16x128xi32, #tpu.memory_space<vmem>> -> memref<1x1x128xi32, #tpu.memory_space<vmem>>
          %dma_wait3A_141 = tpu.memref_squeeze %dma_wait3A_140 : memref<1x1x128xi32, #tpu.memory_space<vmem>> -> memref<128xi32, #tpu.memory_space<vmem>>
          %dma_wait3A_142 = arith.constant 0 : i32
          %dma_wait3A_143 = arith.constant 0 : i32
          %dma_wait3A_144 = tpu.memref_slice %arg10[%dma_wait3A_142, %dma_wait3A_143] : memref<10240x128xf32, #tpu.memory_space<vmem_shared>> -> memref<10240x128xf32, #tpu.memory_space<vmem_shared>>
          tpu.wait_indirect_dma semaphore(%run_scoped3A_132 : memref<!tpu.dma_semaphore, #tpu.memory_space<semaphore_mem>>) src(%arg8 : memref<128x128xf32, #tpu.memory_space<vmem>>) dst(%dma_wait3A_144 : memref<10240x128xf32, #tpu.memory_space<vmem_shared>>)
          tpu.yield
        }) : () -> ()
        %add3A_104 = arith.constant 2 : i32
        %add3A_105 = arith.addi %add3A_95, %add3A_104 : i32
        %dma_start3A_106 = arith.constant 0 : i32
        %dma_start3A_107 = tpu.memref_slice %arg6[%rem3A_45, %add3A_105, %dma_start3A_106] : memref<2x16x128xi32, #tpu.memory_space<vmem>> -> memref<1x1x128xi32, #tpu.memory_space<vmem>>
        %dma_start3A_108 = tpu.memref_squeeze %dma_start3A_107 : memref<1x1x128xi32, #tpu.memory_space<vmem>> -> memref<128xi32, #tpu.memory_space<vmem>>
        %dma_start3A_109 = arith.constant 0 : i32
        %dma_start3A_110 = arith.constant 0 : i32
        %dma_start3A_111 = tpu.memref_slice %arg2[%dma_start3A_109, %dma_start3A_110] : memref<10240x128xf32, #tpu.memory_space<hbm>> -> memref<10240x128xf32, #tpu.memory_space<hbm>>
        tpu.enqueue_indirect_dma source(%dma_start3A_111 : memref<10240x128xf32, #tpu.memory_space<hbm>>) target(%arg8 : memref<128x128xf32, #tpu.memory_space<vmem>>) offsets(%dma_start3A_108 : memref<128xi32, #tpu.memory_space<vmem>>) semaphore(%arg11 : memref<!tpu.dma_semaphore, #tpu.memory_space<semaphore_mem>>)
        %mul3A_112 = arith.constant 2 : i32
        %mul3A_113 = arith.muli %mul3A_112, %scan3A_91 : i32
        %add3A_114 = arith.constant 1 : i32
        %add3A_115 = arith.addi %mul3A_113, %add3A_114 : i32
        %dma_wait3A_116 = arith.constant 0 : i32
        %dma_wait3A_117 = arith.constant 0 : i32
        %dma_wait3A_118 = arith.constant 0 : i32
        %dma_wait3A_119 = tpu.memref_slice %arg6[%dma_wait3A_116, %dma_wait3A_117, %dma_wait3A_118] : memref<2x16x128xi32, #tpu.memory_space<vmem>> -> memref<1x1x128xi32, #tpu.memory_space<vmem>>
        %dma_wait3A_120 = tpu.memref_squeeze %dma_wait3A_119 : memref<1x1x128xi32, #tpu.memory_space<vmem>> -> memref<128xi32, #tpu.memory_space<vmem>>
        %dma_wait3A_121 = arith.constant 0 : i32
        %dma_wait3A_122 = arith.constant 0 : i32
        %dma_wait3A_123 = tpu.memref_slice %arg2[%dma_wait3A_121, %dma_wait3A_122] : memref<10240x128xf32, #tpu.memory_space<hbm>> -> memref<10240x128xf32, #tpu.memory_space<hbm>>
        tpu.wait_indirect_dma semaphore(%arg12 : memref<!tpu.dma_semaphore, #tpu.memory_space<semaphore_mem>>) src(%dma_wait3A_123 : memref<10240x128xf32, #tpu.memory_space<hbm>>) dst(%arg9 : memref<128x128xf32, #tpu.memory_space<vmem>>)
        "tpu.region"() ({
          %run_scoped3A_132 = tpu.sem_alloc : memref<!tpu.dma_semaphore, #tpu.memory_space<semaphore_mem>>
          %dma_start3A_133 = arith.constant 0 : i32
          %dma_start3A_134 = tpu.memref_slice %arg7[%rem3A_45, %add3A_115, %dma_start3A_133] : memref<2x16x128xi32, #tpu.memory_space<vmem>> -> memref<1x1x128xi32, #tpu.memory_space<vmem>>
          %dma_start3A_135 = tpu.memref_squeeze %dma_start3A_134 : memref<1x1x128xi32, #tpu.memory_space<vmem>> -> memref<128xi32, #tpu.memory_space<vmem>>
          %dma_start3A_136 = arith.constant 0 : i32
          %dma_start3A_137 = arith.constant 0 : i32
          %dma_start3A_138 = tpu.memref_slice %arg10[%dma_start3A_136, %dma_start3A_137] : memref<10240x128xf32, #tpu.memory_space<vmem_shared>> -> memref<10240x128xf32, #tpu.memory_space<vmem_shared>>
          tpu.enqueue_indirect_dma source(%arg9 : memref<128x128xf32, #tpu.memory_space<vmem>>) target(%dma_start3A_138 : memref<10240x128xf32, #tpu.memory_space<vmem_shared>>) offsets(%dma_start3A_135 : memref<128xi32, #tpu.memory_space<vmem>>) semaphore(%run_scoped3A_132 : memref<!tpu.dma_semaphore, #tpu.memory_space<semaphore_mem>>) {add = true}
          %dma_wait3A_139 = arith.constant 0 : i32
          %dma_wait3A_140 = tpu.memref_slice %arg7[%rem3A_45, %add3A_115, %dma_wait3A_139] : memref<2x16x128xi32, #tpu.memory_space<vmem>> -> memref<1x1x128xi32, #tpu.memory_space<vmem>>
          %dma_wait3A_141 = tpu.memref_squeeze %dma_wait3A_140 : memref<1x1x128xi32, #tpu.memory_space<vmem>> -> memref<128xi32, #tpu.memory_space<vmem>>
          %dma_wait3A_142 = arith.constant 0 : i32
          %dma_wait3A_143 = arith.constant 0 : i32
          %dma_wait3A_144 = tpu.memref_slice %arg10[%dma_wait3A_142, %dma_wait3A_143] : memref<10240x128xf32, #tpu.memory_space<vmem_shared>> -> memref<10240x128xf32, #tpu.memory_space<vmem_shared>>
          tpu.wait_indirect_dma semaphore(%run_scoped3A_132 : memref<!tpu.dma_semaphore, #tpu.memory_space<semaphore_mem>>) src(%arg9 : memref<128x128xf32, #tpu.memory_space<vmem>>) dst(%dma_wait3A_144 : memref<10240x128xf32, #tpu.memory_space<vmem_shared>>)
          tpu.yield
        }) : () -> ()
        %add3A_124 = arith.constant 2 : i32
        %add3A_125 = arith.addi %add3A_115, %add3A_124 : i32
        %dma_start3A_126 = arith.constant 0 : i32
        %dma_start3A_127 = tpu.memref_slice %arg6[%rem3A_45, %add3A_125, %dma_start3A_126] : memref<2x16x128xi32, #tpu.memory_space<vmem>> -> memref<1x1x128xi32, #tpu.memory_space<vmem>>
        %dma_start3A_128 = tpu.memref_squeeze %dma_start3A_127 : memref<1x1x128xi32, #tpu.memory_space<vmem>> -> memref<128xi32, #tpu.memory_space<vmem>>
        %dma_start3A_129 = arith.constant 0 : i32
        %dma_start3A_130 = arith.constant 0 : i32
        %dma_start3A_131 = tpu.memref_slice %arg2[%dma_start3A_129, %dma_start3A_130] : memref<10240x128xf32, #tpu.memory_space<hbm>> -> memref<10240x128xf32, #tpu.memory_space<hbm>>
        tpu.enqueue_indirect_dma source(%dma_start3A_131 : memref<10240x128xf32, #tpu.memory_space<hbm>>) target(%arg9 : memref<128x128xf32, #tpu.memory_space<vmem>>) offsets(%dma_start3A_128 : memref<128xi32, #tpu.memory_space<vmem>>) semaphore(%arg12 : memref<!tpu.dma_semaphore, #tpu.memory_space<semaphore_mem>>)
      }
      %scan3A_59 = arith.constant 7 : i32
      %dma_wait3A = arith.constant 0 : i32
      %dma_wait3A_60 = arith.constant 0 : i32
      %dma_wait3A_61 = arith.constant 0 : i32
      %dma_wait3A_62 = tpu.memref_slice %arg6[%dma_wait3A, %dma_wait3A_60, %dma_wait3A_61] : memref<2x16x128xi32, #tpu.memory_space<vmem>> -> memref<1x1x128xi32, #tpu.memory_space<vmem>>
      %dma_wait3A_63 = tpu.memref_squeeze %dma_wait3A_62 : memref<1x1x128xi32, #tpu.memory_space<vmem>> -> memref<128xi32, #tpu.memory_space<vmem>>
      %dma_wait3A_64 = arith.constant 0 : i32
      %dma_wait3A_65 = arith.constant 0 : i32
      %dma_wait3A_66 = tpu.memref_slice %arg2[%dma_wait3A_64, %dma_wait3A_65] : memref<10240x128xf32, #tpu.memory_space<hbm>> -> memref<10240x128xf32, #tpu.memory_space<hbm>>
      tpu.wait_indirect_dma semaphore(%arg11 : memref<!tpu.dma_semaphore, #tpu.memory_space<semaphore_mem>>) src(%dma_wait3A_66 : memref<10240x128xf32, #tpu.memory_space<hbm>>) dst(%arg8 : memref<128x128xf32, #tpu.memory_space<vmem>>)
      %run_scoped3A_67 = arith.constant 14 : i32
      "tpu.region"() ({
        %run_scoped3A_91 = tpu.sem_alloc : memref<!tpu.dma_semaphore, #tpu.memory_space<semaphore_mem>>
        %dma_start3A_92 = arith.constant 0 : i32
        %dma_start3A_93 = tpu.memref_slice %arg7[%rem3A_45, %run_scoped3A_67, %dma_start3A_92] : memref<2x16x128xi32, #tpu.memory_space<vmem>> -> memref<1x1x128xi32, #tpu.memory_space<vmem>>
        %dma_start3A_94 = tpu.memref_squeeze %dma_start3A_93 : memref<1x1x128xi32, #tpu.memory_space<vmem>> -> memref<128xi32, #tpu.memory_space<vmem>>
        %dma_start3A_95 = arith.constant 0 : i32
        %dma_start3A_96 = arith.constant 0 : i32
        %dma_start3A_97 = tpu.memref_slice %arg10[%dma_start3A_95, %dma_start3A_96] : memref<10240x128xf32, #tpu.memory_space<vmem_shared>> -> memref<10240x128xf32, #tpu.memory_space<vmem_shared>>
        tpu.enqueue_indirect_dma source(%arg8 : memref<128x128xf32, #tpu.memory_space<vmem>>) target(%dma_start3A_97 : memref<10240x128xf32, #tpu.memory_space<vmem_shared>>) offsets(%dma_start3A_94 : memref<128xi32, #tpu.memory_space<vmem>>) semaphore(%run_scoped3A_91 : memref<!tpu.dma_semaphore, #tpu.memory_space<semaphore_mem>>) {add = true}
        %dma_wait3A_98 = arith.constant 0 : i32
        %dma_wait3A_99 = tpu.memref_slice %arg7[%rem3A_45, %run_scoped3A_67, %dma_wait3A_98] : memref<2x16x128xi32, #tpu.memory_space<vmem>> -> memref<1x1x128xi32, #tpu.memory_space<vmem>>
        %dma_wait3A_100 = tpu.memref_squeeze %dma_wait3A_99 : memref<1x1x128xi32, #tpu.memory_space<vmem>> -> memref<128xi32, #tpu.memory_space<vmem>>
        %dma_wait3A_101 = arith.constant 0 : i32
        %dma_wait3A_102 = arith.constant 0 : i32
        %dma_wait3A_103 = tpu.memref_slice %arg10[%dma_wait3A_101, %dma_wait3A_102] : memref<10240x128xf32, #tpu.memory_space<vmem_shared>> -> memref<10240x128xf32, #tpu.memory_space<vmem_shared>>
        tpu.wait_indirect_dma semaphore(%run_scoped3A_91 : memref<!tpu.dma_semaphore, #tpu.memory_space<semaphore_mem>>) src(%arg8 : memref<128x128xf32, #tpu.memory_space<vmem>>) dst(%dma_wait3A_103 : memref<10240x128xf32, #tpu.memory_space<vmem_shared>>)
        tpu.yield
      }) : () -> ()
      %add3A_68 = arith.constant 1 : i32
      %add3A_69 = arith.addi %scan3A_44, %add3A_68 : i32
      %lt3A_70 = arith.constant 5 : i32
      %lt3A_71 = arith.cmpi slt, %add3A_69, %lt3A_70 : i32
      %convert_element_type3A_72 = arith.extui %lt3A_71 : i1 to i32
      %cond3A_73 = arith.constant 0 : i32
      %cond3A_74 = arith.cmpi ne, %convert_element_type3A_72, %cond3A_73 : i32
      scf.if %cond3A_74 {
        %dma_start3A_91 = arith.constant 0 : i32
        %dma_start3A_92 = arith.constant 0 : i32
        %dma_start3A_93 = tpu.memref_slice %arg6[%rem3A_49, %dma_start3A_91, %dma_start3A_92] : memref<2x16x128xi32, #tpu.memory_space<vmem>> -> memref<1x1x128xi32, #tpu.memory_space<vmem>>
        %dma_start3A_94 = tpu.memref_squeeze %dma_start3A_93 : memref<1x1x128xi32, #tpu.memory_space<vmem>> -> memref<128xi32, #tpu.memory_space<vmem>>
        %dma_start3A_95 = arith.constant 0 : i32
        %dma_start3A_96 = arith.constant 0 : i32
        %dma_start3A_97 = tpu.memref_slice %arg2[%dma_start3A_95, %dma_start3A_96] : memref<10240x128xf32, #tpu.memory_space<hbm>> -> memref<10240x128xf32, #tpu.memory_space<hbm>>
        tpu.enqueue_indirect_dma source(%dma_start3A_97 : memref<10240x128xf32, #tpu.memory_space<hbm>>) target(%arg8 : memref<128x128xf32, #tpu.memory_space<vmem>>) offsets(%dma_start3A_94 : memref<128xi32, #tpu.memory_space<vmem>>) semaphore(%arg11 : memref<!tpu.dma_semaphore, #tpu.memory_space<semaphore_mem>>)
      } else {
      }
      %dma_wait3A_75 = arith.constant 0 : i32
      %dma_wait3A_76 = arith.constant 0 : i32
      %dma_wait3A_77 = arith.constant 0 : i32
      %dma_wait3A_78 = tpu.memref_slice %arg6[%dma_wait3A_75, %dma_wait3A_76, %dma_wait3A_77] : memref<2x16x128xi32, #tpu.memory_space<vmem>> -> memref<1x1x128xi32, #tpu.memory_space<vmem>>
      %dma_wait3A_79 = tpu.memref_squeeze %dma_wait3A_78 : memref<1x1x128xi32, #tpu.memory_space<vmem>> -> memref<128xi32, #tpu.memory_space<vmem>>
      %dma_wait3A_80 = arith.constant 0 : i32
      %dma_wait3A_81 = arith.constant 0 : i32
      %dma_wait3A_82 = tpu.memref_slice %arg2[%dma_wait3A_80, %dma_wait3A_81] : memref<10240x128xf32, #tpu.memory_space<hbm>> -> memref<10240x128xf32, #tpu.memory_space<hbm>>
      tpu.wait_indirect_dma semaphore(%arg12 : memref<!tpu.dma_semaphore, #tpu.memory_space<semaphore_mem>>) src(%dma_wait3A_82 : memref<10240x128xf32, #tpu.memory_space<hbm>>) dst(%arg9 : memref<128x128xf32, #tpu.memory_space<vmem>>)
      %run_scoped3A_83 = arith.constant 15 : i32
      "tpu.region"() ({
        %run_scoped3A_91 = tpu.sem_alloc : memref<!tpu.dma_semaphore, #tpu.memory_space<semaphore_mem>>
        %dma_start3A_92 = arith.constant 0 : i32
        %dma_start3A_93 = tpu.memref_slice %arg7[%rem3A_45, %run_scoped3A_83, %dma_start3A_92] : memref<2x16x128xi32, #tpu.memory_space<vmem>> -> memref<1x1x128xi32, #tpu.memory_space<vmem>>
        %dma_start3A_94 = tpu.memref_squeeze %dma_start3A_93 : memref<1x1x128xi32, #tpu.memory_space<vmem>> -> memref<128xi32, #tpu.memory_space<vmem>>
        %dma_start3A_95 = arith.constant 0 : i32
        %dma_start3A_96 = arith.constant 0 : i32
        %dma_start3A_97 = tpu.memref_slice %arg10[%dma_start3A_95, %dma_start3A_96] : memref<10240x128xf32, #tpu.memory_space<vmem_shared>> -> memref<10240x128xf32, #tpu.memory_space<vmem_shared>>
        tpu.enqueue_indirect_dma source(%arg9 : memref<128x128xf32, #tpu.memory_space<vmem>>) target(%dma_start3A_97 : memref<10240x128xf32, #tpu.memory_space<vmem_shared>>) offsets(%dma_start3A_94 : memref<128xi32, #tpu.memory_space<vmem>>) semaphore(%run_scoped3A_91 : memref<!tpu.dma_semaphore, #tpu.memory_space<semaphore_mem>>) {add = true}
        %dma_wait3A_98 = arith.constant 0 : i32
        %dma_wait3A_99 = tpu.memref_slice %arg7[%rem3A_45, %run_scoped3A_83, %dma_wait3A_98] : memref<2x16x128xi32, #tpu.memory_space<vmem>> -> memref<1x1x128xi32, #tpu.memory_space<vmem>>
        %dma_wait3A_100 = tpu.memref_squeeze %dma_wait3A_99 : memref<1x1x128xi32, #tpu.memory_space<vmem>> -> memref<128xi32, #tpu.memory_space<vmem>>
        %dma_wait3A_101 = arith.constant 0 : i32
        %dma_wait3A_102 = arith.constant 0 : i32
        %dma_wait3A_103 = tpu.memref_slice %arg10[%dma_wait3A_101, %dma_wait3A_102] : memref<10240x128xf32, #tpu.memory_space<vmem_shared>> -> memref<10240x128xf32, #tpu.memory_space<vmem_shared>>
        tpu.wait_indirect_dma semaphore(%run_scoped3A_91 : memref<!tpu.dma_semaphore, #tpu.memory_space<semaphore_mem>>) src(%arg9 : memref<128x128xf32, #tpu.memory_space<vmem>>) dst(%dma_wait3A_103 : memref<10240x128xf32, #tpu.memory_space<vmem_shared>>)
        tpu.yield
      }) : () -> ()
      %add3A_84 = arith.constant 1 : i32
      %add3A_85 = arith.addi %scan3A_44, %add3A_84 : i32
      %lt3A_86 = arith.constant 5 : i32
      %lt3A_87 = arith.cmpi slt, %add3A_85, %lt3A_86 : i32
      %convert_element_type3A_88 = arith.extui %lt3A_87 : i1 to i32
      %cond3A_89 = arith.constant 0 : i32
      %cond3A_90 = arith.cmpi ne, %convert_element_type3A_88, %cond3A_89 : i32
      scf.if %cond3A_90 {
        %dma_start3A_91 = arith.constant 1 : i32
        %dma_start3A_92 = arith.constant 0 : i32
        %dma_start3A_93 = tpu.memref_slice %arg6[%rem3A_49, %dma_start3A_91, %dma_start3A_92] : memref<2x16x128xi32, #tpu.memory_space<vmem>> -> memref<1x1x128xi32, #tpu.memory_space<vmem>>
        %dma_start3A_94 = tpu.memref_squeeze %dma_start3A_93 : memref<1x1x128xi32, #tpu.memory_space<vmem>> -> memref<128xi32, #tpu.memory_space<vmem>>
        %dma_start3A_95 = arith.constant 0 : i32
        %dma_start3A_96 = arith.constant 0 : i32
        %dma_start3A_97 = tpu.memref_slice %arg2[%dma_start3A_95, %dma_start3A_96] : memref<10240x128xf32, #tpu.memory_space<hbm>> -> memref<10240x128xf32, #tpu.memory_space<hbm>>
        tpu.enqueue_indirect_dma source(%dma_start3A_97 : memref<10240x128xf32, #tpu.memory_space<hbm>>) target(%arg9 : memref<128x128xf32, #tpu.memory_space<vmem>>) offsets(%dma_start3A_94 : memref<128xi32, #tpu.memory_space<vmem>>) semaphore(%arg12 : memref<!tpu.dma_semaphore, #tpu.memory_space<semaphore_mem>>)
      } else {
      }
    }
    %scan3A_42 = arith.constant 5 : i32
    %barrier3A_43 = arith.constant 0 : index
    tpu.barrier barrier_id(%barrier3A_43)
    "tpu.region"() ({
      %run_scoped3A_44 = tpu.sem_alloc : memref<!tpu.dma_semaphore, #tpu.memory_space<semaphore_mem>>
      %dma_start3A_45 = arith.constant 0 : i32
      %dma_start3A_46 = arith.constant 0 : i32
      %dma_start3A_47 = tpu.memref_slice %arg5[%arg0, %dma_start3A_45, %dma_start3A_46] : memref<2x10240x128xf32, #tpu.memory_space<hbm>> -> memref<1x10240x128xf32, #tpu.memory_space<hbm>>
      %dma_start3A_48 = tpu.memref_squeeze %dma_start3A_47 : memref<1x10240x128xf32, #tpu.memory_space<hbm>> -> memref<10240x128xf32, #tpu.memory_space<hbm>>
      %dma_start3A_49 = arith.constant 0 : i32
      %dma_start3A_50 = tpu.memref_slice %dma_start3A_48[%mul3A_8, %dma_start3A_49] : memref<10240x128xf32, #tpu.memory_space<hbm>> -> memref<640x128xf32, #tpu.memory_space<hbm>>
      %dma_start3A_51 = arith.constant 0 : i32
      %dma_start3A_52 = tpu.memref_slice %arg10[%mul3A_8, %dma_start3A_51] : memref<10240x128xf32, #tpu.memory_space<vmem_shared>> -> memref<640x128xf32, #tpu.memory_space<vmem_shared>>
      tpu.enqueue_dma source(%dma_start3A_52 : memref<640x128xf32, #tpu.memory_space<vmem_shared>>) target(%dma_start3A_50 : memref<640x128xf32, #tpu.memory_space<hbm>>) target_semaphore(%run_scoped3A_44 : memref<!tpu.dma_semaphore, #tpu.memory_space<semaphore_mem>>)
      %dma_wait3A = arith.constant 0 : i32
      %dma_wait3A_53 = arith.constant 0 : i32
      %dma_wait3A_54 = tpu.memref_slice %arg5[%arg0, %dma_wait3A, %dma_wait3A_53] : memref<2x10240x128xf32, #tpu.memory_space<hbm>> -> memref<1x10240x128xf32, #tpu.memory_space<hbm>>
      %dma_wait3A_55 = tpu.memref_squeeze %dma_wait3A_54 : memref<1x10240x128xf32, #tpu.memory_space<hbm>> -> memref<10240x128xf32, #tpu.memory_space<hbm>>
      %dma_wait3A_56 = arith.constant 0 : i32
      %dma_wait3A_57 = tpu.memref_slice %dma_wait3A_55[%mul3A_8, %dma_wait3A_56] : memref<10240x128xf32, #tpu.memory_space<hbm>> -> memref<640x128xf32, #tpu.memory_space<hbm>>
      %dma_wait3A_58 = arith.constant 0 : i32
      %dma_wait3A_59 = tpu.memref_slice %arg10[%mul3A_8, %dma_wait3A_58] : memref<10240x128xf32, #tpu.memory_space<vmem_shared>> -> memref<640x128xf32, #tpu.memory_space<vmem_shared>>
      tpu.wait_dma2 semaphore(%run_scoped3A_44 : memref<!tpu.dma_semaphore, #tpu.memory_space<semaphore_mem>>) src(%dma_wait3A_59 : memref<640x128xf32, #tpu.memory_space<vmem_shared>>) dst(%dma_wait3A_57 : memref<640x128xf32, #tpu.memory_space<hbm>>)
      tpu.yield
    }) : () -> ()
    return
  }
}

module attributes {stable_mosaic.version = 14 : i64} {
  func.func @_tc2_body(%arg0: i32, %arg1: memref<1024x128xf32, #tpu.memory_space<vmem>>, %arg2: memref<2x1024x128xf32, #tpu.memory_space<vmem>>, %arg3: memref<2x1024x64xf32, #tpu.memory_space<vmem>>, %arg4: memref<1x128xf32, #tpu.memory_space<vmem>>, %arg5: memref<128x128xf32, #tpu.memory_space<vmem>>, %arg6: memref<1024x128xf32, #tpu.memory_space<vmem>>) attributes {dimension_semantics = [#tpu.dimension_semantics<arbitrary>], iteration_bounds = array<i64: 10>, scalar_prefetch = 0 : i64, scratch_operands = 0 : i64, tpu.core_type = #tpu.core_type<tc>, window_params = [{transform_indices = @transform_0, window_bounds = array<i64: 1024, 128>}, {transform_indices = @transform_1, window_bounds = array<i64: 2, 1024, 128>}, {transform_indices = @transform_2, window_bounds = array<i64: 2, 1024, 64>}, {pipeline_mode = #tpu.pipeline_mode<synchronous>, transform_indices = @transform_3, window_bounds = array<i64: 1, 128>}, {pipeline_mode = #tpu.pipeline_mode<synchronous>, transform_indices = @transform_4, window_bounds = array<i64: 128, 128>}, {transform_indices = @transform_5, window_bounds = array<i64: 1024, 128>}]} {
    %get3A = arith.constant 0 : index
    %get3A_0 = arith.constant 0 : index
    %get3A_1 = arith.constant 0 : index
    %get3A_2 = vector.load %arg3[%get3A, %get3A_0, %get3A_1] : memref<2x1024x64xf32, #tpu.memory_space<vmem>>, vector<2x1024x64xf32>
    %slice3A = vector.extract_strided_slice %get3A_2 {offsets = [0, 0, 0], sizes = [1, 1024, 1], strides = [1, 1, 1]} : vector<2x1024x64xf32> to vector<1x1024x1xf32>
    %squeeze3A = vector.shape_cast %slice3A : vector<1x1024x1xf32> to vector<1024xf32>
    %slice3A_3 = vector.extract_strided_slice %get3A_2 {offsets = [1, 0, 0], sizes = [1, 1024, 1], strides = [1, 1, 1]} : vector<2x1024x64xf32> to vector<1x1024x1xf32>
    %squeeze3A_4 = vector.shape_cast %slice3A_3 : vector<1x1024x1xf32> to vector<1024xf32>
    %add3A = arith.addf %squeeze3A, %squeeze3A_4 : vector<1024xf32>
    %add3A_5 = arith.constant 1.000000e+00 : f32
    %add3A_6 = vector.broadcast %add3A_5 : f32 to vector<1024xf32>
    %add3A_7 = arith.addf %add3A, %add3A_6 : vector<1024xf32>
    %rsqrt3A = math.rsqrt %add3A_7 : vector<1024xf32>
    %get3A_8 = arith.constant 0 : index
    %get3A_9 = arith.constant 0 : index
    %get3A_10 = arith.constant 0 : index
    %get3A_11 = vector.load %arg2[%get3A_8, %get3A_9, %get3A_10] : memref<2x1024x128xf32, #tpu.memory_space<vmem>>, vector<1x1024x128xf32>
    %get3A_12 = vector.shape_cast %get3A_11 : vector<1x1024x128xf32> to vector<1024x128xf32>
    %get3A_13 = arith.constant 1 : index
    %get3A_14 = arith.constant 0 : index
    %get3A_15 = arith.constant 0 : index
    %get3A_16 = vector.load %arg2[%get3A_13, %get3A_14, %get3A_15] : memref<2x1024x128xf32, #tpu.memory_space<vmem>>, vector<1x1024x128xf32>
    %get3A_17 = vector.shape_cast %get3A_16 : vector<1x1024x128xf32> to vector<1024x128xf32>
    %add3A_18 = arith.addf %get3A_12, %get3A_17 : vector<1024x128xf32>
    %get3A_19 = arith.constant 0 : index
    %get3A_20 = arith.constant 0 : index
    %get3A_21 = vector.load %arg1[%get3A_19, %get3A_20] : memref<1024x128xf32, #tpu.memory_space<vmem>>, vector<1024x128xf32>
    %add3A_22 = arith.addf %add3A_18, %get3A_21 : vector<1024x128xf32>
    %broadcast_in_dim3A = vector.shape_cast %rsqrt3A : vector<1024xf32> to vector<1024x1xf32>
    %mul3A = vector.broadcast %broadcast_in_dim3A : vector<1024x1xf32> to vector<1024x128xf32>
    %mul3A_23 = arith.mulf %add3A_22, %mul3A : vector<1024x128xf32>
    %get3A_24 = arith.constant 0 : index
    %get3A_25 = arith.constant 0 : index
    %get3A_26 = vector.load %arg4[%get3A_24, %get3A_25] : memref<1x128xf32, #tpu.memory_space<vmem>>, vector<1x128xf32>
    %add3A_27 = vector.broadcast %get3A_26 : vector<1x128xf32> to vector<1024x128xf32>
    %add3A_28 = arith.addf %mul3A_23, %add3A_27 : vector<1024x128xf32>
    %max3A = arith.constant 0.000000e+00 : f32
    %max3A_29 = vector.broadcast %max3A : f32 to vector<1024x128xf32>
    %max3A_30 = arith.maximumf %add3A_28, %max3A_29 : vector<1024x128xf32>
    %get3A_31 = arith.constant 0 : index
    %get3A_32 = arith.constant 0 : index
    %get3A_33 = vector.load %arg5[%get3A_31, %get3A_32] : memref<128x128xf32, #tpu.memory_space<vmem>>, vector<128x128xf32>
    %dot_general3A = arith.constant dense<0.000000e+00> : vector<1024x128xf32>
    %dot_general3A_34 = tpu.matmul %max3A_30, %get3A_33, %dot_general3A {dimension_numbers = #tpu.dot_dimension_numbers<[1], [0], [0], [1], [0, 0, 1, 1], [], []>, transpose_lhs_hint = false} : vector<1024x128xf32>, vector<128x128xf32>, vector<1024x128xf32> -> vector<1024x128xf32>
    %broadcast_in_dim3A_35 = vector.shape_cast %rsqrt3A : vector<1024xf32> to vector<1024x1xf32>
    %mul3A_36 = vector.broadcast %broadcast_in_dim3A_35 : vector<1024x1xf32> to vector<1024x128xf32>
    %mul3A_37 = arith.mulf %dot_general3A_34, %mul3A_36 : vector<1024x128xf32>
    %swap3A = arith.constant 0 : index
    %swap3A_38 = arith.constant 0 : index
    %swap3A_39 = vector.load %arg6[%swap3A, %swap3A_38] : memref<1024x128xf32, #tpu.memory_space<vmem>>, vector<1024x128xf32>
    tpu.vector_store %arg6[%swap3A, %swap3A_38], %mul3A_37 {strides = array<i32>} : memref<1024x128xf32, #tpu.memory_space<vmem>>, vector<1024x128xf32>,
    return
  }
  func.func @transform_0(%arg0: i32) -> (i32, i32) {
    %c0_i32 = arith.constant 0 : i32
    %c0_i32_0 = arith.constant 0 : i32
    return %arg0, %c0_i32 : i32, i32
  }
  func.func @transform_1(%arg0: i32) -> (i32, i32, i32) {
    %c0_i32 = arith.constant 0 : i32
    %c0_i32_0 = arith.constant 0 : i32
    %c0_i32_1 = arith.constant 0 : i32
    return %c0_i32, %arg0, %c0_i32_0 : i32, i32, i32
  }
  func.func @transform_2(%arg0: i32) -> (i32, i32, i32) {
    %c0_i32 = arith.constant 0 : i32
    %c0_i32_0 = arith.constant 0 : i32
    %c0_i32_1 = arith.constant 0 : i32
    return %c0_i32, %arg0, %c0_i32_0 : i32, i32, i32
  }
  func.func @transform_3(%arg0: i32) -> (i32, i32) {
    %c0_i32 = arith.constant 0 : i32
    %c0_i32_0 = arith.constant 0 : i32
    %c0_i32_1 = arith.constant 0 : i32
    return %c0_i32, %c0_i32_0 : i32, i32
  }
  func.func @transform_4(%arg0: i32) -> (i32, i32) {
    %c0_i32 = arith.constant 0 : i32
    %c0_i32_0 = arith.constant 0 : i32
    %c0_i32_1 = arith.constant 0 : i32
    return %c0_i32, %c0_i32_0 : i32, i32
  }
  func.func @transform_5(%arg0: i32) -> (i32, i32) {
    %c0_i32 = arith.constant 0 : i32
    %c0_i32_0 = arith.constant 0 : i32
    return %arg0, %c0_i32 : i32, i32
  }
}

module attributes {stable_mosaic.version = 14 : i64} {
  func.func @_tc1_body(%arg0: i32, %arg1: memref<1024x128xf32, #tpu.memory_space<vmem>>, %arg2: memref<128x128xf32, #tpu.memory_space<vmem>>, %arg3: memref<2x1024x64xf32, #tpu.memory_space<vmem>>, %arg4: memref<1024x128xf32, #tpu.memory_space<vmem>>) attributes {dimension_semantics = [#tpu.dimension_semantics<arbitrary>], iteration_bounds = array<i64: 10>, scalar_prefetch = 0 : i64, scratch_operands = 0 : i64, tpu.core_type = #tpu.core_type<tc>, window_params = [{transform_indices = @transform_0, window_bounds = array<i64: 1024, 128>}, {pipeline_mode = #tpu.pipeline_mode<synchronous>, transform_indices = @transform_1, window_bounds = array<i64: 128, 128>}, {transform_indices = @transform_2, window_bounds = array<i64: 2, 1024, 64>}, {transform_indices = @transform_3, window_bounds = array<i64: 1024, 128>}]} {
    %get3A = arith.constant 0 : index
    %get3A_0 = arith.constant 0 : index
    %get3A_1 = arith.constant 0 : index
    %get3A_2 = vector.load %arg3[%get3A, %get3A_0, %get3A_1] : memref<2x1024x64xf32, #tpu.memory_space<vmem>>, vector<2x1024x64xf32>
    %slice3A = vector.extract_strided_slice %get3A_2 {offsets = [0, 0, 0], sizes = [1, 1024, 1], strides = [1, 1, 1]} : vector<2x1024x64xf32> to vector<1x1024x1xf32>
    %squeeze3A = vector.shape_cast %slice3A : vector<1x1024x1xf32> to vector<1024xf32>
    %slice3A_3 = vector.extract_strided_slice %get3A_2 {offsets = [1, 0, 0], sizes = [1, 1024, 1], strides = [1, 1, 1]} : vector<2x1024x64xf32> to vector<1x1024x1xf32>
    %squeeze3A_4 = vector.shape_cast %slice3A_3 : vector<1x1024x1xf32> to vector<1024xf32>
    %add3A = arith.addf %squeeze3A, %squeeze3A_4 : vector<1024xf32>
    %add3A_5 = arith.constant 1.000000e+00 : f32
    %add3A_6 = vector.broadcast %add3A_5 : f32 to vector<1024xf32>
    %add3A_7 = arith.addf %add3A, %add3A_6 : vector<1024xf32>
    %rsqrt3A = math.rsqrt %add3A_7 : vector<1024xf32>
    %get3A_8 = arith.constant 0 : index
    %get3A_9 = arith.constant 0 : index
    %get3A_10 = vector.load %arg1[%get3A_8, %get3A_9] : memref<1024x128xf32, #tpu.memory_space<vmem>>, vector<1024x128xf32>
    %get3A_11 = arith.constant 0 : index
    %get3A_12 = arith.constant 0 : index
    %get3A_13 = vector.load %arg2[%get3A_11, %get3A_12] : memref<128x128xf32, #tpu.memory_space<vmem>>, vector<128x128xf32>
    %dot_general3A = arith.constant dense<0.000000e+00> : vector<1024x128xf32>
    %dot_general3A_14 = tpu.matmul %get3A_10, %get3A_13, %dot_general3A {dimension_numbers = #tpu.dot_dimension_numbers<[1], [0], [0], [1], [0, 0, 1, 1], [], []>, transpose_lhs_hint = false} : vector<1024x128xf32>, vector<128x128xf32>, vector<1024x128xf32> -> vector<1024x128xf32>
    %broadcast_in_dim3A = vector.shape_cast %rsqrt3A : vector<1024xf32> to vector<1024x1xf32>
    %mul3A = vector.broadcast %broadcast_in_dim3A : vector<1024x1xf32> to vector<1024x128xf32>
    %mul3A_15 = arith.mulf %dot_general3A_14, %mul3A : vector<1024x128xf32>
    %swap3A = arith.constant 0 : index
    %swap3A_16 = arith.constant 0 : index
    %swap3A_17 = vector.load %arg4[%swap3A, %swap3A_16] : memref<1024x128xf32, #tpu.memory_space<vmem>>, vector<1024x128xf32>
    tpu.vector_store %arg4[%swap3A, %swap3A_16], %mul3A_15 {strides = array<i32>} : memref<1024x128xf32, #tpu.memory_space<vmem>>, vector<1024x128xf32>,
    return
  }
  func.func @transform_0(%arg0: i32) -> (i32, i32) {
    %c0_i32 = arith.constant 0 : i32
    %c0_i32_0 = arith.constant 0 : i32
    return %arg0, %c0_i32 : i32, i32
  }
  func.func @transform_1(%arg0: i32) -> (i32, i32) {
    %c0_i32 = arith.constant 0 : i32
    %c0_i32_0 = arith.constant 0 : i32
    %c0_i32_1 = arith.constant 0 : i32
    return %c0_i32, %c0_i32_0 : i32, i32
  }
  func.func @transform_2(%arg0: i32) -> (i32, i32, i32) {
    %c0_i32 = arith.constant 0 : i32
    %c0_i32_0 = arith.constant 0 : i32
    %c0_i32_1 = arith.constant 0 : i32
    return %c0_i32, %arg0, %c0_i32_0 : i32, i32, i32
  }
  func.func @transform_3(%arg0: i32) -> (i32, i32) {
    %c0_i32 = arith.constant 0 : i32
    %c0_i32_0 = arith.constant 0 : i32
    return %arg0, %c0_i32 : i32, i32
  }
}

module attributes {stable_mosaic.version = 14 : i64} {
  func.func @_tc3_body(%arg0: i32, %arg1: memref<1024x128xf32, #tpu.memory_space<vmem>>, %arg2: memref<2x1024x128xf32, #tpu.memory_space<vmem>>, %arg3: memref<2x1024x64xf32, #tpu.memory_space<vmem>>, %arg4: memref<1x128xf32, #tpu.memory_space<vmem>>, %arg5: memref<1x1024xf32, #tpu.memory_space<vmem>>, %arg6: memref<128x16xf32, #tpu.memory_space<vmem>>, %arg7: memref<1x16xf32, #tpu.memory_space<vmem>>, %arg8: memref<16x16xf32, #tpu.memory_space<vmem>>, %arg9: memref<16x128xf32, #tpu.memory_space<vmem>>, %arg10: memref<16x128xf32, #tpu.memory_space<vmem>>) attributes {dimension_semantics = [#tpu.dimension_semantics<arbitrary>], iteration_bounds = array<i64: 10>, scalar_prefetch = 0 : i64, scratch_operands = 2 : i64, tpu.core_type = #tpu.core_type<tc>, window_params = [{transform_indices = @transform_0, window_bounds = array<i64: 1024, 128>}, {transform_indices = @transform_1, window_bounds = array<i64: 2, 1024, 128>}, {transform_indices = @transform_2, window_bounds = array<i64: 2, 1024, 64>}, {pipeline_mode = #tpu.pipeline_mode<synchronous>, transform_indices = @transform_3, window_bounds = array<i64: 1, 128>}, {transform_indices = @transform_4, window_bounds = array<i64: 1, 1024>}, {pipeline_mode = #tpu.pipeline_mode<synchronous>, transform_indices = @transform_5, window_bounds = array<i64: 128, 16>}, {pipeline_mode = #tpu.pipeline_mode<synchronous>, transform_indices = @transform_6, window_bounds = array<i64: 1, 16>}, {pipeline_mode = #tpu.pipeline_mode<synchronous>, transform_indices = @transform_7, window_bounds = array<i64: 16, 16>}]} {
    %get3A = arith.constant 0 : index
    %get3A_0 = arith.constant 0 : index
    %get3A_1 = arith.constant 0 : index
    %get3A_2 = vector.load %arg3[%get3A, %get3A_0, %get3A_1] : memref<2x1024x64xf32, #tpu.memory_space<vmem>>, vector<2x1024x64xf32>
    %slice3A = vector.extract_strided_slice %get3A_2 {offsets = [0, 0, 0], sizes = [1, 1024, 1], strides = [1, 1, 1]} : vector<2x1024x64xf32> to vector<1x1024x1xf32>
    %squeeze3A = vector.shape_cast %slice3A : vector<1x1024x1xf32> to vector<1024xf32>
    %slice3A_3 = vector.extract_strided_slice %get3A_2 {offsets = [1, 0, 0], sizes = [1, 1024, 1], strides = [1, 1, 1]} : vector<2x1024x64xf32> to vector<1x1024x1xf32>
    %squeeze3A_4 = vector.shape_cast %slice3A_3 : vector<1x1024x1xf32> to vector<1024xf32>
    %add3A = arith.addf %squeeze3A, %squeeze3A_4 : vector<1024xf32>
    %add3A_5 = arith.constant 1.000000e+00 : f32
    %add3A_6 = vector.broadcast %add3A_5 : f32 to vector<1024xf32>
    %add3A_7 = arith.addf %add3A, %add3A_6 : vector<1024xf32>
    %rsqrt3A = math.rsqrt %add3A_7 : vector<1024xf32>
    %get3A_8 = arith.constant 0 : index
    %get3A_9 = arith.constant 0 : index
    %get3A_10 = arith.constant 0 : index
    %get3A_11 = vector.load %arg2[%get3A_8, %get3A_9, %get3A_10] : memref<2x1024x128xf32, #tpu.memory_space<vmem>>, vector<1x1024x128xf32>
    %get3A_12 = vector.shape_cast %get3A_11 : vector<1x1024x128xf32> to vector<1024x128xf32>
    %get3A_13 = arith.constant 1 : index
    %get3A_14 = arith.constant 0 : index
    %get3A_15 = arith.constant 0 : index
    %get3A_16 = vector.load %arg2[%get3A_13, %get3A_14, %get3A_15] : memref<2x1024x128xf32, #tpu.memory_space<vmem>>, vector<1x1024x128xf32>
    %get3A_17 = vector.shape_cast %get3A_16 : vector<1x1024x128xf32> to vector<1024x128xf32>
    %add3A_18 = arith.addf %get3A_12, %get3A_17 : vector<1024x128xf32>
    %get3A_19 = arith.constant 0 : index
    %get3A_20 = arith.constant 0 : index
    %get3A_21 = vector.load %arg1[%get3A_19, %get3A_20] : memref<1024x128xf32, #tpu.memory_space<vmem>>, vector<1024x128xf32>
    %add3A_22 = arith.addf %add3A_18, %get3A_21 : vector<1024x128xf32>
    %broadcast_in_dim3A = vector.shape_cast %rsqrt3A : vector<1024xf32> to vector<1024x1xf32>
    %mul3A = vector.broadcast %broadcast_in_dim3A : vector<1024x1xf32> to vector<1024x128xf32>
    %mul3A_23 = arith.mulf %add3A_22, %mul3A : vector<1024x128xf32>
    %get3A_24 = arith.constant 0 : index
    %get3A_25 = arith.constant 0 : index
    %get3A_26 = vector.load %arg4[%get3A_24, %get3A_25] : memref<1x128xf32, #tpu.memory_space<vmem>>, vector<1x128xf32>
    %add3A_27 = vector.broadcast %get3A_26 : vector<1x128xf32> to vector<1024x128xf32>
    %add3A_28 = arith.addf %mul3A_23, %add3A_27 : vector<1024x128xf32>
    %max3A = arith.constant 0.000000e+00 : f32
    %max3A_29 = vector.broadcast %max3A : f32 to vector<1024x128xf32>
    %max3A_30 = arith.maximumf %add3A_28, %max3A_29 : vector<1024x128xf32>
    %iota3A = tpu.iota {dimensions = array<i32: 0>} : vector<16x1024xi32>
    %convert_element_type3A = arith.sitofp %iota3A : vector<16x1024xi32> to vector<16x1024xf32>
    %get3A_31 = arith.constant 0 : index
    %get3A_32 = arith.constant 0 : index
    %get3A_33 = vector.load %arg5[%get3A_31, %get3A_32] : memref<1x1024xf32, #tpu.memory_space<vmem>>, vector<1x1024xf32>
    %eq3A = vector.broadcast %get3A_33 : vector<1x1024xf32> to vector<16x1024xf32>
    %eq3A_34 = arith.cmpf oeq, %convert_element_type3A, %eq3A : vector<16x1024xf32>
    %convert_element_type3A_35 = arith.extui %eq3A_34 : vector<16x1024xi1> to vector<16x1024xi32>
    %convert_element_type3A_36 = arith.sitofp %convert_element_type3A_35 : vector<16x1024xi32> to vector<16x1024xf32>
    %eq3A_37 = arith.constant 0 : i32
    %eq3A_38 = arith.cmpi eq, %arg0, %eq3A_37 : i32
    %convert_element_type3A_39 = arith.extui %eq3A_38 : i1 to i32
    %cond3A = arith.constant 0 : i32
    %cond3A_40 = arith.cmpi ne, %convert_element_type3A_39, %cond3A : i32
    scf.if %cond3A_40 {
      %broadcast_in_dim3A_63 = arith.constant 0.000000e+00 : f32
      %broadcast_in_dim3A_64 = vector.broadcast %broadcast_in_dim3A_63 : f32 to vector<16x128xf32>
      %swap3A_65 = arith.constant 0 : index
      %swap3A_66 = arith.constant 0 : index
      %swap3A_67 = vector.load %arg9[%swap3A_65, %swap3A_66] : memref<16x128xf32, #tpu.memory_space<vmem>>, vector<16x128xf32>
      tpu.vector_store %arg9[%swap3A_65, %swap3A_66], %broadcast_in_dim3A_64 {strides = array<i32>} : memref<16x128xf32, #tpu.memory_space<vmem>>, vector<16x128xf32>,
      %broadcast_in_dim3A_68 = arith.constant 0.000000e+00 : f32
      %broadcast_in_dim3A_69 = vector.broadcast %broadcast_in_dim3A_68 : f32 to vector<16x128xf32>
      %swap3A_70 = arith.constant 0 : index
      %swap3A_71 = arith.constant 0 : index
      %swap3A_72 = vector.load %arg10[%swap3A_70, %swap3A_71] : memref<16x128xf32, #tpu.memory_space<vmem>>, vector<16x128xf32>
      tpu.vector_store %arg10[%swap3A_70, %swap3A_71], %broadcast_in_dim3A_69 {strides = array<i32>} : memref<16x128xf32, #tpu.memory_space<vmem>>, vector<16x128xf32>,
    } else {
    }
    %get3A_41 = arith.constant 0 : index
    %get3A_42 = arith.constant 0 : index
    %get3A_43 = vector.load %arg9[%get3A_41, %get3A_42] : memref<16x128xf32, #tpu.memory_space<vmem>>, vector<16x128xf32>
    %dot_general3A = arith.constant dense<0.000000e+00> : vector<16x128xf32>
    %dot_general3A_44 = tpu.matmul %convert_element_type3A_36, %max3A_30, %dot_general3A {dimension_numbers = #tpu.dot_dimension_numbers<[1], [0], [0], [1], [0, 0, 1, 1], [], []>, transpose_lhs_hint = false} : vector<16x1024xf32>, vector<1024x128xf32>, vector<16x128xf32> -> vector<16x128xf32>
    %add3A_45 = arith.addf %get3A_43, %dot_general3A_44 : vector<16x128xf32>
    %swap3A = arith.constant 0 : index
    %swap3A_46 = arith.constant 0 : index
    %swap3A_47 = vector.load %arg9[%swap3A, %swap3A_46] : memref<16x128xf32, #tpu.memory_space<vmem>>, vector<16x128xf32>
    tpu.vector_store %arg9[%swap3A, %swap3A_46], %add3A_45 {strides = array<i32>} : memref<16x128xf32, #tpu.memory_space<vmem>>, vector<16x128xf32>,
    %get3A_48 = arith.constant 0 : index
    %get3A_49 = arith.constant 0 : index
    %get3A_50 = vector.load %arg10[%get3A_48, %get3A_49] : memref<16x128xf32, #tpu.memory_space<vmem>>, vector<16x128xf32>
    %reduce_sum3A = arith.constant dense<0.000000e+00> : vector<16xf32>
    %reduce_sum3A_51 = vector.multi_reduction <add>, %convert_element_type3A_36, %reduce_sum3A [1] : vector<16x1024xf32> to vector<16xf32>
    %broadcast_in_dim3A_52 = vector.shape_cast %reduce_sum3A_51 : vector<16xf32> to vector<16x1xf32>
    %add3A_53 = vector.broadcast %broadcast_in_dim3A_52 : vector<16x1xf32> to vector<16x128xf32>
    %add3A_54 = arith.addf %get3A_50, %add3A_53 : vector<16x128xf32>
    %swap3A_55 = arith.constant 0 : index
    %swap3A_56 = arith.constant 0 : index
    %swap3A_57 = vector.load %arg10[%swap3A_55, %swap3A_56] : memref<16x128xf32, #tpu.memory_space<vmem>>, vector<16x128xf32>
    tpu.vector_store %arg10[%swap3A_55, %swap3A_56], %add3A_54 {strides = array<i32>} : memref<16x128xf32, #tpu.memory_space<vmem>>, vector<16x128xf32>,
    %eq3A_58 = arith.constant 9 : i32
    %eq3A_59 = arith.cmpi eq, %arg0, %eq3A_58 : i32
    %convert_element_type3A_60 = arith.extui %eq3A_59 : i1 to i32
    %cond3A_61 = arith.constant 0 : i32
    %cond3A_62 = arith.cmpi ne, %convert_element_type3A_60, %cond3A_61 : i32
    scf.if %cond3A_62 {
      %get3A_63 = arith.constant 0 : index
      %get3A_64 = arith.constant 0 : index
      %get3A_65 = vector.load %arg9[%get3A_63, %get3A_64] : memref<16x128xf32, #tpu.memory_space<vmem>>, vector<16x128xf32>
      %get3A_66 = arith.constant 0 : index
      %get3A_67 = arith.constant 0 : index
      %get3A_68 = vector.load %arg10[%get3A_66, %get3A_67] : memref<16x128xf32, #tpu.memory_space<vmem>>, vector<16x128xf32>
      %slice3A_69 = vector.extract_strided_slice %get3A_68 {offsets = [0, 0], sizes = [16, 1], strides = [1, 1]} : vector<16x128xf32> to vector<16x1xf32>
      %max3A_70 = arith.constant 1.000000e+00 : f32
      %max3A_71 = vector.broadcast %max3A_70 : f32 to vector<16x1xf32>
      %max3A_72 = arith.maximumf %slice3A_69, %max3A_71 : vector<16x1xf32>
      %div3A = vector.broadcast %max3A_72 : vector<16x1xf32> to vector<16x128xf32>
      %div3A_73 = arith.divf %get3A_65, %div3A : vector<16x128xf32>
      %get3A_74 = arith.constant 0 : index
      %get3A_75 = arith.constant 0 : index
      %get3A_76 = vector.load %arg6[%get3A_74, %get3A_75] : memref<128x16xf32, #tpu.memory_space<vmem>>, vector<128x16xf32>
      %dot_general3A_77 = arith.constant dense<0.000000e+00> : vector<16x16xf32>
      %dot_general3A_78 = tpu.matmul %div3A_73, %get3A_76, %dot_general3A_77 {dimension_numbers = #tpu.dot_dimension_numbers<[1], [0], [0], [1], [0, 0, 1, 1], [], []>, transpose_lhs_hint = false} : vector<16x128xf32>, vector<128x16xf32>, vector<16x16xf32> -> vector<16x16xf32>
      %get3A_79 = arith.constant 0 : index
      %get3A_80 = arith.constant 0 : index
      %get3A_81 = vector.load %arg7[%get3A_79, %get3A_80] : memref<1x16xf32, #tpu.memory_space<vmem>>, vector<1x16xf32>
      %add3A_82 = vector.broadcast %get3A_81 : vector<1x16xf32> to vector<16x16xf32>
      %add3A_83 = arith.addf %dot_general3A_78, %add3A_82 : vector<16x16xf32>
      %swap3A_84 = arith.constant 0 : index
      %swap3A_85 = arith.constant 0 : index
      %swap3A_86 = vector.load %arg8[%swap3A_84, %swap3A_85] : memref<16x16xf32, #tpu.memory_space<vmem>>, vector<16x16xf32>
      tpu.vector_store %arg8[%swap3A_84, %swap3A_85], %add3A_83 {strides = array<i32>} : memref<16x16xf32, #tpu.memory_space<vmem>>, vector<16x16xf32>,
    } else {
    }
    return
  }
  func.func @transform_0(%arg0: i32) -> (i32, i32) {
    %c0_i32 = arith.constant 0 : i32
    %c0_i32_0 = arith.constant 0 : i32
    return %arg0, %c0_i32 : i32, i32
  }
  func.func @transform_1(%arg0: i32) -> (i32, i32, i32) {
    %c0_i32 = arith.constant 0 : i32
    %c0_i32_0 = arith.constant 0 : i32
    %c0_i32_1 = arith.constant 0 : i32
    return %c0_i32, %arg0, %c0_i32_0 : i32, i32, i32
  }
  func.func @transform_2(%arg0: i32) -> (i32, i32, i32) {
    %c0_i32 = arith.constant 0 : i32
    %c0_i32_0 = arith.constant 0 : i32
    %c0_i32_1 = arith.constant 0 : i32
    return %c0_i32, %arg0, %c0_i32_0 : i32, i32, i32
  }
  func.func @transform_3(%arg0: i32) -> (i32, i32) {
    %c0_i32 = arith.constant 0 : i32
    %c0_i32_0 = arith.constant 0 : i32
    %c0_i32_1 = arith.constant 0 : i32
    return %c0_i32, %c0_i32_0 : i32, i32
  }
  func.func @transform_4(%arg0: i32) -> (i32, i32) {
    %c0_i32 = arith.constant 0 : i32
    %c0_i32_0 = arith.constant 0 : i32
    return %c0_i32, %arg0 : i32, i32
  }
  func.func @transform_5(%arg0: i32) -> (i32, i32) {
    %c0_i32 = arith.constant 0 : i32
    %c0_i32_0 = arith.constant 0 : i32
    %c0_i32_1 = arith.constant 0 : i32
    return %c0_i32, %c0_i32_0 : i32, i32
  }
  func.func @transform_6(%arg0: i32) -> (i32, i32) {
    %c0_i32 = arith.constant 0 : i32
    %c0_i32_0 = arith.constant 0 : i32
    %c0_i32_1 = arith.constant 0 : i32
    return %c0_i32, %c0_i32_0 : i32, i32
  }
  func.func @transform_7(%arg0: i32) -> (i32, i32) {
    %c0_i32 = arith.constant 0 : i32
    %c0_i32_0 = arith.constant 0 : i32
    %c0_i32_1 = arith.constant 0 : i32
    return %c0_i32, %c0_i32_0 : i32, i32
  }
}

</mosaic_0001>

<sc_bundles>
// kernel: kernel.11.cloned.1.call-start
scs
__scs_entry_jumppad:
0x0: {  	(pc) =	sbr.rel $0x88, $3  }
0x1: {  	(tag) =	ssettag $0x0;
	lr =	simm.s32 $0x1  }
0x2: {  	[smem:$0x3F98] =	sst lr;
	_ =	strace $0xD0000000  }
0x3: {  	_ = 	snop  }
0x4: {  	_ = 	snop  }
0x5: {  	_ = 	snop  }
0x6: {  	_ = 	snop  }
0x7: {  	_ = 	snop  }
__scs_overlays_trampoline_lowered:
0x8: {  	[smem:$0x3FA7] =	sst s0  }
0x9: {  	[smem:$0x3FA8] =	sst s1  }
0xa: {  	[smem:$0x3FA9] =	sst s2  }
0xb: {  	[smem:$0x3FAA] =	sst s3  }
0xc: {  	[smem:$0x3FAB] =	sst s4  }
0xd: {  	[smem:$0x3FAC] =	sst s5  }
0xe: {  	[smem:$0x3FAD] =	sst s6  }
0xf: {  	[smem:$0x3FAE] =	sst s7  }
0x10: {  	[smem:$0x3FAF] =	sst s8  }
0x11: {  	[smem:$0x3FB0] =	sst s9;
	s0 =	simm.s32 @!p0 $0x0  }
0x12: {  	s1 =	sld [smem:$0x3F96];
	s0 =	simm.s32 @p0 $0x1  }
0x13: {  	[smem:$0x3FB1] =	sst s0;
	s0 =	simm.s32 @!p1 $0x0  }
0x14: {  	s2 =	sld [smem:$0x3F95];
	s0 =	simm.s32 @p1 $0x1  }
0x15: {  	[smem:$0x3FB2] =	sst s0;
	s0 =	simm.s32 @!p2 $0x0  }
0x16: {  	s3 =	sld [smem:$0x3FDB];
	s0 =	simm.s32 @p2 $0x1  }
0x17: {  	s4 =	simm.s32 $0x1BF5;
	[smem:$0x3FB4] =	sst s0  }
0x18: {  	s0 =	sld [smem:$0x3F97];
	_ =	swait.ge [sflag:s4], $0x0  }
0x19: {  	s7 =	sld [smem:$0x3F98]  }
0x1a: {  	s8 =	sadd.s32 $0xFFFFE003, lr  }
0x1b: {  	s9 =	sadd.s32 $0xFFFFFEF7, lr;
	s5 =	simm.s32 $0xFFFFFFFF;
	p2 =	slt.u32 s8, $0xFFFFF086  }
0x1c: {  	p1 =	slt.u32 s9, $0xF7A;
	s5 =	simm.s32 @!p2 $0x0  }
0x1d: {  	s5 =	simm.s32 @p1 $0x1;
	p0 =	seq.s32 s7, s2  }
0x1e: {  	s7 =	smul.u32 @!p0 $0xF7A, s2;
	p2 =	seq.s32 @!p0 s5, $0x0  }
0x1f: {  	s9 =	smul.u32 $0xF7A, s1;
	s8 =	simm.s32 @!p0 $0x1BF5;
	p2 =	por !p2, p0  }
0x20: {  	[sflag:s8] =	ssyncset.s32 @!p0 $0xFFFFF086;
	s6 =	sadd.s32 @!p0 s3, s7;
	s7 =	simm.s32 @!p0 $0x108  }
0x21: {  	s3 =	sadd.s32 s3, s9;
	s6 =	sadd.s32 @!p0 $0x88, s6;
	s7 =	simm.s32 @p2 $0x1082  }
0x22: {  	[simem:s7], [sflag:s8] =	dma.local @!p0 [hbm:s6], $0xF7A  }
0x23: {  	s9 =	sor.u32 $0xD0000000, s2;
	s6 =	simm.s32 $0x108;
	_ =	swait.ge @!p0 [sflag:s8], $0x0  }
0x24: {  	s3 =	sadd.s32 $0x88, s3;
	s6 =	simm.s32 @!p1 $0x1082;
	[sflag:s4] =	ssyncset.s32 $0xFFFFF086  }
0x25: {  	[simem:s6], [sflag:s4] =	dma.local [hbm:s3], $0xF7A  }
0x26: {  	[smem:$0x3F98] =	sst s1;
	(tag) =	ssettag s2;
	_ =	strace s9  }
0x27: {  	s1 =	sld [smem:$0x3FA8]  }
0x28: {  	s2 =	sld [smem:$0x3FA9]  }
0x29: {  	s4 =	sld [smem:$0x3FAB]  }
0x2a: {  	p0 =	seq.s32 s5, $0x0;
	s5 =	sld [smem:$0x3FAC]  }
0x2b: {  	s6 =	sld [smem:$0x3FAD]  }
0x2c: {  	s7 =	sld [smem:$0x3FAE]  }
0x2d: {  	s3 =	simm.s32 $0x108;
	s8 =	sld [smem:$0x3FAF]  }
0x2e: {  	s3 =	simm.s32 @!p0 $0x1082;
	s9 =	sld [smem:$0x3FB0]  }
0x2f: {  	lr =	sadd.s32 s0, s3;
	s0 =	sld [smem:$0x3FA7]  }
0x30: {  	s3 =	sld [smem:$0x3FAA]  }
0x31: {  	[smem:$0x3FB3] =	sst s10  }
0x32: {  	s10 =	sld [smem:$0x3FB1];
	_ =	sdelay $0x3  }
0x33: {  	p0 =	seq.s32 s10, $0x1;
	s10 =	sld [smem:$0x3FB3];
	_ =	sdelay $0x3  }
0x34: {  	[smem:$0x3FB3] =	sst s10  }
0x35: {  	s10 =	sld [smem:$0x3FB2];
	_ =	sdelay $0x3  }
0x36: {  	p1 =	seq.s32 s10, $0x1;
	s10 =	sld [smem:$0x3FB3];
	_ =	sdelay $0x3  }
0x37: {  	[smem:$0x3FB3] =	sst s10  }
0x38: {  	s10 =	sld [smem:$0x3FB4]  }
0x39: {  	_ = 	snop;
	(pc) =	sbr.ind lr, $3  }
0x3a: {  	_ = 	snop  }
0x3b: {  	_ = 	snop  }
0x3c: {  	p2 =	seq.s32 s10, $0x1;
	s10 =	sld [smem:$0x3FB3]  }
0x3d: {  	_ =	shalt  }
0x3e: {  	_ =	shalt  }
0x3f: {  	_ =	shalt  }
0x40: {  	_ =	shalt  }
0x41: {  	_ =	shalt  }
0x42: {  	_ =	shalt  }
0x43: {  	_ =	shalt  }
0x44: {  	_ =	shalt  }
0x45: {  	_ =	shalt  }
0x46: {  	_ =	shalt  }
0x47: {  	_ =	shalt  }
0x48: {  	_ =	shalt  }
0x49: {  	_ =	shalt  }
0x4a: {  	_ =	shalt  }
0x4b: {  	_ =	shalt  }
0x4c: {  	_ =	shalt  }
0x4d: {  	_ =	shalt  }
0x4e: {  	_ =	shalt  }
0x4f: {  	_ =	shalt  }
0x50: {  	_ =	shalt  }
0x51: {  	_ =	shalt  }
0x52: {  	_ =	shalt  }
0x53: {  	_ =	shalt  }
0x54: {  	_ =	shalt  }
0x55: {  	_ =	shalt  }
0x56: {  	_ =	shalt  }
0x57: {  	_ =	shalt  }
0x58: {  	_ =	shalt  }
0x59: {  	_ =	shalt  }
0x5a: {  	_ =	shalt  }
0x5b: {  	_ =	shalt  }
0x5c: {  	_ =	shalt  }
0x5d: {  	_ =	shalt  }
0x5e: {  	_ =	shalt  }
0x5f: {  	_ =	shalt  }
0x60: {  	_ =	shalt  }
0x61: {  	_ =	shalt  }
0x62: {  	_ =	shalt  }
0x63: {  	_ =	shalt  }
0x64: {  	_ =	shalt  }
0x65: {  	_ =	shalt  }
0x66: {  	_ =	shalt  }
0x67: {  	_ =	shalt  }
0x68: {  	_ =	shalt  }
0x69: {  	_ =	shalt  }
0x6a: {  	_ =	shalt  }
0x6b: {  	_ =	shalt  }
0x6c: {  	_ =	shalt  }
0x6d: {  	_ =	shalt  }
0x6e: {  	_ =	shalt  }
0x6f: {  	_ =	shalt  }
0x70: {  	_ =	shalt  }
0x71: {  	_ =	shalt  }
0x72: {  	_ =	shalt  }
0x73: {  	_ =	shalt  }
0x74: {  	_ =	shalt  }
0x75: {  	_ =	shalt  }
0x76: {  	_ =	shalt  }
0x77: {  	_ =	shalt  }
0x78: {  	_ =	shalt  }
0x79: {  	_ =	shalt  }
0x7a: {  	_ =	shalt  }
0x7b: {  	_ =	shalt  }
0x7c: {  	_ =	shalt  }
0x7d: {  	_ =	shalt  }
0x7e: {  	_ =	shalt  }
0x7f: {  	_ =	shalt  }
0x80: {  	_ =	shalt  }
0x81: {  	_ =	shalt  }
0x82: {  	_ =	shalt  }
0x83: {  	_ =	shalt  }
0x84: {  	_ =	shalt  }
0x85: {  	_ =	shalt  }
0x86: {  	_ =	shalt  }
0x87: {  	_ =	shalt  }
.Lfunc_end0:
.L_simem_size_0:
called_computation.1_lowered:
.L_overlay_start_0:
0x88: {  	s2 =	sld [smem:$0x3FD9]  }
0x89: {  	s3 =	sld [smem:$0x3FFE];
	_ =	sdelay $0x1  }
0x8a: {  	s1 =	srdreg.scid  }
0x8b: {  	s0 =	sand.u32 $0x1, s1  }
0x8c: {  	s16 =	sshll.u32 s0, $0xA;
	s2 =	sadd.s32 s3, s2  }
0x8d: {  	s2 =	sadd.s32 s2, s16  }
0x8e: {  	[smem:$0x3FBF] =	sst s2  }
0x8f: {  	_ = 	snop  }
0x90: {  	(tm) =	ssettm $0x1  }
0x91: {  	s17 =	sld [smem:$0x3FFB];
	_ =	sdelay $0x3  }
0x92: {  	_ =	strace s17  }
0x93: {  	s2 =	sld [smem:$0x3FFC];
	_ =	sdelay $0x3  }
0x94: {  	_ =	strace s2  }
0x95: {  	s2 =	sld [smem:$0x3FFD];
	_ =	sdelay $0x3  }
0x96: {  	_ =	strace s2  }
0x97: {  	_ =	strace $0x8FFFFFFF  }
0x98: {  	s18 =	sld [smem:$0x3FDB];
	_ =	sdelay $0x1  }
0x99: {  	s19 =	simm.s32 $_scs_section_size  }
0x9a: {  	s4 =	simm.s32 $_size__tile_overlayer_lowered;
	s5 =	simm.s32 $_tile_overlayer_lowered  }
0x9b: {  	s22 =	simm.s32 $0x1BFF;
	s21 =	sshll.u32 s5, $0x1;
	s2 =	sadd.s32 s19, s18  }
0x9c: {  	s6 =	simm.s32 $0x0;
	s20 =	sshll.u32 s4, $0x1;
	s4 =	sadd.s32 s21, s2  }
0x9d: {  	[timem:s6], [sflag:s22] =	dma.local [hbm:s4], s20  }
0x9e: {  	_ =	swait.ge [sflag:s22], s20  }
0x9f: {  	s3 =	ssub.s32 $0x0, s20;
	[sflag:s22] =	ssyncset.done $0x0  }
0xa0: {  	[sflag:s22] =	ssyncadd.s32 s3;
	_ =	sdelay $0x1  }
0xa1: {  	s23 =	simm.s32 $0x1B8B  }
0xa2: {  	_ =	swait.ge [sflag:s23], $0x1  }
0xa3: {  	[sflag:s23] =	ssyncset.done $0x0  }
0xa4: {  	s25 =	simm.s32 $0x1B8E;
	s24 =	sld [smem:$0x3FFE];
	[sflag:s23] =	ssyncadd.s32 $0xFFFFFFFF  }
0xa5: {  	s26 =	simm.s32 $execute0_lowered;
	[smem:$0x3FD2] =	sst s25  }
0xa6: {  	s4 =	sshll.u32 s26, $0x1;
	_ =	strace $0x80000049;
	[dreg:$0x1] =	wrdreg $0xFFFFFFFF  }
0xa7: {  	s28 =	simm.s32 $_size_execute0_lowered;
	s2 =	sadd.s32 s2, s4;
	[dreg:$0x0] =	wrdreg $0x0  }
0xa8: {  	s4 =	sshll.u32 s28, $0x1;
	[dreg:$0x2] =	wrdreg s2  }
0xa9: {  	[dreg:$0x3] =	wrdreg s4  }
0xaa: {  	[dreg:$0x4] =	wrdreg $0xC0  }
0xab: {  	_ =	task [dreg:s6], $0x5FFFF  }
0xac: {  	[dreg:$0x1] =	wrdreg $0xFFFFFFFF  }
0xad: {  	[dreg:$0x0] =	wrdreg $0x60  }
0xae: {  	[dreg:$0x2] =	wrdreg s24  }
0xaf: {  	[dreg:$0x3] =	wrdreg $0xA0000  }
0xb0: {  	[dreg:$0x4] =	wrdreg $0x9  }
0xb1: {  	_ =	task.clear_ibuf [dreg:s6], $0x5FFFF;
	_ =	strace $0x90000049  }
0xb2: {  	s29 =	simm.s32 $0x9;
	_ =	strace $0x8000004B  }
0xb3: {  	_ =	swait.ge [sflag:s29], $0x1  }
0xb4: {  	[sflag:s29] =	ssyncadd.s32 $0xFFFFFFFF  }
0xb5: {  	_ =	strace $0x9000004B  }
0xb6: {  	_ =	sfence  }
0xb7: {  	s30 =	sld [smem:$0x0];
	_ =	sdelay $0x2  }
0xb8: {  	s31 =	sshll.u32 s1, $0xD;
	s1 =	sshrl.u32 s1, $0x2  }
0xb9: {  	s3 =	sand.u32 $0x4000, s31;
	s1 =	sadd.s32 s1, s30  }
0xba: {  	s0 =	sor.u32 s3, s0;
	s1 =	sshll.u32 s1, $0x11  }
0xbb: {  	s0 =	sor.u32 s1, s0  }
0xbc: {  	s0 =	sadd.s32 $0x8F2B, s0  }
0xbd: {  	[sflag:s0] =	ssyncadd.remote.s32 $0x1  }
0xbe: {  	_ =	sfence.sel $0xFFFF  }
0xbf: {  	[dreg:$0x0] =	wrdreg $0xFFFFFFFF;
	(pc) =	sbr.abs _section_cstart, $3  }
0xc0: {  	[dreg:$0x1] =	wrdreg $0xFFFFFFFF  }
0xc1: {  	_ =	task.clear_ibuf [dreg:s6], $0x2FFFF;
	_ =	strace $0x9FFFFFFF  }
0xc2: {  	(tm) =	ssettm $0x7FFFFFFF  }
0xc3: {  	_ =	shalt  }
tec
execute0_lowered:
.L_overlay_start_1:
0x0: {  	(tag) =	ssettag $0x1  }
0x1: {  	s7 =	rddreg [dreg:$0x0]  }
0x2: {  	s1 =	rddreg [dreg:$0x1]  }
0x3: {  	s2 =	simm.s32 $0x0;
	s3 =	srdreg.scid;
	s18 =	simm.s32 $0x1000  }
0x4: {  	s19 =	simm.s32 $0x80;
	s20 =	simm.s32 $0x6000;
	s12 =	sand.u32 $0x1, s3  }
0x5: {  	s21 =	simm.s32 $0x1;
	s3 =	stileid.u32;
	s8 =	smul.u32 $0x28000, s12  }
0x6: {  	s22 =	simm.s32 $0x2;
	[smem:$0x7FF] =	sst s2;
	s9 =	smul.u32 $0x50000, s3  }
0x7: {  	s4 =	sadd.s32 $0x66A00, s7;
	s5 =	sadd.s32 $0xCA00, s7;
	s16 =	smul.u32 $0x5000, s3  }
0x8: {  	s6 =	sadd.s32 $0x2A00, s7;
	_ =	strace $0x8000004A;
	s17 =	smul.u32 $0x2800, s12  }
0x9: {  	s29 =	ssub.s32 $0x2, s12;
	s30 =	sshll.u32 s3, $0x1;
	s24 =	smul.u32 $0x2800, s3  }
0xa: {  	s10 =	sshrl.u32 s29, $0x1;
	s14 =	sadd.s32 s8, s7;
	s8 =	sor.u32 s12, s30  }
0xb: {  	s9 =	sshrl.u32 s9, $0x2;
	s15 =	ssub.s32 s29, s10;
	s31 =	sadd.s32 s17, s16  }
.Ltmp0:
0xc: {  	s16 =	simm.s32 $0x2000;
	s17 =	simm.s32 $0x3;
	(pc) =	sbr.rel .LBB2_1-.Ltmp0, $4  }
0xd: {  	s7 =	sadd.s32 s9, s1;
	s13 =	smul.u32 $0x500, s8;
	s23 =	sadd.s32 $0x8EA00, s14  }
0xe: {  	s14 =	smax.u32 s15, $0x1;
	s15 =	sadd.s32 $0x800, s31;
	s8 =	sadd.s32 $0x4000, s7  }
0xf: {  	s9 =	sadd.s32 $0x8000, s7;
	s10 =	sadd.s32 $0xC000, s7;
	s11 =	sadd.s32 $0x10000, s7  }
0x10: {  	v0 =	vimm.f32 $0.0e+00;
	s23 =	sadd.s32 s24, s23;
	s12 =	sadd.s32 s5, s13;
	s13 =	sadd.s32 s6, s13  }
.LBB2_5:
0x11: {  	_ =	swait.ge [sflag:s22], $0x4000  }
0x12: {  	[sflag:s22] =	ssyncset.done $0x0  }
0x13: {  	s0 =	sadd.s32 $0x1780, s29;
	[sflag:s22] =	ssyncadd.s32 $0xFFFFC000  }
0x14: {  	[spmem:s1] =	stream.indirect.scatter.add.f32 [tilespmem:s20], [sflag:$0x3], $0x80, s0, s19, $0xb8;
	[tilespmem:$0x1E000] =	vst v63  }
0x15: {  	_ =	swait.ge [sflag:s17], $0x4000  }
0x16: {  	[sflag:s17] =	ssyncset.done $0x0  }
0x17: {  	[sflag:s17] =	ssyncadd.s32 $0xFFFFC000  }
.LBB2_7:
0x18: {  	s2 =	sadd.s32 $0x1, s2  }
0x19: {  	s0 =	sshll.u32 s3, $0x6;
	[bflag:$0x0] =	sbarrier.arrive $0xFFFF;
	p0 =	sne.s32 s2, s14  }
.Ltmp1:
0x1a: {  	s24 =	sshrl.u32 s7, $0x3;
	s0 =	sor.u32 $0x1C03, s0;
	(pc) =	sbr.rel @!p0 .LBB2_8-.Ltmp1, $4  }
0x1b: {  	[hbm:s23], [sflag:s0] =	dma.local [spmem:s24], $0x2800  }
0x1c: {  	_ =	swait.ge [sflag:s17], $0x2800  }
0x1d: {  	[sflag:s17] =	ssyncset.done $0x0  }
0x1e: {  	[sflag:s17] =	ssyncadd.s32 $0xFFFFD800  }
.LBB2_1:
0x1f: {  	s24 =	simm.s32 $0x0;
	s25 =	simm.s32 $0x200  }
.LBB2_2:
0x20: {  	p0 =	sne.s32 s25, $0xFE00;
	[tilespmem:s24+$0x2070] =	vst v0  }
0x21: {  	[tilespmem:s24+$0x2000] =	vst v0  }
0x22: {  	[tilespmem:s24+$0x2010] =	vst v0  }
.Ltmp2:
0x23: {  	[tilespmem:s24+$0x2020] =	vst v0;
	(pc) =	sbr.rel @p0 .LBB2_2-.Ltmp2, $4  }
0x24: {  	[tilespmem:s24+$0x2030] =	vst v0  }
0x25: {  	[tilespmem:s24+$0x2040] =	vst v0  }
0x26: {  	[tilespmem:s24+$0x2050] =	vst v0  }
0x27: {  	[tilespmem:s24+$0x2060] =	vst v0;
	s24 =	sshra.s32 s25, $0x2;
	s25 =	sadd.s32 $0x200, s25  }
0x28: {  	[tilespmem:s24+$0x2070] =	vst v0  }
0x29: {  	[tilespmem:s24+$0x2000] =	vst v0  }
0x2a: {  	[tilespmem:s24+$0x2010] =	vst v0  }
0x2b: {  	[tilespmem:s24+$0x2020] =	vst v0  }
0x2c: {  	[tilespmem:s24+$0x2030] =	vst v0  }
0x2d: {  	[tilespmem:s24+$0x2040] =	vst v0  }
0x2e: {  	[tilespmem:s24+$0x2050] =	vst v0  }
0x2f: {  	[tilespmem:s24+$0x2060] =	vst v0  }
0x30: {  	[spmem:s7] =	stream.linear.scatter [tilespmem:s16], [sflag:$0x3], $0x4000, $0x38;
	[tilespmem:$0x1E000] =	vst v63  }
0x31: {  	_ =	swait.ge [sflag:s17], $0x4000  }
0x32: {  	[sflag:s17] =	ssyncset.done $0x0  }
0x33: {  	[sflag:s17] =	ssyncadd.s32 $0xFFFFC000  }
0x34: {  	[spmem:s8] =	stream.linear.scatter [tilespmem:s16], [sflag:$0x3], $0x4000, $0x38;
	[tilespmem:$0x1E000] =	vst v63  }
0x35: {  	_ =	swait.ge [sflag:s17], $0x4000  }
0x36: {  	[sflag:s17] =	ssyncset.done $0x0  }
0x37: {  	[sflag:s17] =	ssyncadd.s32 $0xFFFFC000  }
0x38: {  	[spmem:s9] =	stream.linear.scatter [tilespmem:s16], [sflag:$0x3], $0x4000, $0x38;
	[tilespmem:$0x1E000] =	vst v63  }
0x39: {  	_ =	swait.ge [sflag:s17], $0x4000  }
0x3a: {  	[sflag:s17] =	ssyncset.done $0x0  }
0x3b: {  	[sflag:s17] =	ssyncadd.s32 $0xFFFFC000  }
0x3c: {  	[spmem:s10] =	stream.linear.scatter [tilespmem:s16], [sflag:$0x3], $0x4000, $0x38;
	[tilespmem:$0x1E000] =	vst v63  }
0x3d: {  	_ =	swait.ge [sflag:s17], $0x4000  }
0x3e: {  	[sflag:s17] =	ssyncset.done $0x0  }
0x3f: {  	[sflag:s17] =	ssyncadd.s32 $0xFFFFC000  }
0x40: {  	[spmem:s11] =	stream.linear.scatter [tilespmem:s16], [sflag:$0x3], $0x4000, $0x38;
	[tilespmem:$0x1E000] =	vst v63  }
0x41: {  	_ =	swait.ge [sflag:s17], $0x4000  }
0x42: {  	[sflag:s17] =	ssyncset.done $0x0  }
0x43: {  	[sflag:s17] =	ssyncadd.s32 $0xFFFFC000  }
0x44: {  	s24 =	simm.s32 $0x0;
	[bflag:$0x0] =	sbarrier.arrive $0xFFFF  }
0x45: {  	[tilespmem:s24], [sflag:$0x3] =	stream.linear.gather [hbm4b:s12+s24], $0x800, $0x38;
	[tilespmem:$0x1E000] =	vst v63  }
0x46: {  	_ =	swait.ge [sflag:s17], $0x800  }
0x47: {  	[sflag:s17] =	ssyncset.done $0x0  }
0x48: {  	[sflag:s17] =	ssyncadd.s32 $0xFFFFF800  }
0x49: {  	[tilespmem:s18], [sflag:$0x3] =	stream.linear.gather [hbm4b:s13+s24], $0x800, $0x38;
	[tilespmem:$0x1E000] =	vst v63  }
0x4a: {  	_ =	swait.ge [sflag:s17], $0x800  }
0x4b: {  	[sflag:s17] =	ssyncset.done $0x0  }
0x4c: {  	[sflag:s17] =	ssyncadd.s32 $0xFFFFF800  }
0x4d: {  	[tilespmem:s16], [sflag:$0x1] =	stream.indirect.gather [hbm4b:s4+s19], $0x80, s24, s19, $0xb8;
	[tilespmem:$0x1E000] =	vst v63  }
0x4e: {  	s25 =	smov.u32 s15  }
0x4f: {  	[tilespmem:s20], [sflag:$0x2] =	stream.indirect.gather [hbm4b:s4+s19], $0x80, s19, s19, $0xb8;
	[tilespmem:$0x1E000] =	vst v63  }
.LBB2_4:
0x50: {  	s28 =	smov.u32 s24  }
0x51: {  	s24 =	sadd.s32 $0x1, s24;
	p0 =	seq.s32 s28, $0x4  }
0x52: {  	s26 =	sand.u32 $0x1, s24;
	s29 =	sshrl.u32 @!p0 s25, $0x3  }
0x53: {  	s30 =	sshll.u32 @!p0 s26, $0xB;
	s0 =	simm.s32 @!p0 $0x0;
	s31 =	sadd.s32 @!p0 s5, s29  }
0x54: {  	[tilespmem:s30], [sflag:$0x3] =	stream.linear.gather @!p0 [hbm4b:s31+s0], $0x800, $0x38;
	[tilespmem:$0x1E000] =	vst v63  }
0x55: {  	s31 =	simm.s32 @!p0 $0x3  }
0x56: {  	_ =	swait.ge @!p0 [sflag:s31], $0x800  }
0x57: {  	[sflag:s31] =	ssyncset.done @!p0 $0x0  }
0x58: {  	s29 =	sadd.s32 @!p0 s6, s29;
	s30 =	sor.u32 @!p0 $0x1000, s30;
	[sflag:s31] =	ssyncadd.s32 @!p0 $0xFFFFF800  }
0x59: {  	[tilespmem:s30], [sflag:$0x3] =	stream.linear.gather @!p0 [hbm4b:s29+s0], $0x800, $0x38;
	[tilespmem:$0x1E000] =	vst v63  }
0x5a: {  	_ =	swait.ge @!p0 [sflag:s31], $0x800  }
0x5b: {  	[sflag:s31] =	ssyncset.done @!p0 $0x0  }
0x5c: {  	[sflag:s31] =	ssyncadd.s32 @!p0 $0xFFFFF800  }
0x5d: {  	s31 =	sand.u32 $0x1, s28;
	_ =	swait.ge [sflag:s21], $0x4000  }
0x5e: {  	s29 =	sshll.u32 s31, $0xB;
	[sflag:s21] =	ssyncset.done $0x0  }
0x5f: {  	s0 =	sor.u32 $0x1000, s29;
	[sflag:s21] =	ssyncadd.s32 $0xFFFFC000  }
0x60: {  	[spmem:s1] =	stream.indirect.scatter.add.f32 [tilespmem:s16], [sflag:$0x3], $0x80, s0, s19, $0xb8;
	[tilespmem:$0x1E000] =	vst v63  }
0x61: {  	_ =	swait.ge [sflag:s17], $0x4000  }
0x62: {  	[sflag:s17] =	ssyncset.done $0x0  }
0x63: {  	s30 =	sor.u32 $0x100, s29;
	[sflag:s17] =	ssyncadd.s32 $0xFFFFC000  }
0x64: {  	[tilespmem:s16], [sflag:$0x1] =	stream.indirect.gather [hbm4b:s4+s19], $0x80, s30, s19, $0xb8;
	[tilespmem:$0x1E000] =	vst v63  }
0x65: {  	_ =	swait.ge [sflag:s22], $0x4000  }
0x66: {  	[sflag:s22] =	ssyncset.done $0x0  }
0x67: {  	s31 =	sor.u32 $0x1080, s29;
	[sflag:s22] =	ssyncadd.s32 $0xFFFFC000  }
0x68: {  	[spmem:s1] =	stream.indirect.scatter.add.f32 [tilespmem:s20], [sflag:$0x3], $0x80, s31, s19, $0xb8;
	[tilespmem:$0x1E000] =	vst v63  }
0x69: {  	_ =	swait.ge [sflag:s17], $0x4000  }
0x6a: {  	[sflag:s17] =	ssyncset.done $0x0  }
0x6b: {  	s30 =	sor.u32 $0x180, s29;
	[sflag:s17] =	ssyncadd.s32 $0xFFFFC000  }
0x6c: {  	[tilespmem:s20], [sflag:$0x2] =	stream.indirect.gather [hbm4b:s4+s19], $0x80, s30, s19, $0xb8;
	[tilespmem:$0x1E000] =	vst v63  }
0x6d: {  	_ =	swait.ge [sflag:s21], $0x4000  }
0x6e: {  	[sflag:s21] =	ssyncset.done $0x0  }
0x6f: {  	s31 =	sor.u32 $0x1100, s29;
	[sflag:s21] =	ssyncadd.s32 $0xFFFFC000  }
0x70: {  	[spmem:s1] =	stream.indirect.scatter.add.f32 [tilespmem:s16], [sflag:$0x3], $0x80, s31, s19, $0xb8;
	[tilespmem:$0x1E000] =	vst v63  }
0x71: {  	_ =	swait.ge [sflag:s17], $0x4000  }
0x72: {  	[sflag:s17] =	ssyncset.done $0x0  }
0x73: {  	s30 =	sor.u32 $0x200, s29;
	[sflag:s17] =	ssyncadd.s32 $0xFFFFC000  }
0x74: {  	[tilespmem:s16], [sflag:$0x1] =	stream.indirect.gather [hbm4b:s4+s19], $0x80, s30, s19, $0xb8;
	[tilespmem:$0x1E000] =	vst v63  }
0x75: {  	_ =	swait.ge [sflag:s22], $0x4000  }
0x76: {  	[sflag:s22] =	ssyncset.done $0x0  }
0x77: {  	s31 =	sor.u32 $0x1180, s29;
	[sflag:s22] =	ssyncadd.s32 $0xFFFFC000  }
0x78: {  	[spmem:s1] =	stream.indirect.scatter.add.f32 [tilespmem:s20], [sflag:$0x3], $0x80, s31, s19, $0xb8;
	[tilespmem:$0x1E000] =	vst v63  }
0x79: {  	_ =	swait.ge [sflag:s17], $0x4000  }
0x7a: {  	[sflag:s17] =	ssyncset.done $0x0  }
0x7b: {  	s30 =	sor.u32 $0x280, s29;
	[sflag:s17] =	ssyncadd.s32 $0xFFFFC000  }
0x7c: {  	[tilespmem:s20], [sflag:$0x2] =	stream.indirect.gather [hbm4b:s4+s19], $0x80, s30, s19, $0xb8;
	[tilespmem:$0x1E000] =	vst v63  }
0x7d: {  	_ =	swait.ge [sflag:s21], $0x4000  }
0x7e: {  	[sflag:s21] =	ssyncset.done $0x0  }
0x7f: {  	s31 =	sor.u32 $0x1200, s29;
	[sflag:s21] =	ssyncadd.s32 $0xFFFFC000  }
0x80: {  	[spmem:s1] =	stream.indirect.scatter.add.f32 [tilespmem:s16], [sflag:$0x3], $0x80, s31, s19, $0xb8;
	[tilespmem:$0x1E000] =	vst v63  }
0x81: {  	_ =	swait.ge [sflag:s17], $0x4000  }
0x82: {  	[sflag:s17] =	ssyncset.done $0x0  }
0x83: {  	s30 =	sor.u32 $0x300, s29;
	[sflag:s17] =	ssyncadd.s32 $0xFFFFC000  }
0x84: {  	[tilespmem:s16], [sflag:$0x1] =	stream.indirect.gather [hbm4b:s4+s19], $0x80, s30, s19, $0xb8;
	[tilespmem:$0x1E000] =	vst v63  }
0x85: {  	_ =	swait.ge [sflag:s22], $0x4000  }
0x86: {  	[sflag:s22] =	ssyncset.done $0x0  }
0x87: {  	s31 =	sor.u32 $0x1280, s29;
	[sflag:s22] =	ssyncadd.s32 $0xFFFFC000  }
0x88: {  	[spmem:s1] =	stream.indirect.scatter.add.f32 [tilespmem:s20], [sflag:$0x3], $0x80, s31, s19, $0xb8;
	[tilespmem:$0x1E000] =	vst v63  }
0x89: {  	_ =	swait.ge [sflag:s17], $0x4000  }
0x8a: {  	[sflag:s17] =	ssyncset.done $0x0  }
0x8b: {  	s30 =	sor.u32 $0x380, s29;
	[sflag:s17] =	ssyncadd.s32 $0xFFFFC000  }
0x8c: {  	[tilespmem:s20], [sflag:$0x2] =	stream.indirect.gather [hbm4b:s4+s19], $0x80, s30, s19, $0xb8;
	[tilespmem:$0x1E000] =	vst v63  }
0x8d: {  	_ =	swait.ge [sflag:s21], $0x4000  }
0x8e: {  	[sflag:s21] =	ssyncset.done $0x0  }
0x8f: {  	s31 =	sor.u32 $0x1300, s29;
	[sflag:s21] =	ssyncadd.s32 $0xFFFFC000  }
0x90: {  	[spmem:s1] =	stream.indirect.scatter.add.f32 [tilespmem:s16], [sflag:$0x3], $0x80, s31, s19, $0xb8;
	[tilespmem:$0x1E000] =	vst v63  }
0x91: {  	_ =	swait.ge [sflag:s17], $0x4000  }
0x92: {  	[sflag:s17] =	ssyncset.done $0x0  }
0x93: {  	s30 =	sor.u32 $0x400, s29;
	[sflag:s17] =	ssyncadd.s32 $0xFFFFC000  }
0x94: {  	[tilespmem:s16], [sflag:$0x1] =	stream.indirect.gather [hbm4b:s4+s19], $0x80, s30, s19, $0xb8;
	[tilespmem:$0x1E000] =	vst v63  }
0x95: {  	_ =	swait.ge [sflag:s22], $0x4000  }
0x96: {  	[sflag:s22] =	ssyncset.done $0x0  }
0x97: {  	s31 =	sor.u32 $0x1380, s29;
	[sflag:s22] =	ssyncadd.s32 $0xFFFFC000  }
0x98: {  	[spmem:s1] =	stream.indirect.scatter.add.f32 [tilespmem:s20], [sflag:$0x3], $0x80, s31, s19, $0xb8;
	[tilespmem:$0x1E000] =	vst v63  }
0x99: {  	_ =	swait.ge [sflag:s17], $0x4000  }
0x9a: {  	[sflag:s17] =	ssyncset.done $0x0  }
0x9b: {  	s30 =	sor.u32 $0x480, s29;
	[sflag:s17] =	ssyncadd.s32 $0xFFFFC000  }
0x9c: {  	[tilespmem:s20], [sflag:$0x2] =	stream.indirect.gather [hbm4b:s4+s19], $0x80, s30, s19, $0xb8;
	[tilespmem:$0x1E000] =	vst v63  }
0x9d: {  	_ =	swait.ge [sflag:s21], $0x4000  }
0x9e: {  	[sflag:s21] =	ssyncset.done $0x0  }
0x9f: {  	s31 =	sor.u32 $0x1400, s29;
	[sflag:s21] =	ssyncadd.s32 $0xFFFFC000  }
0xa0: {  	[spmem:s1] =	stream.indirect.scatter.add.f32 [tilespmem:s16], [sflag:$0x3], $0x80, s31, s19, $0xb8;
	[tilespmem:$0x1E000] =	vst v63  }
0xa1: {  	_ =	swait.ge [sflag:s17], $0x4000  }
0xa2: {  	[sflag:s17] =	ssyncset.done $0x0  }
0xa3: {  	s30 =	sor.u32 $0x500, s29;
	[sflag:s17] =	ssyncadd.s32 $0xFFFFC000  }
0xa4: {  	[tilespmem:s16], [sflag:$0x1] =	stream.indirect.gather [hbm4b:s4+s19], $0x80, s30, s19, $0xb8;
	[tilespmem:$0x1E000] =	vst v63  }
0xa5: {  	_ =	swait.ge [sflag:s22], $0x4000  }
0xa6: {  	[sflag:s22] =	ssyncset.done $0x0  }
0xa7: {  	s31 =	sor.u32 $0x1480, s29;
	[sflag:s22] =	ssyncadd.s32 $0xFFFFC000  }
0xa8: {  	[spmem:s1] =	stream.indirect.scatter.add.f32 [tilespmem:s20], [sflag:$0x3], $0x80, s31, s19, $0xb8;
	[tilespmem:$0x1E000] =	vst v63  }
0xa9: {  	_ =	swait.ge [sflag:s17], $0x4000  }
0xaa: {  	[sflag:s17] =	ssyncset.done $0x0  }
0xab: {  	s30 =	sor.u32 $0x580, s29;
	[sflag:s17] =	ssyncadd.s32 $0xFFFFC000  }
0xac: {  	[tilespmem:s20], [sflag:$0x2] =	stream.indirect.gather [hbm4b:s4+s19], $0x80, s30, s19, $0xb8;
	[tilespmem:$0x1E000] =	vst v63  }
0xad: {  	_ =	swait.ge [sflag:s21], $0x4000  }
0xae: {  	[sflag:s21] =	ssyncset.done $0x0  }
0xaf: {  	s31 =	sor.u32 $0x1500, s29;
	[sflag:s21] =	ssyncadd.s32 $0xFFFFC000  }
0xb0: {  	[spmem:s1] =	stream.indirect.scatter.add.f32 [tilespmem:s16], [sflag:$0x3], $0x80, s31, s19, $0xb8;
	[tilespmem:$0x1E000] =	vst v63  }
0xb1: {  	_ =	swait.ge [sflag:s17], $0x4000  }
0xb2: {  	[sflag:s17] =	ssyncset.done $0x0  }
0xb3: {  	s30 =	sor.u32 $0x600, s29;
	[sflag:s17] =	ssyncadd.s32 $0xFFFFC000  }
0xb4: {  	[tilespmem:s16], [sflag:$0x1] =	stream.indirect.gather [hbm4b:s4+s19], $0x80, s30, s19, $0xb8;
	[tilespmem:$0x1E000] =	vst v63  }
0xb5: {  	_ =	swait.ge [sflag:s22], $0x4000  }
0xb6: {  	[sflag:s22] =	ssyncset.done $0x0  }
0xb7: {  	s31 =	sor.u32 $0x1580, s29;
	[sflag:s22] =	ssyncadd.s32 $0xFFFFC000  }
0xb8: {  	[spmem:s1] =	stream.indirect.scatter.add.f32 [tilespmem:s20], [sflag:$0x3], $0x80, s31, s19, $0xb8;
	[tilespmem:$0x1E000] =	vst v63  }
0xb9: {  	_ =	swait.ge [sflag:s17], $0x4000  }
0xba: {  	[sflag:s17] =	ssyncset.done $0x0  }
0xbb: {  	s30 =	sor.u32 $0x680, s29;
	[sflag:s17] =	ssyncadd.s32 $0xFFFFC000  }
0xbc: {  	[tilespmem:s20], [sflag:$0x2] =	stream.indirect.gather [hbm4b:s4+s19], $0x80, s30, s19, $0xb8;
	[tilespmem:$0x1E000] =	vst v63  }
0xbd: {  	_ =	swait.ge [sflag:s21], $0x4000  }
0xbe: {  	[sflag:s21] =	ssyncset.done $0x0  }
0xbf: {  	s31 =	sor.u32 $0x1600, s29;
	[sflag:s21] =	ssyncadd.s32 $0xFFFFC000  }
0xc0: {  	[spmem:s1] =	stream.indirect.scatter.add.f32 [tilespmem:s16], [sflag:$0x3], $0x80, s31, s19, $0xb8;
	[tilespmem:$0x1E000] =	vst v63  }
0xc1: {  	_ =	swait.ge [sflag:s17], $0x4000  }
0xc2: {  	[sflag:s17] =	ssyncset.done $0x0  }
0xc3: {  	s30 =	sor.u32 $0x700, s29;
	[sflag:s17] =	ssyncadd.s32 $0xFFFFC000  }
0xc4: {  	[tilespmem:s16], [sflag:$0x1] =	stream.indirect.gather [hbm4b:s4+s19], $0x80, s30, s19, $0xb8;
	[tilespmem:$0x1E000] =	vst v63  }
0xc5: {  	_ =	swait.ge [sflag:s22], $0x4000  }
0xc6: {  	[sflag:s22] =	ssyncset.done $0x0  }
0xc7: {  	s31 =	sor.u32 $0x1680, s29;
	[sflag:s22] =	ssyncadd.s32 $0xFFFFC000  }
0xc8: {  	[spmem:s1] =	stream.indirect.scatter.add.f32 [tilespmem:s20], [sflag:$0x3], $0x80, s31, s19, $0xb8;
	[tilespmem:$0x1E000] =	vst v63  }
0xc9: {  	_ =	swait.ge [sflag:s17], $0x4000  }
0xca: {  	[sflag:s17] =	ssyncset.done $0x0  }
0xcb: {  	s30 =	sor.u32 $0x780, s29;
	[sflag:s17] =	ssyncadd.s32 $0xFFFFC000  }
0xcc: {  	[tilespmem:s20], [sflag:$0x2] =	stream.indirect.gather [hbm4b:s4+s19], $0x80, s30, s19, $0xb8;
	[tilespmem:$0x1E000] =	vst v63  }
0xcd: {  	_ =	swait.ge [sflag:s21], $0x4000  }
0xce: {  	p0 =	sne.s32 s28, $0x4;
	[sflag:s21] =	ssyncset.done $0x0  }
.Ltmp3:
0xcf: {  	s31 =	sor.u32 $0x1700, s29;
	[sflag:s21] =	ssyncadd.s32 $0xFFFFC000;
	(pc) =	sbr.rel @!p0 .LBB2_5-.Ltmp3, $4  }
0xd0: {  	[spmem:s1] =	stream.indirect.scatter.add.f32 [tilespmem:s16], [sflag:$0x3], $0x80, s31, s19, $0xb8;
	[tilespmem:$0x1E000] =	vst v63  }
0xd1: {  	_ =	swait.ge [sflag:s17], $0x4000  }
0xd2: {  	[sflag:s17] =	ssyncset.done $0x0  }
0xd3: {  	[sflag:s17] =	ssyncadd.s32 $0xFFFFC000  }
0xd4: {  	s0 =	sshll.u32 s26, $0xB  }
0xd5: {  	[tilespmem:s16], [sflag:$0x1] =	stream.indirect.gather [hbm4b:s4+s19], $0x80, s0, s19, $0xb8;
	[tilespmem:$0x1E000] =	vst v63  }
0xd6: {  	_ =	swait.ge [sflag:s22], $0x4000  }
0xd7: {  	[sflag:s22] =	ssyncset.done $0x0  }
0xd8: {  	s31 =	sadd.s32 $0x1780, s29;
	p0 =	sne.s32 s24, $0x5;
	[sflag:s22] =	ssyncadd.s32 $0xFFFFC000  }
0xd9: {  	[spmem:s1] =	stream.indirect.scatter.add.f32 [tilespmem:s20], [sflag:$0x3], $0x80, s31, s19, $0xb8;
	[tilespmem:$0x1E000] =	vst v63  }
.Ltmp4:
0xda: {  	_ = 	snop;
	(pc) =	sbr.rel @p0 .LBB2_4-.Ltmp4, $4  }
.Ltmp5:
0xdb: {  	_ =	swait.ge [sflag:s17], $0x4000;
	(pc) =	sbr.rel @!p0 .LBB2_7-.Ltmp5, $4  }
0xdc: {  	[sflag:s17] =	ssyncset.done $0x0  }
0xdd: {  	s25 =	sadd.s32 $0x800, s25;
	s0 =	sor.u32 $0x80, s0;
	[sflag:s17] =	ssyncadd.s32 $0xFFFFC000  }
0xde: {  	[tilespmem:s20], [sflag:$0x2] =	stream.indirect.gather [hbm4b:s4+s19], $0x80, s0, s19, $0xb8;
	[tilespmem:$0x1E000] =	vst v63  }
0xdf: {  	_ = 	snop  }
.LBB2_8:
0xe0: {  	_ =	sfence.sel $0x180000  }
0xe1: {  	[bflag:$0x0] =	sbarrier.arrive $0xFFFF  }
0xe2: {  	_ =	strace $0x9000004A  }
0xe3: {  	[bflag:$0x2] =	sbarrier.arrive $0xFFFF  }
0xe4: {  	p0 =	sne.s32 s3, $0x0;
	s0 =	rddreg [dreg:$0x2]  }
0xe5: {  	s0 =	sadd.s32 @!p0 $0x100000, s0  }
0xe6: {  	[sflag:s0] =	ssyncadd.tile.s32 @!p0 $0x1;
	_ =	shalt  }
.Lfunc_end2:
_tile_overlayer_lowered:
.L_overlay_start_2:
0xe7: {  	(tag) =	ssettag $0x2  }
0xe8: {  	s0 =	rddreg [dreg:$0x0];
	s2 =	stileid.u32  }
0xe9: {  	s1 =	rddreg [dreg:$0x1];
	p0 =	sne.s32 s2, $0x0  }
0xea: {  	s3 =	rddreg [dreg:$0x2];
	[bflag:$0x3] =	sbarrier.arrive $0xFFFF;
	s2 =	simm.s32 @!p0 $0x1C03  }
0xeb: {  	[timem:s3], [sflag:s2] =	dma.local @!p0 [hbm:s0], s1  }
0xec: {  	s0 =	simm.s32 @!p0 $0x3  }
0xed: {  	_ =	swait.ge @!p0 [sflag:s0], s1  }
0xee: {  	s1 =	ssub.s32 @!p0 $0x0, s1;
	[sflag:s0] =	ssyncset.done @!p0 $0x0  }
0xef: {  	[sflag:s0] =	ssyncadd.s32 @!p0 s1  }
0xf0: {  	[bflag:$0x3] =	sbarrier.arrive $0xFFFF  }
0xf1: {  	_ =	shalt  }

// kernel: kernel.14.cloned.1.call-start
scs
__scs_entry_jumppad:
0x0: {  	(pc) =	sbr.rel $0x88, $3  }
0x1: {  	(tag) =	ssettag $0x0;
	lr =	simm.s32 $0x1  }
0x2: {  	[smem:$0x3F98] =	sst lr;
	_ =	strace $0xD0000000  }
0x3: {  	_ = 	snop  }
0x4: {  	_ = 	snop  }
0x5: {  	_ = 	snop  }
0x6: {  	_ = 	snop  }
0x7: {  	_ = 	snop  }
__scs_overlays_trampoline_lowered:
0x8: {  	[smem:$0x3FA7] =	sst s0  }
0x9: {  	[smem:$0x3FA8] =	sst s1  }
0xa: {  	[smem:$0x3FA9] =	sst s2  }
0xb: {  	[smem:$0x3FAA] =	sst s3  }
0xc: {  	[smem:$0x3FAB] =	sst s4  }
0xd: {  	[smem:$0x3FAC] =	sst s5  }
0xe: {  	[smem:$0x3FAD] =	sst s6  }
0xf: {  	[smem:$0x3FAE] =	sst s7  }
0x10: {  	[smem:$0x3FAF] =	sst s8  }
0x11: {  	[smem:$0x3FB0] =	sst s9;
	s0 =	simm.s32 @!p0 $0x0  }
0x12: {  	s1 =	sld [smem:$0x3F96];
	s0 =	simm.s32 @p0 $0x1  }
0x13: {  	[smem:$0x3FB1] =	sst s0;
	s0 =	simm.s32 @!p1 $0x0  }
0x14: {  	s2 =	sld [smem:$0x3F95];
	s0 =	simm.s32 @p1 $0x1  }
0x15: {  	[smem:$0x3FB2] =	sst s0;
	s0 =	simm.s32 @!p2 $0x0  }
0x16: {  	s3 =	sld [smem:$0x3FDB];
	s0 =	simm.s32 @p2 $0x1  }
0x17: {  	s4 =	simm.s32 $0x1BF5;
	[smem:$0x3FB4] =	sst s0  }
0x18: {  	s0 =	sld [smem:$0x3F97];
	_ =	swait.ge [sflag:s4], $0x0  }
0x19: {  	s7 =	sld [smem:$0x3F98]  }
0x1a: {  	s8 =	sadd.s32 $0xFFFFE003, lr  }
0x1b: {  	s9 =	sadd.s32 $0xFFFFFEF7, lr;
	s5 =	simm.s32 $0xFFFFFFFF;
	p2 =	slt.u32 s8, $0xFFFFF086  }
0x1c: {  	p1 =	slt.u32 s9, $0xF7A;
	s5 =	simm.s32 @!p2 $0x0  }
0x1d: {  	s5 =	simm.s32 @p1 $0x1;
	p0 =	seq.s32 s7, s2  }
0x1e: {  	s7 =	smul.u32 @!p0 $0xF7A, s2;
	p2 =	seq.s32 @!p0 s5, $0x0  }
0x1f: {  	s9 =	smul.u32 $0xF7A, s1;
	s8 =	simm.s32 @!p0 $0x1BF5;
	p2 =	por !p2, p0  }
0x20: {  	[sflag:s8] =	ssyncset.s32 @!p0 $0xFFFFF086;
	s6 =	sadd.s32 @!p0 s3, s7;
	s7 =	simm.s32 @!p0 $0x108  }
0x21: {  	s3 =	sadd.s32 s3, s9;
	s6 =	sadd.s32 @!p0 $0x88, s6;
	s7 =	simm.s32 @p2 $0x1082  }
0x22: {  	[simem:s7], [sflag:s8] =	dma.local @!p0 [hbm:s6], $0xF7A  }
0x23: {  	s9 =	sor.u32 $0xD0000000, s2;
	s6 =	simm.s32 $0x108;
	_ =	swait.ge @!p0 [sflag:s8], $0x0  }
0x24: {  	s3 =	sadd.s32 $0x88, s3;
	s6 =	simm.s32 @!p1 $0x1082;
	[sflag:s4] =	ssyncset.s32 $0xFFFFF086  }
0x25: {  	[simem:s6], [sflag:s4] =	dma.local [hbm:s3], $0xF7A  }
0x26: {  	[smem:$0x3F98] =	sst s1;
	(tag) =	ssettag s2;
	_ =	strace s9  }
0x27: {  	s1 =	sld [smem:$0x3FA8]  }
0x28: {  	s2 =	sld [smem:$0x3FA9]  }
0x29: {  	s4 =	sld [smem:$0x3FAB]  }
0x2a: {  	p0 =	seq.s32 s5, $0x0;
	s5 =	sld [smem:$0x3FAC]  }
0x2b: {  	s6 =	sld [smem:$0x3FAD]  }
0x2c: {  	s7 =	sld [smem:$0x3FAE]  }
0x2d: {  	s3 =	simm.s32 $0x108;
	s8 =	sld [smem:$0x3FAF]  }
0x2e: {  	s3 =	simm.s32 @!p0 $0x1082;
	s9 =	sld [smem:$0x3FB0]  }
0x2f: {  	lr =	sadd.s32 s0, s3;
	s0 =	sld [smem:$0x3FA7]  }
0x30: {  	s3 =	sld [smem:$0x3FAA]  }
0x31: {  	[smem:$0x3FB3] =	sst s10  }
0x32: {  	s10 =	sld [smem:$0x3FB1];
	_ =	sdelay $0x3  }
0x33: {  	p0 =	seq.s32 s10, $0x1;
	s10 =	sld [smem:$0x3FB3];
	_ =	sdelay $0x3  }
0x34: {  	[smem:$0x3FB3] =	sst s10  }
0x35: {  	s10 =	sld [smem:$0x3FB2];
	_ =	sdelay $0x3  }
0x36: {  	p1 =	seq.s32 s10, $0x1;
	s10 =	sld [smem:$0x3FB3];
	_ =	sdelay $0x3  }
0x37: {  	[smem:$0x3FB3] =	sst s10  }
0x38: {  	s10 =	sld [smem:$0x3FB4]  }
0x39: {  	_ = 	snop;
	(pc) =	sbr.ind lr, $3  }
0x3a: {  	_ = 	snop  }
0x3b: {  	_ = 	snop  }
0x3c: {  	p2 =	seq.s32 s10, $0x1;
	s10 =	sld [smem:$0x3FB3]  }
0x3d: {  	_ =	shalt  }
0x3e: {  	_ =	shalt  }
0x3f: {  	_ =	shalt  }
0x40: {  	_ =	shalt  }
0x41: {  	_ =	shalt  }
0x42: {  	_ =	shalt  }
0x43: {  	_ =	shalt  }
0x44: {  	_ =	shalt  }
0x45: {  	_ =	shalt  }
0x46: {  	_ =	shalt  }
0x47: {  	_ =	shalt  }
0x48: {  	_ =	shalt  }
0x49: {  	_ =	shalt  }
0x4a: {  	_ =	shalt  }
0x4b: {  	_ =	shalt  }
0x4c: {  	_ =	shalt  }
0x4d: {  	_ =	shalt  }
0x4e: {  	_ =	shalt  }
0x4f: {  	_ =	shalt  }
0x50: {  	_ =	shalt  }
0x51: {  	_ =	shalt  }
0x52: {  	_ =	shalt  }
0x53: {  	_ =	shalt  }
0x54: {  	_ =	shalt  }
0x55: {  	_ =	shalt  }
0x56: {  	_ =	shalt  }
0x57: {  	_ =	shalt  }
0x58: {  	_ =	shalt  }
0x59: {  	_ =	shalt  }
0x5a: {  	_ =	shalt  }
0x5b: {  	_ =	shalt  }
0x5c: {  	_ =	shalt  }
0x5d: {  	_ =	shalt  }
0x5e: {  	_ =	shalt  }
0x5f: {  	_ =	shalt  }
0x60: {  	_ =	shalt  }
0x61: {  	_ =	shalt  }
0x62: {  	_ =	shalt  }
0x63: {  	_ =	shalt  }
0x64: {  	_ =	shalt  }
0x65: {  	_ =	shalt  }
0x66: {  	_ =	shalt  }
0x67: {  	_ =	shalt  }
0x68: {  	_ =	shalt  }
0x69: {  	_ =	shalt  }
0x6a: {  	_ =	shalt  }
0x6b: {  	_ =	shalt  }
0x6c: {  	_ =	shalt  }
0x6d: {  	_ =	shalt  }
0x6e: {  	_ =	shalt  }
0x6f: {  	_ =	shalt  }
0x70: {  	_ =	shalt  }
0x71: {  	_ =	shalt  }
0x72: {  	_ =	shalt  }
0x73: {  	_ =	shalt  }
0x74: {  	_ =	shalt  }
0x75: {  	_ =	shalt  }
0x76: {  	_ =	shalt  }
0x77: {  	_ =	shalt  }
0x78: {  	_ =	shalt  }
0x79: {  	_ =	shalt  }
0x7a: {  	_ =	shalt  }
0x7b: {  	_ =	shalt  }
0x7c: {  	_ =	shalt  }
0x7d: {  	_ =	shalt  }
0x7e: {  	_ =	shalt  }
0x7f: {  	_ =	shalt  }
0x80: {  	_ =	shalt  }
0x81: {  	_ =	shalt  }
0x82: {  	_ =	shalt  }
0x83: {  	_ =	shalt  }
0x84: {  	_ =	shalt  }
0x85: {  	_ =	shalt  }
0x86: {  	_ =	shalt  }
0x87: {  	_ =	shalt  }
.Lfunc_end0:
.L_simem_size_0:
called_computation.2_lowered:
.L_overlay_start_0:
0x88: {  	s2 =	sld [smem:$0x3FD9]  }
0x89: {  	s3 =	sld [smem:$0x3FFE];
	_ =	sdelay $0x1  }
0x8a: {  	s1 =	srdreg.scid  }
0x8b: {  	s0 =	sand.u32 $0x1, s1  }
0x8c: {  	s16 =	sshll.u32 s0, $0xA;
	s2 =	sadd.s32 s3, s2  }
0x8d: {  	s2 =	sadd.s32 s2, s16  }
0x8e: {  	[smem:$0x3FBF] =	sst s2  }
0x8f: {  	_ = 	snop  }
0x90: {  	(tm) =	ssettm $0x1  }
0x91: {  	s17 =	sld [smem:$0x3FFB];
	_ =	sdelay $0x3  }
0x92: {  	_ =	strace s17  }
0x93: {  	s2 =	sld [smem:$0x3FFC];
	_ =	sdelay $0x3  }
0x94: {  	_ =	strace s2  }
0x95: {  	s2 =	sld [smem:$0x3FFD];
	_ =	sdelay $0x3  }
0x96: {  	_ =	strace s2  }
0x97: {  	_ =	strace $0x8FFFFFFF  }
0x98: {  	s18 =	sld [smem:$0x3FDB];
	_ =	sdelay $0x1  }
0x99: {  	s19 =	simm.s32 $_scs_section_size  }
0x9a: {  	s4 =	simm.s32 $_size__tile_overlayer_lowered;
	s5 =	simm.s32 $_tile_overlayer_lowered  }
0x9b: {  	s22 =	simm.s32 $0x1BFF;
	s21 =	sshll.u32 s5, $0x1;
	s2 =	sadd.s32 s19, s18  }
0x9c: {  	s6 =	simm.s32 $0x0;
	s20 =	sshll.u32 s4, $0x1;
	s4 =	sadd.s32 s21, s2  }
0x9d: {  	[timem:s6], [sflag:s22] =	dma.local [hbm:s4], s20  }
0x9e: {  	_ =	swait.ge [sflag:s22], s20  }
0x9f: {  	s3 =	ssub.s32 $0x0, s20;
	[sflag:s22] =	ssyncset.done $0x0  }
0xa0: {  	[sflag:s22] =	ssyncadd.s32 s3;
	_ =	sdelay $0x1  }
0xa1: {  	s23 =	simm.s32 $0x1B8B  }
0xa2: {  	_ =	swait.ge [sflag:s23], $0x1  }
0xa3: {  	[sflag:s23] =	ssyncset.done $0x0  }
0xa4: {  	s25 =	simm.s32 $0x1B8E;
	s24 =	sld [smem:$0x3FFE];
	[sflag:s23] =	ssyncadd.s32 $0xFFFFFFFF  }
0xa5: {  	s26 =	simm.s32 $execute0_lowered;
	[smem:$0x3FD2] =	sst s25  }
0xa6: {  	s4 =	sshll.u32 s26, $0x1;
	_ =	strace $0x8000004C;
	[dreg:$0x1] =	wrdreg $0xFFFFFFFF  }
0xa7: {  	s28 =	simm.s32 $_size_execute0_lowered;
	s2 =	sadd.s32 s2, s4;
	[dreg:$0x0] =	wrdreg $0x0  }
0xa8: {  	s4 =	sshll.u32 s28, $0x1;
	[dreg:$0x2] =	wrdreg s2  }
0xa9: {  	[dreg:$0x3] =	wrdreg s4  }
0xaa: {  	[dreg:$0x4] =	wrdreg $0xC0  }
0xab: {  	_ =	task [dreg:s6], $0x5FFFF  }
0xac: {  	[dreg:$0x1] =	wrdreg $0xFFFFFFFF  }
0xad: {  	[dreg:$0x0] =	wrdreg $0x60  }
0xae: {  	[dreg:$0x2] =	wrdreg s24  }
0xaf: {  	[dreg:$0x3] =	wrdreg $0xA0000  }
0xb0: {  	[dreg:$0x4] =	wrdreg $0x9  }
0xb1: {  	_ =	task.clear_ibuf [dreg:s6], $0x5FFFF;
	_ =	strace $0x9000004C  }
0xb2: {  	s29 =	simm.s32 $0x9;
	_ =	strace $0x8000004E  }
0xb3: {  	_ =	swait.ge [sflag:s29], $0x1  }
0xb4: {  	[sflag:s29] =	ssyncadd.s32 $0xFFFFFFFF  }
0xb5: {  	_ =	strace $0x9000004E  }
0xb6: {  	_ =	sfence  }
0xb7: {  	s30 =	sld [smem:$0x0];
	_ =	sdelay $0x2  }
0xb8: {  	s31 =	sshll.u32 s1, $0xD;
	s1 =	sshrl.u32 s1, $0x2  }
0xb9: {  	s3 =	sand.u32 $0x4000, s31;
	s1 =	sadd.s32 s1, s30  }
0xba: {  	s0 =	sor.u32 s3, s0;
	s1 =	sshll.u32 s1, $0x11  }
0xbb: {  	s0 =	sor.u32 s1, s0  }
0xbc: {  	s0 =	sadd.s32 $0x8F2B, s0  }
0xbd: {  	[sflag:s0] =	ssyncadd.remote.s32 $0x1  }
0xbe: {  	_ =	sfence.sel $0xFFFF  }
0xbf: {  	[dreg:$0x0] =	wrdreg $0xFFFFFFFF;
	(pc) =	sbr.abs _section_cstart, $3  }
0xc0: {  	[dreg:$0x1] =	wrdreg $0xFFFFFFFF  }
0xc1: {  	_ =	task.clear_ibuf [dreg:s6], $0x2FFFF;
	_ =	strace $0x9FFFFFFF  }
0xc2: {  	(tm) =	ssettm $0x7FFFFFFF  }
0xc3: {  	_ =	shalt  }
tec
execute0_lowered:
.L_overlay_start_1:
0x0: {  	(tag) =	ssettag $0x1  }
0x1: {  	s7 =	rddreg [dreg:$0x0]  }
0x2: {  	s1 =	rddreg [dreg:$0x1]  }
0x3: {  	s2 =	simm.s32 $0x0;
	s3 =	srdreg.scid;
	s18 =	simm.s32 $0x1000  }
0x4: {  	s19 =	simm.s32 $0x80;
	s20 =	simm.s32 $0x6000;
	s12 =	sand.u32 $0x1, s3  }
0x5: {  	s21 =	simm.s32 $0x1;
	s3 =	stileid.u32;
	s8 =	smul.u32 $0x28000, s12  }
0x6: {  	s22 =	simm.s32 $0x2;
	[smem:$0x7FF] =	sst s2;
	s9 =	smul.u32 $0x50000, s3  }
0x7: {  	s4 =	sadd.s32 $0x66A00, s7;
	s5 =	sadd.s32 $0xCA00, s7;
	s16 =	smul.u32 $0x5000, s3  }
0x8: {  	s6 =	sadd.s32 $0x2A00, s7;
	_ =	strace $0x8000004D;
	s17 =	smul.u32 $0x2800, s12  }
0x9: {  	s29 =	ssub.s32 $0x2, s12;
	s30 =	sshll.u32 s3, $0x1;
	s24 =	smul.u32 $0x2800, s3  }
0xa: {  	s10 =	sshrl.u32 s29, $0x1;
	s14 =	sadd.s32 s8, s7;
	s8 =	sor.u32 s12, s30  }
0xb: {  	s9 =	sshrl.u32 s9, $0x2;
	s15 =	ssub.s32 s29, s10;
	s31 =	sadd.s32 s17, s16  }
.Ltmp0:
0xc: {  	s16 =	simm.s32 $0x2000;
	s17 =	simm.s32 $0x3;
	(pc) =	sbr.rel .LBB2_1-.Ltmp0, $4  }
0xd: {  	s7 =	sadd.s32 s9, s1;
	s13 =	smul.u32 $0x500, s8;
	s23 =	sadd.s32 $0x8EA00, s14  }
0xe: {  	s14 =	smax.u32 s15, $0x1;
	s15 =	sadd.s32 $0x800, s31;
	s8 =	sadd.s32 $0x4000, s7  }
0xf: {  	s9 =	sadd.s32 $0x8000, s7;
	s10 =	sadd.s32 $0xC000, s7;
	s11 =	sadd.s32 $0x10000, s7  }
0x10: {  	v0 =	vimm.f32 $0.0e+00;
	s23 =	sadd.s32 s24, s23;
	s12 =	sadd.s32 s5, s13;
	s13 =	sadd.s32 s6, s13  }
.LBB2_5:
0x11: {  	_ =	swait.ge [sflag:s22], $0x4000  }
0x12: {  	[sflag:s22] =	ssyncset.done $0x0  }
0x13: {  	s0 =	sadd.s32 $0x1780, s29;
	[sflag:s22] =	ssyncadd.s32 $0xFFFFC000  }
0x14: {  	[spmem:s1] =	stream.indirect.scatter.add.f32 [tilespmem:s20], [sflag:$0x3], $0x80, s0, s19, $0xb8;
	[tilespmem:$0x1E000] =	vst v63  }
0x15: {  	_ =	swait.ge [sflag:s17], $0x4000  }
0x16: {  	[sflag:s17] =	ssyncset.done $0x0  }
0x17: {  	[sflag:s17] =	ssyncadd.s32 $0xFFFFC000  }
.LBB2_7:
0x18: {  	s2 =	sadd.s32 $0x1, s2  }
0x19: {  	s0 =	sshll.u32 s3, $0x6;
	[bflag:$0x0] =	sbarrier.arrive $0xFFFF;
	p0 =	sne.s32 s2, s14  }
.Ltmp1:
0x1a: {  	s24 =	sshrl.u32 s7, $0x3;
	s0 =	sor.u32 $0x1C03, s0;
	(pc) =	sbr.rel @!p0 .LBB2_8-.Ltmp1, $4  }
0x1b: {  	[hbm:s23], [sflag:s0] =	dma.local [spmem:s24], $0x2800  }
0x1c: {  	_ =	swait.ge [sflag:s17], $0x2800  }
0x1d: {  	[sflag:s17] =	ssyncset.done $0x0  }
0x1e: {  	[sflag:s17] =	ssyncadd.s32 $0xFFFFD800  }
.LBB2_1:
0x1f: {  	s24 =	simm.s32 $0x0;
	s25 =	simm.s32 $0x200  }
.LBB2_2:
0x20: {  	p0 =	sne.s32 s25, $0xFE00;
	[tilespmem:s24+$0x2070] =	vst v0  }
0x21: {  	[tilespmem:s24+$0x2000] =	vst v0  }
0x22: {  	[tilespmem:s24+$0x2010] =	vst v0  }
.Ltmp2:
0x23: {  	[tilespmem:s24+$0x2020] =	vst v0;
	(pc) =	sbr.rel @p0 .LBB2_2-.Ltmp2, $4  }
0x24: {  	[tilespmem:s24+$0x2030] =	vst v0  }
0x25: {  	[tilespmem:s24+$0x2040] =	vst v0  }
0x26: {  	[tilespmem:s24+$0x2050] =	vst v0  }
0x27: {  	[tilespmem:s24+$0x2060] =	vst v0;
	s24 =	sshra.s32 s25, $0x2;
	s25 =	sadd.s32 $0x200, s25  }
0x28: {  	[tilespmem:s24+$0x2070] =	vst v0  }
0x29: {  	[tilespmem:s24+$0x2000] =	vst v0  }
0x2a: {  	[tilespmem:s24+$0x2010] =	vst v0  }
0x2b: {  	[tilespmem:s24+$0x2020] =	vst v0  }
0x2c: {  	[tilespmem:s24+$0x2030] =	vst v0  }
0x2d: {  	[tilespmem:s24+$0x2040] =	vst v0  }
0x2e: {  	[tilespmem:s24+$0x2050] =	vst v0  }
0x2f: {  	[tilespmem:s24+$0x2060] =	vst v0  }
0x30: {  	[spmem:s7] =	stream.linear.scatter [tilespmem:s16], [sflag:$0x3], $0x4000, $0x38;
	[tilespmem:$0x1E000] =	vst v63  }
0x31: {  	_ =	swait.ge [sflag:s17], $0x4000  }
0x32: {  	[sflag:s17] =	ssyncset.done $0x0  }
0x33: {  	[sflag:s17] =	ssyncadd.s32 $0xFFFFC000  }
0x34: {  	[spmem:s8] =	stream.linear.scatter [tilespmem:s16], [sflag:$0x3], $0x4000, $0x38;
	[tilespmem:$0x1E000] =	vst v63  }
0x35: {  	_ =	swait.ge [sflag:s17], $0x4000  }
0x36: {  	[sflag:s17] =	ssyncset.done $0x0  }
0x37: {  	[sflag:s17] =	ssyncadd.s32 $0xFFFFC000  }
0x38: {  	[spmem:s9] =	stream.linear.scatter [tilespmem:s16], [sflag:$0x3], $0x4000, $0x38;
	[tilespmem:$0x1E000] =	vst v63  }
0x39: {  	_ =	swait.ge [sflag:s17], $0x4000  }
0x3a: {  	[sflag:s17] =	ssyncset.done $0x0  }
0x3b: {  	[sflag:s17] =	ssyncadd.s32 $0xFFFFC000  }
0x3c: {  	[spmem:s10] =	stream.linear.scatter [tilespmem:s16], [sflag:$0x3], $0x4000, $0x38;
	[tilespmem:$0x1E000] =	vst v63  }
0x3d: {  	_ =	swait.ge [sflag:s17], $0x4000  }
0x3e: {  	[sflag:s17] =	ssyncset.done $0x0  }
0x3f: {  	[sflag:s17] =	ssyncadd.s32 $0xFFFFC000  }
0x40: {  	[spmem:s11] =	stream.linear.scatter [tilespmem:s16], [sflag:$0x3], $0x4000, $0x38;
	[tilespmem:$0x1E000] =	vst v63  }
0x41: {  	_ =	swait.ge [sflag:s17], $0x4000  }
0x42: {  	[sflag:s17] =	ssyncset.done $0x0  }
0x43: {  	[sflag:s17] =	ssyncadd.s32 $0xFFFFC000  }
0x44: {  	s24 =	simm.s32 $0x0;
	[bflag:$0x0] =	sbarrier.arrive $0xFFFF  }
0x45: {  	[tilespmem:s24], [sflag:$0x3] =	stream.linear.gather [hbm4b:s12+s24], $0x800, $0x38;
	[tilespmem:$0x1E000] =	vst v63  }
0x46: {  	_ =	swait.ge [sflag:s17], $0x800  }
0x47: {  	[sflag:s17] =	ssyncset.done $0x0  }
0x48: {  	[sflag:s17] =	ssyncadd.s32 $0xFFFFF800  }
0x49: {  	[tilespmem:s18], [sflag:$0x3] =	stream.linear.gather [hbm4b:s13+s24], $0x800, $0x38;
	[tilespmem:$0x1E000] =	vst v63  }
0x4a: {  	_ =	swait.ge [sflag:s17], $0x800  }
0x4b: {  	[sflag:s17] =	ssyncset.done $0x0  }
0x4c: {  	[sflag:s17] =	ssyncadd.s32 $0xFFFFF800  }
0x4d: {  	[tilespmem:s16], [sflag:$0x1] =	stream.indirect.gather [hbm4b:s4+s19], $0x80, s24, s19, $0xb8;
	[tilespmem:$0x1E000] =	vst v63  }
0x4e: {  	s25 =	smov.u32 s15  }
0x4f: {  	[tilespmem:s20], [sflag:$0x2] =	stream.indirect.gather [hbm4b:s4+s19], $0x80, s19, s19, $0xb8;
	[tilespmem:$0x1E000] =	vst v63  }
.LBB2_4:
0x50: {  	s28 =	smov.u32 s24  }
0x51: {  	s24 =	sadd.s32 $0x1, s24;
	p0 =	seq.s32 s28, $0x4  }
0x52: {  	s26 =	sand.u32 $0x1, s24;
	s29 =	sshrl.u32 @!p0 s25, $0x3  }
0x53: {  	s30 =	sshll.u32 @!p0 s26, $0xB;
	s0 =	simm.s32 @!p0 $0x0;
	s31 =	sadd.s32 @!p0 s5, s29  }
0x54: {  	[tilespmem:s30], [sflag:$0x3] =	stream.linear.gather @!p0 [hbm4b:s31+s0], $0x800, $0x38;
	[tilespmem:$0x1E000] =	vst v63  }
0x55: {  	s31 =	simm.s32 @!p0 $0x3  }
0x56: {  	_ =	swait.ge @!p0 [sflag:s31], $0x800  }
0x57: {  	[sflag:s31] =	ssyncset.done @!p0 $0x0  }
0x58: {  	s29 =	sadd.s32 @!p0 s6, s29;
	s30 =	sor.u32 @!p0 $0x1000, s30;
	[sflag:s31] =	ssyncadd.s32 @!p0 $0xFFFFF800  }
0x59: {  	[tilespmem:s30], [sflag:$0x3] =	stream.linear.gather @!p0 [hbm4b:s29+s0], $0x800, $0x38;
	[tilespmem:$0x1E000] =	vst v63  }
0x5a: {  	_ =	swait.ge @!p0 [sflag:s31], $0x800  }
0x5b: {  	[sflag:s31] =	ssyncset.done @!p0 $0x0  }
0x5c: {  	[sflag:s31] =	ssyncadd.s32 @!p0 $0xFFFFF800  }
0x5d: {  	s31 =	sand.u32 $0x1, s28;
	_ =	swait.ge [sflag:s21], $0x4000  }
0x5e: {  	s29 =	sshll.u32 s31, $0xB;
	[sflag:s21] =	ssyncset.done $0x0  }
0x5f: {  	s0 =	sor.u32 $0x1000, s29;
	[sflag:s21] =	ssyncadd.s32 $0xFFFFC000  }
0x60: {  	[spmem:s1] =	stream.indirect.scatter.add.f32 [tilespmem:s16], [sflag:$0x3], $0x80, s0, s19, $0xb8;
	[tilespmem:$0x1E000] =	vst v63  }
0x61: {  	_ =	swait.ge [sflag:s17], $0x4000  }
0x62: {  	[sflag:s17] =	ssyncset.done $0x0  }
0x63: {  	s30 =	sor.u32 $0x100, s29;
	[sflag:s17] =	ssyncadd.s32 $0xFFFFC000  }
0x64: {  	[tilespmem:s16], [sflag:$0x1] =	stream.indirect.gather [hbm4b:s4+s19], $0x80, s30, s19, $0xb8;
	[tilespmem:$0x1E000] =	vst v63  }
0x65: {  	_ =	swait.ge [sflag:s22], $0x4000  }
0x66: {  	[sflag:s22] =	ssyncset.done $0x0  }
0x67: {  	s31 =	sor.u32 $0x1080, s29;
	[sflag:s22] =	ssyncadd.s32 $0xFFFFC000  }
0x68: {  	[spmem:s1] =	stream.indirect.scatter.add.f32 [tilespmem:s20], [sflag:$0x3], $0x80, s31, s19, $0xb8;
	[tilespmem:$0x1E000] =	vst v63  }
0x69: {  	_ =	swait.ge [sflag:s17], $0x4000  }
0x6a: {  	[sflag:s17] =	ssyncset.done $0x0  }
0x6b: {  	s30 =	sor.u32 $0x180, s29;
	[sflag:s17] =	ssyncadd.s32 $0xFFFFC000  }
0x6c: {  	[tilespmem:s20], [sflag:$0x2] =	stream.indirect.gather [hbm4b:s4+s19], $0x80, s30, s19, $0xb8;
	[tilespmem:$0x1E000] =	vst v63  }
0x6d: {  	_ =	swait.ge [sflag:s21], $0x4000  }
0x6e: {  	[sflag:s21] =	ssyncset.done $0x0  }
0x6f: {  	s31 =	sor.u32 $0x1100, s29;
	[sflag:s21] =	ssyncadd.s32 $0xFFFFC000  }
0x70: {  	[spmem:s1] =	stream.indirect.scatter.add.f32 [tilespmem:s16], [sflag:$0x3], $0x80, s31, s19, $0xb8;
	[tilespmem:$0x1E000] =	vst v63  }
0x71: {  	_ =	swait.ge [sflag:s17], $0x4000  }
0x72: {  	[sflag:s17] =	ssyncset.done $0x0  }
0x73: {  	s30 =	sor.u32 $0x200, s29;
	[sflag:s17] =	ssyncadd.s32 $0xFFFFC000  }
0x74: {  	[tilespmem:s16], [sflag:$0x1] =	stream.indirect.gather [hbm4b:s4+s19], $0x80, s30, s19, $0xb8;
	[tilespmem:$0x1E000] =	vst v63  }
0x75: {  	_ =	swait.ge [sflag:s22], $0x4000  }
0x76: {  	[sflag:s22] =	ssyncset.done $0x0  }
0x77: {  	s31 =	sor.u32 $0x1180, s29;
	[sflag:s22] =	ssyncadd.s32 $0xFFFFC000  }
0x78: {  	[spmem:s1] =	stream.indirect.scatter.add.f32 [tilespmem:s20], [sflag:$0x3], $0x80, s31, s19, $0xb8;
	[tilespmem:$0x1E000] =	vst v63  }
0x79: {  	_ =	swait.ge [sflag:s17], $0x4000  }
0x7a: {  	[sflag:s17] =	ssyncset.done $0x0  }
0x7b: {  	s30 =	sor.u32 $0x280, s29;
	[sflag:s17] =	ssyncadd.s32 $0xFFFFC000  }
0x7c: {  	[tilespmem:s20], [sflag:$0x2] =	stream.indirect.gather [hbm4b:s4+s19], $0x80, s30, s19, $0xb8;
	[tilespmem:$0x1E000] =	vst v63  }
0x7d: {  	_ =	swait.ge [sflag:s21], $0x4000  }
0x7e: {  	[sflag:s21] =	ssyncset.done $0x0  }
0x7f: {  	s31 =	sor.u32 $0x1200, s29;
	[sflag:s21] =	ssyncadd.s32 $0xFFFFC000  }
0x80: {  	[spmem:s1] =	stream.indirect.scatter.add.f32 [tilespmem:s16], [sflag:$0x3], $0x80, s31, s19, $0xb8;
	[tilespmem:$0x1E000] =	vst v63  }
0x81: {  	_ =	swait.ge [sflag:s17], $0x4000  }
0x82: {  	[sflag:s17] =	ssyncset.done $0x0  }
0x83: {  	s30 =	sor.u32 $0x300, s29;
	[sflag:s17] =	ssyncadd.s32 $0xFFFFC000  }
0x84: {  	[tilespmem:s16], [sflag:$0x1] =	stream.indirect.gather [hbm4b:s4+s19], $0x80, s30, s19, $0xb8;
	[tilespmem:$0x1E000] =	vst v63  }
0x85: {  	_ =	swait.ge [sflag:s22], $0x4000  }
0x86: {  	[sflag:s22] =	ssyncset.done $0x0  }
0x87: {  	s31 =	sor.u32 $0x1280, s29;
	[sflag:s22] =	ssyncadd.s32 $0xFFFFC000  }
0x88: {  	[spmem:s1] =	stream.indirect.scatter.add.f32 [tilespmem:s20], [sflag:$0x3], $0x80, s31, s19, $0xb8;
	[tilespmem:$0x1E000] =	vst v63  }
0x89: {  	_ =	swait.ge [sflag:s17], $0x4000  }
0x8a: {  	[sflag:s17] =	ssyncset.done $0x0  }
0x8b: {  	s30 =	sor.u32 $0x380, s29;
	[sflag:s17] =	ssyncadd.s32 $0xFFFFC000  }
0x8c: {  	[tilespmem:s20], [sflag:$0x2] =	stream.indirect.gather [hbm4b:s4+s19], $0x80, s30, s19, $0xb8;
	[tilespmem:$0x1E000] =	vst v63  }
0x8d: {  	_ =	swait.ge [sflag:s21], $0x4000  }
0x8e: {  	[sflag:s21] =	ssyncset.done $0x0  }
0x8f: {  	s31 =	sor.u32 $0x1300, s29;
	[sflag:s21] =	ssyncadd.s32 $0xFFFFC000  }
0x90: {  	[spmem:s1] =	stream.indirect.scatter.add.f32 [tilespmem:s16], [sflag:$0x3], $0x80, s31, s19, $0xb8;
	[tilespmem:$0x1E000] =	vst v63  }
0x91: {  	_ =	swait.ge [sflag:s17], $0x4000  }
0x92: {  	[sflag:s17] =	ssyncset.done $0x0  }
0x93: {  	s30 =	sor.u32 $0x400, s29;
	[sflag:s17] =	ssyncadd.s32 $0xFFFFC000  }
0x94: {  	[tilespmem:s16], [sflag:$0x1] =	stream.indirect.gather [hbm4b:s4+s19], $0x80, s30, s19, $0xb8;
	[tilespmem:$0x1E000] =	vst v63  }
0x95: {  	_ =	swait.ge [sflag:s22], $0x4000  }
0x96: {  	[sflag:s22] =	ssyncset.done $0x0  }
0x97: {  	s31 =	sor.u32 $0x1380, s29;
	[sflag:s22] =	ssyncadd.s32 $0xFFFFC000  }
0x98: {  	[spmem:s1] =	stream.indirect.scatter.add.f32 [tilespmem:s20], [sflag:$0x3], $0x80, s31, s19, $0xb8;
	[tilespmem:$0x1E000] =	vst v63  }
0x99: {  	_ =	swait.ge [sflag:s17], $0x4000  }
0x9a: {  	[sflag:s17] =	ssyncset.done $0x0  }
0x9b: {  	s30 =	sor.u32 $0x480, s29;
	[sflag:s17] =	ssyncadd.s32 $0xFFFFC000  }
0x9c: {  	[tilespmem:s20], [sflag:$0x2] =	stream.indirect.gather [hbm4b:s4+s19], $0x80, s30, s19, $0xb8;
	[tilespmem:$0x1E000] =	vst v63  }
0x9d: {  	_ =	swait.ge [sflag:s21], $0x4000  }
0x9e: {  	[sflag:s21] =	ssyncset.done $0x0  }
0x9f: {  	s31 =	sor.u32 $0x1400, s29;
	[sflag:s21] =	ssyncadd.s32 $0xFFFFC000  }
0xa0: {  	[spmem:s1] =	stream.indirect.scatter.add.f32 [tilespmem:s16], [sflag:$0x3], $0x80, s31, s19, $0xb8;
	[tilespmem:$0x1E000] =	vst v63  }
0xa1: {  	_ =	swait.ge [sflag:s17], $0x4000  }
0xa2: {  	[sflag:s17] =	ssyncset.done $0x0  }
0xa3: {  	s30 =	sor.u32 $0x500, s29;
	[sflag:s17] =	ssyncadd.s32 $0xFFFFC000  }
0xa4: {  	[tilespmem:s16], [sflag:$0x1] =	stream.indirect.gather [hbm4b:s4+s19], $0x80, s30, s19, $0xb8;
	[tilespmem:$0x1E000] =	vst v63  }
0xa5: {  	_ =	swait.ge [sflag:s22], $0x4000  }
0xa6: {  	[sflag:s22] =	ssyncset.done $0x0  }
0xa7: {  	s31 =	sor.u32 $0x1480, s29;
	[sflag:s22] =	ssyncadd.s32 $0xFFFFC000  }
0xa8: {  	[spmem:s1] =	stream.indirect.scatter.add.f32 [tilespmem:s20], [sflag:$0x3], $0x80, s31, s19, $0xb8;
	[tilespmem:$0x1E000] =	vst v63  }
0xa9: {  	_ =	swait.ge [sflag:s17], $0x4000  }
0xaa: {  	[sflag:s17] =	ssyncset.done $0x0  }
0xab: {  	s30 =	sor.u32 $0x580, s29;
	[sflag:s17] =	ssyncadd.s32 $0xFFFFC000  }
0xac: {  	[tilespmem:s20], [sflag:$0x2] =	stream.indirect.gather [hbm4b:s4+s19], $0x80, s30, s19, $0xb8;
	[tilespmem:$0x1E000] =	vst v63  }
0xad: {  	_ =	swait.ge [sflag:s21], $0x4000  }
0xae: {  	[sflag:s21] =	ssyncset.done $0x0  }
0xaf: {  	s31 =	sor.u32 $0x1500, s29;
	[sflag:s21] =	ssyncadd.s32 $0xFFFFC000  }
0xb0: {  	[spmem:s1] =	stream.indirect.scatter.add.f32 [tilespmem:s16], [sflag:$0x3], $0x80, s31, s19, $0xb8;
	[tilespmem:$0x1E000] =	vst v63  }
0xb1: {  	_ =	swait.ge [sflag:s17], $0x4000  }
0xb2: {  	[sflag:s17] =	ssyncset.done $0x0  }
0xb3: {  	s30 =	sor.u32 $0x600, s29;
	[sflag:s17] =	ssyncadd.s32 $0xFFFFC000  }
0xb4: {  	[tilespmem:s16], [sflag:$0x1] =	stream.indirect.gather [hbm4b:s4+s19], $0x80, s30, s19, $0xb8;
	[tilespmem:$0x1E000] =	vst v63  }
0xb5: {  	_ =	swait.ge [sflag:s22], $0x4000  }
0xb6: {  	[sflag:s22] =	ssyncset.done $0x0  }
0xb7: {  	s31 =	sor.u32 $0x1580, s29;
	[sflag:s22] =	ssyncadd.s32 $0xFFFFC000  }
0xb8: {  	[spmem:s1] =	stream.indirect.scatter.add.f32 [tilespmem:s20], [sflag:$0x3], $0x80, s31, s19, $0xb8;
	[tilespmem:$0x1E000] =	vst v63  }
0xb9: {  	_ =	swait.ge [sflag:s17], $0x4000  }
0xba: {  	[sflag:s17] =	ssyncset.done $0x0  }
0xbb: {  	s30 =	sor.u32 $0x680, s29;
	[sflag:s17] =	ssyncadd.s32 $0xFFFFC000  }
0xbc: {  	[tilespmem:s20], [sflag:$0x2] =	stream.indirect.gather [hbm4b:s4+s19], $0x80, s30, s19, $0xb8;
	[tilespmem:$0x1E000] =	vst v63  }
0xbd: {  	_ =	swait.ge [sflag:s21], $0x4000  }
0xbe: {  	[sflag:s21] =	ssyncset.done $0x0  }
0xbf: {  	s31 =	sor.u32 $0x1600, s29;
	[sflag:s21] =	ssyncadd.s32 $0xFFFFC000  }
0xc0: {  	[spmem:s1] =	stream.indirect.scatter.add.f32 [tilespmem:s16], [sflag:$0x3], $0x80, s31, s19, $0xb8;
	[tilespmem:$0x1E000] =	vst v63  }
0xc1: {  	_ =	swait.ge [sflag:s17], $0x4000  }
0xc2: {  	[sflag:s17] =	ssyncset.done $0x0  }
0xc3: {  	s30 =	sor.u32 $0x700, s29;
	[sflag:s17] =	ssyncadd.s32 $0xFFFFC000  }
0xc4: {  	[tilespmem:s16], [sflag:$0x1] =	stream.indirect.gather [hbm4b:s4+s19], $0x80, s30, s19, $0xb8;
	[tilespmem:$0x1E000] =	vst v63  }
0xc5: {  	_ =	swait.ge [sflag:s22], $0x4000  }
0xc6: {  	[sflag:s22] =	ssyncset.done $0x0  }
0xc7: {  	s31 =	sor.u32 $0x1680, s29;
	[sflag:s22] =	ssyncadd.s32 $0xFFFFC000  }
0xc8: {  	[spmem:s1] =	stream.indirect.scatter.add.f32 [tilespmem:s20], [sflag:$0x3], $0x80, s31, s19, $0xb8;
	[tilespmem:$0x1E000] =	vst v63  }
0xc9: {  	_ =	swait.ge [sflag:s17], $0x4000  }
0xca: {  	[sflag:s17] =	ssyncset.done $0x0  }
0xcb: {  	s30 =	sor.u32 $0x780, s29;
	[sflag:s17] =	ssyncadd.s32 $0xFFFFC000  }
0xcc: {  	[tilespmem:s20], [sflag:$0x2] =	stream.indirect.gather [hbm4b:s4+s19], $0x80, s30, s19, $0xb8;
	[tilespmem:$0x1E000] =	vst v63  }
0xcd: {  	_ =	swait.ge [sflag:s21], $0x4000  }
0xce: {  	p0 =	sne.s32 s28, $0x4;
	[sflag:s21] =	ssyncset.done $0x0  }
.Ltmp3:
0xcf: {  	s31 =	sor.u32 $0x1700, s29;
	[sflag:s21] =	ssyncadd.s32 $0xFFFFC000;
	(pc) =	sbr.rel @!p0 .LBB2_5-.Ltmp3, $4  }
0xd0: {  	[spmem:s1] =	stream.indirect.scatter.add.f32 [tilespmem:s16], [sflag:$0x3], $0x80, s31, s19, $0xb8;
	[tilespmem:$0x1E000] =	vst v63  }
0xd1: {  	_ =	swait.ge [sflag:s17], $0x4000  }
0xd2: {  	[sflag:s17] =	ssyncset.done $0x0  }
0xd3: {  	[sflag:s17] =	ssyncadd.s32 $0xFFFFC000  }
0xd4: {  	s0 =	sshll.u32 s26, $0xB  }
0xd5: {  	[tilespmem:s16], [sflag:$0x1] =	stream.indirect.gather [hbm4b:s4+s19], $0x80, s0, s19, $0xb8;
	[tilespmem:$0x1E000] =	vst v63  }
0xd6: {  	_ =	swait.ge [sflag:s22], $0x4000  }
0xd7: {  	[sflag:s22] =	ssyncset.done $0x0  }
0xd8: {  	s31 =	sadd.s32 $0x1780, s29;
	p0 =	sne.s32 s24, $0x5;
	[sflag:s22] =	ssyncadd.s32 $0xFFFFC000  }
0xd9: {  	[spmem:s1] =	stream.indirect.scatter.add.f32 [tilespmem:s20], [sflag:$0x3], $0x80, s31, s19, $0xb8;
	[tilespmem:$0x1E000] =	vst v63  }
.Ltmp4:
0xda: {  	_ = 	snop;
	(pc) =	sbr.rel @p0 .LBB2_4-.Ltmp4, $4  }
.Ltmp5:
0xdb: {  	_ =	swait.ge [sflag:s17], $0x4000;
	(pc) =	sbr.rel @!p0 .LBB2_7-.Ltmp5, $4  }
0xdc: {  	[sflag:s17] =	ssyncset.done $0x0  }
0xdd: {  	s25 =	sadd.s32 $0x800, s25;
	s0 =	sor.u32 $0x80, s0;
	[sflag:s17] =	ssyncadd.s32 $0xFFFFC000  }
0xde: {  	[tilespmem:s20], [sflag:$0x2] =	stream.indirect.gather [hbm4b:s4+s19], $0x80, s0, s19, $0xb8;
	[tilespmem:$0x1E000] =	vst v63  }
0xdf: {  	_ = 	snop  }
.LBB2_8:
0xe0: {  	_ =	sfence.sel $0x180000  }
0xe1: {  	[bflag:$0x0] =	sbarrier.arrive $0xFFFF  }
0xe2: {  	_ =	strace $0x9000004D  }
0xe3: {  	[bflag:$0x2] =	sbarrier.arrive $0xFFFF  }
0xe4: {  	p0 =	sne.s32 s3, $0x0;
	s0 =	rddreg [dreg:$0x2]  }
0xe5: {  	s0 =	sadd.s32 @!p0 $0x100000, s0  }
0xe6: {  	[sflag:s0] =	ssyncadd.tile.s32 @!p0 $0x1;
	_ =	shalt  }
.Lfunc_end2:
_tile_overlayer_lowered:
.L_overlay_start_2:
0xe7: {  	(tag) =	ssettag $0x2  }
0xe8: {  	s0 =	rddreg [dreg:$0x0];
	s2 =	stileid.u32  }
0xe9: {  	s1 =	rddreg [dreg:$0x1];
	p0 =	sne.s32 s2, $0x0  }
0xea: {  	s3 =	rddreg [dreg:$0x2];
	[bflag:$0x3] =	sbarrier.arrive $0xFFFF;
	s2 =	simm.s32 @!p0 $0x1C03  }
0xeb: {  	[timem:s3], [sflag:s2] =	dma.local @!p0 [hbm:s0], s1  }
0xec: {  	s0 =	simm.s32 @!p0 $0x3  }
0xed: {  	_ =	swait.ge @!p0 [sflag:s0], s1  }
0xee: {  	s1 =	ssub.s32 @!p0 $0x0, s1;
	[sflag:s0] =	ssyncset.done @!p0 $0x0  }
0xef: {  	[sflag:s0] =	ssyncadd.s32 @!p0 s1  }
0xf0: {  	[bflag:$0x3] =	sbarrier.arrive $0xFFFF  }
0xf1: {  	_ =	shalt  }

// kernel: kernel.8.cloned.1.call-start
scs
__scs_entry_jumppad:
0x0: {  	(pc) =	sbr.rel $0x88, $3  }
0x1: {  	(tag) =	ssettag $0x0;
	lr =	simm.s32 $0x1  }
0x2: {  	[smem:$0x3F98] =	sst lr;
	_ =	strace $0xD0000000  }
0x3: {  	_ = 	snop  }
0x4: {  	_ = 	snop  }
0x5: {  	_ = 	snop  }
0x6: {  	_ = 	snop  }
0x7: {  	_ = 	snop  }
__scs_overlays_trampoline_lowered:
0x8: {  	[smem:$0x3FA7] =	sst s0  }
0x9: {  	[smem:$0x3FA8] =	sst s1  }
0xa: {  	[smem:$0x3FA9] =	sst s2  }
0xb: {  	[smem:$0x3FAA] =	sst s3  }
0xc: {  	[smem:$0x3FAB] =	sst s4  }
0xd: {  	[smem:$0x3FAC] =	sst s5  }
0xe: {  	[smem:$0x3FAD] =	sst s6  }
0xf: {  	[smem:$0x3FAE] =	sst s7  }
0x10: {  	[smem:$0x3FAF] =	sst s8  }
0x11: {  	[smem:$0x3FB0] =	sst s9;
	s0 =	simm.s32 @!p0 $0x0  }
0x12: {  	s1 =	sld [smem:$0x3F96];
	s0 =	simm.s32 @p0 $0x1  }
0x13: {  	[smem:$0x3FB1] =	sst s0;
	s0 =	simm.s32 @!p1 $0x0  }
0x14: {  	s2 =	sld [smem:$0x3F95];
	s0 =	simm.s32 @p1 $0x1  }
0x15: {  	[smem:$0x3FB2] =	sst s0;
	s0 =	simm.s32 @!p2 $0x0  }
0x16: {  	s3 =	sld [smem:$0x3FDB];
	s0 =	simm.s32 @p2 $0x1  }
0x17: {  	s4 =	simm.s32 $0x1BF5;
	[smem:$0x3FB4] =	sst s0  }
0x18: {  	s0 =	sld [smem:$0x3F97];
	_ =	swait.ge [sflag:s4], $0x0  }
0x19: {  	s7 =	sld [smem:$0x3F98]  }
0x1a: {  	s8 =	sadd.s32 $0xFFFFE003, lr  }
0x1b: {  	s9 =	sadd.s32 $0xFFFFFEF7, lr;
	s5 =	simm.s32 $0xFFFFFFFF;
	p2 =	slt.u32 s8, $0xFFFFF086  }
0x1c: {  	p1 =	slt.u32 s9, $0xF7A;
	s5 =	simm.s32 @!p2 $0x0  }
0x1d: {  	s5 =	simm.s32 @p1 $0x1;
	p0 =	seq.s32 s7, s2  }
0x1e: {  	s7 =	smul.u32 @!p0 $0xF7A, s2;
	p2 =	seq.s32 @!p0 s5, $0x0  }
0x1f: {  	s9 =	smul.u32 $0xF7A, s1;
	s8 =	simm.s32 @!p0 $0x1BF5;
	p2 =	por !p2, p0  }
0x20: {  	[sflag:s8] =	ssyncset.s32 @!p0 $0xFFFFF086;
	s6 =	sadd.s32 @!p0 s3, s7;
	s7 =	simm.s32 @!p0 $0x108  }
0x21: {  	s3 =	sadd.s32 s3, s9;
	s6 =	sadd.s32 @!p0 $0x88, s6;
	s7 =	simm.s32 @p2 $0x1082  }
0x22: {  	[simem:s7], [sflag:s8] =	dma.local @!p0 [hbm:s6], $0xF7A  }
0x23: {  	s9 =	sor.u32 $0xD0000000, s2;
	s6 =	simm.s32 $0x108;
	_ =	swait.ge @!p0 [sflag:s8], $0x0  }
0x24: {  	s3 =	sadd.s32 $0x88, s3;
	s6 =	simm.s32 @!p1 $0x1082;
	[sflag:s4] =	ssyncset.s32 $0xFFFFF086  }
0x25: {  	[simem:s6], [sflag:s4] =	dma.local [hbm:s3], $0xF7A  }
0x26: {  	[smem:$0x3F98] =	sst s1;
	(tag) =	ssettag s2;
	_ =	strace s9  }
0x27: {  	s1 =	sld [smem:$0x3FA8]  }
0x28: {  	s2 =	sld [smem:$0x3FA9]  }
0x29: {  	s4 =	sld [smem:$0x3FAB]  }
0x2a: {  	p0 =	seq.s32 s5, $0x0;
	s5 =	sld [smem:$0x3FAC]  }
0x2b: {  	s6 =	sld [smem:$0x3FAD]  }
0x2c: {  	s7 =	sld [smem:$0x3FAE]  }
0x2d: {  	s3 =	simm.s32 $0x108;
	s8 =	sld [smem:$0x3FAF]  }
0x2e: {  	s3 =	simm.s32 @!p0 $0x1082;
	s9 =	sld [smem:$0x3FB0]  }
0x2f: {  	lr =	sadd.s32 s0, s3;
	s0 =	sld [smem:$0x3FA7]  }
0x30: {  	s3 =	sld [smem:$0x3FAA]  }
0x31: {  	[smem:$0x3FB3] =	sst s10  }
0x32: {  	s10 =	sld [smem:$0x3FB1];
	_ =	sdelay $0x3  }
0x33: {  	p0 =	seq.s32 s10, $0x1;
	s10 =	sld [smem:$0x3FB3];
	_ =	sdelay $0x3  }
0x34: {  	[smem:$0x3FB3] =	sst s10  }
0x35: {  	s10 =	sld [smem:$0x3FB2];
	_ =	sdelay $0x3  }
0x36: {  	p1 =	seq.s32 s10, $0x1;
	s10 =	sld [smem:$0x3FB3];
	_ =	sdelay $0x3  }
0x37: {  	[smem:$0x3FB3] =	sst s10  }
0x38: {  	s10 =	sld [smem:$0x3FB4]  }
0x39: {  	_ = 	snop;
	(pc) =	sbr.ind lr, $3  }
0x3a: {  	_ = 	snop  }
0x3b: {  	_ = 	snop  }
0x3c: {  	p2 =	seq.s32 s10, $0x1;
	s10 =	sld [smem:$0x3FB3]  }
0x3d: {  	_ =	shalt  }
0x3e: {  	_ =	shalt  }
0x3f: {  	_ =	shalt  }
0x40: {  	_ =	shalt  }
0x41: {  	_ =	shalt  }
0x42: {  	_ =	shalt  }
0x43: {  	_ =	shalt  }
0x44: {  	_ =	shalt  }
0x45: {  	_ =	shalt  }
0x46: {  	_ =	shalt  }
0x47: {  	_ =	shalt  }
0x48: {  	_ =	shalt  }
0x49: {  	_ =	shalt  }
0x4a: {  	_ =	shalt  }
0x4b: {  	_ =	shalt  }
0x4c: {  	_ =	shalt  }
0x4d: {  	_ =	shalt  }
0x4e: {  	_ =	shalt  }
0x4f: {  	_ =	shalt  }
0x50: {  	_ =	shalt  }
0x51: {  	_ =	shalt  }
0x52: {  	_ =	shalt  }
0x53: {  	_ =	shalt  }
0x54: {  	_ =	shalt  }
0x55: {  	_ =	shalt  }
0x56: {  	_ =	shalt  }
0x57: {  	_ =	shalt  }
0x58: {  	_ =	shalt  }
0x59: {  	_ =	shalt  }
0x5a: {  	_ =	shalt  }
0x5b: {  	_ =	shalt  }
0x5c: {  	_ =	shalt  }
0x5d: {  	_ =	shalt  }
0x5e: {  	_ =	shalt  }
0x5f: {  	_ =	shalt  }
0x60: {  	_ =	shalt  }
0x61: {  	_ =	shalt  }
0x62: {  	_ =	shalt  }
0x63: {  	_ =	shalt  }
0x64: {  	_ =	shalt  }
0x65: {  	_ =	shalt  }
0x66: {  	_ =	shalt  }
0x67: {  	_ =	shalt  }
0x68: {  	_ =	shalt  }
0x69: {  	_ =	shalt  }
0x6a: {  	_ =	shalt  }
0x6b: {  	_ =	shalt  }
0x6c: {  	_ =	shalt  }
0x6d: {  	_ =	shalt  }
0x6e: {  	_ =	shalt  }
0x6f: {  	_ =	shalt  }
0x70: {  	_ =	shalt  }
0x71: {  	_ =	shalt  }
0x72: {  	_ =	shalt  }
0x73: {  	_ =	shalt  }
0x74: {  	_ =	shalt  }
0x75: {  	_ =	shalt  }
0x76: {  	_ =	shalt  }
0x77: {  	_ =	shalt  }
0x78: {  	_ =	shalt  }
0x79: {  	_ =	shalt  }
0x7a: {  	_ =	shalt  }
0x7b: {  	_ =	shalt  }
0x7c: {  	_ =	shalt  }
0x7d: {  	_ =	shalt  }
0x7e: {  	_ =	shalt  }
0x7f: {  	_ =	shalt  }
0x80: {  	_ =	shalt  }
0x81: {  	_ =	shalt  }
0x82: {  	_ =	shalt  }
0x83: {  	_ =	shalt  }
0x84: {  	_ =	shalt  }
0x85: {  	_ =	shalt  }
0x86: {  	_ =	shalt  }
0x87: {  	_ =	shalt  }
.Lfunc_end0:
.L_simem_size_0:
called_computation_lowered:
.L_overlay_start_0:
0x88: {  	s2 =	sld [smem:$0x3FD9]  }
0x89: {  	s3 =	sld [smem:$0x3FFE];
	_ =	sdelay $0x1  }
0x8a: {  	s1 =	srdreg.scid  }
0x8b: {  	s0 =	sand.u32 $0x1, s1  }
0x8c: {  	s16 =	sshll.u32 s0, $0xA;
	s2 =	sadd.s32 s3, s2  }
0x8d: {  	s2 =	sadd.s32 s2, s16  }
0x8e: {  	[smem:$0x3FBF] =	sst s2  }
0x8f: {  	_ = 	snop  }
0x90: {  	(tm) =	ssettm $0x1  }
0x91: {  	s17 =	sld [smem:$0x3FFB];
	_ =	sdelay $0x3  }
0x92: {  	_ =	strace s17  }
0x93: {  	s2 =	sld [smem:$0x3FFC];
	_ =	sdelay $0x3  }
0x94: {  	_ =	strace s2  }
0x95: {  	s2 =	sld [smem:$0x3FFD];
	_ =	sdelay $0x3  }
0x96: {  	_ =	strace s2  }
0x97: {  	_ =	strace $0x8FFFFFFF  }
0x98: {  	s18 =	sld [smem:$0x3FDB];
	_ =	sdelay $0x1  }
0x99: {  	s19 =	simm.s32 $_scs_section_size  }
0x9a: {  	s4 =	simm.s32 $_size__tile_overlayer_lowered;
	s5 =	simm.s32 $_tile_overlayer_lowered  }
0x9b: {  	s22 =	simm.s32 $0x1BFF;
	s21 =	sshll.u32 s5, $0x1;
	s2 =	sadd.s32 s19, s18  }
0x9c: {  	s6 =	simm.s32 $0x0;
	s20 =	sshll.u32 s4, $0x1;
	s4 =	sadd.s32 s21, s2  }
0x9d: {  	[timem:s6], [sflag:s22] =	dma.local [hbm:s4], s20  }
0x9e: {  	_ =	swait.ge [sflag:s22], s20  }
0x9f: {  	s3 =	ssub.s32 $0x0, s20;
	[sflag:s22] =	ssyncset.done $0x0  }
0xa0: {  	[sflag:s22] =	ssyncadd.s32 s3;
	_ =	sdelay $0x1  }
0xa1: {  	s23 =	simm.s32 $0x1B8B  }
0xa2: {  	_ =	swait.ge [sflag:s23], $0x1  }
0xa3: {  	[sflag:s23] =	ssyncset.done $0x0  }
0xa4: {  	s25 =	simm.s32 $0x1B8E;
	s24 =	sld [smem:$0x3FFE];
	[sflag:s23] =	ssyncadd.s32 $0xFFFFFFFF  }
0xa5: {  	s26 =	simm.s32 $execute0_lowered;
	[smem:$0x3FD2] =	sst s25  }
0xa6: {  	s4 =	sshll.u32 s26, $0x1;
	_ =	strace $0x80000046;
	[dreg:$0x1] =	wrdreg $0xFFFFFFFF  }
0xa7: {  	s28 =	simm.s32 $_size_execute0_lowered;
	s2 =	sadd.s32 s2, s4;
	[dreg:$0x0] =	wrdreg $0x0  }
0xa8: {  	s4 =	sshll.u32 s28, $0x1;
	[dreg:$0x2] =	wrdreg s2  }
0xa9: {  	[dreg:$0x3] =	wrdreg s4  }
0xaa: {  	[dreg:$0x4] =	wrdreg $0xC0  }
0xab: {  	_ =	task [dreg:s6], $0x5FFFF  }
0xac: {  	[dreg:$0x1] =	wrdreg $0xFFFFFFFF  }
0xad: {  	[dreg:$0x0] =	wrdreg $0x60  }
0xae: {  	[dreg:$0x2] =	wrdreg s24  }
0xaf: {  	[dreg:$0x3] =	wrdreg $0x68000  }
0xb0: {  	[dreg:$0x4] =	wrdreg $0x9  }
0xb1: {  	_ =	task.clear_ibuf [dreg:s6], $0x5FFFF;
	_ =	strace $0x90000046  }
0xb2: {  	s29 =	simm.s32 $0x9;
	_ =	strace $0x80000048  }
0xb3: {  	_ =	swait.ge [sflag:s29], $0x1  }
0xb4: {  	[sflag:s29] =	ssyncadd.s32 $0xFFFFFFFF  }
0xb5: {  	_ =	strace $0x90000048  }
0xb6: {  	_ =	sfence  }
0xb7: {  	s30 =	sld [smem:$0x0];
	_ =	sdelay $0x2  }
0xb8: {  	s31 =	sshll.u32 s1, $0xD;
	s1 =	sshrl.u32 s1, $0x2  }
0xb9: {  	s3 =	sand.u32 $0x4000, s31;
	s1 =	sadd.s32 s1, s30  }
0xba: {  	s0 =	sor.u32 s3, s0;
	s1 =	sshll.u32 s1, $0x11  }
0xbb: {  	s0 =	sor.u32 s1, s0  }
0xbc: {  	s0 =	sadd.s32 $0x8F2B, s0  }
0xbd: {  	[sflag:s0] =	ssyncadd.remote.s32 $0x1  }
0xbe: {  	_ =	sfence.sel $0xFFFF  }
0xbf: {  	[dreg:$0x0] =	wrdreg $0xFFFFFFFF;
	(pc) =	sbr.abs _section_cstart, $3  }
0xc0: {  	[dreg:$0x1] =	wrdreg $0xFFFFFFFF  }
0xc1: {  	_ =	task.clear_ibuf [dreg:s6], $0x2FFFF;
	_ =	strace $0x9FFFFFFF  }
0xc2: {  	(tm) =	ssettm $0x7FFFFFFF  }
0xc3: {  	_ =	shalt  }
tec
execute0_lowered:
.L_overlay_start_1:
0x0: {  	(tag) =	ssettag $0x1  }
0x1: {  	s1 =	srdreg.scid;
	s5 =	rddreg [dreg:$0x0]  }
0x2: {  	s0 =	stileid.u32;
	s2 =	rddreg [dreg:$0x1]  }
0x3: {  	s3 =	simm.s32 $0x0;
	s12 =	simm.s32 $0x2800;
	s13 =	simm.s32 $0x80  }
0x4: {  	s14 =	simm.s32 $0x1;
	s4 =	sand.u32 $0x1, s1;
	s8 =	smul.u32 $0x50000, s0  }
0x5: {  	s29 =	sshll.u32 s0, $0x1;
	[smem:$0x7FF] =	sst s3;
	s16 =	smul.u32 $0x2800, s0  }
0x6: {  	s17 =	sshll.u32 s0, $0x6;
	s1 =	sor.u32 s4, s29;
	s7 =	smul.u32 $0x28000, s4  }
0x7: {  	s4 =	ssub.s32 $0x2, s4;
	s6 =	smul.u32 $0x500, s1;
	s1 =	rddreg [dreg:$0x2]  }
0x8: {  	_ =	strace $0x80000047;
	s30 =	sshrl.u32 s4, $0x1;
	s31 =	sshrl.u32 s8, $0x2  }
0x9: {  	s10 =	sadd.s32 s7, s5;
	s11 =	ssub.s32 s4, s30;
	s6 =	sadd.s32 s6, s5  }
0xa: {  	s5 =	sadd.s32 s31, s2;
	s15 =	sadd.s32 $0x16A00, s10;
	s10 =	smax.u32 s11, $0x1  }
0xb: {  	s11 =	simm.s32 $0x2;
	s4 =	sadd.s32 $0x2A00, s6;
	s6 =	sadd.s32 $0x4000, s5  }
0xc: {  	s7 =	sadd.s32 $0x8000, s5;
	s8 =	sadd.s32 $0xC000, s5;
	s9 =	sadd.s32 $0x10000, s5  }
0xd: {  	v0 =	vimm.f32 $0.0e+00;
	v1 =	vimm.f32 $1.000000000e+00;
	s15 =	sadd.s32 s16, s15;
	s16 =	sor.u32 $0x1C02, s17;
	s17 =	sshrl.u32 s5, $0x3  }
.LBB2_1:
0xe: {  	s19 =	simm.s32 $0x200;
	s18 =	simm.s32 $0x0  }
.LBB2_2:
0xf: {  	p0 =	sne.s32 s19, $0xFE00;
	[tilespmem:s18+$0x2830] =	vst v0;
	s20 =	smov.u32 s19;
	s19 =	sadd.s32 $0x200, s19  }
.Ltmp0:
0x10: {  	[tilespmem:s18+$0x2820] =	vst v0;
	(pc) =	sbr.rel @p0 .LBB2_2-.Ltmp0, $3  }
0x11: {  	[tilespmem:s18+$0x2800] =	vst v0  }
0x12: {  	[tilespmem:s18+$0x2810] =	vst v0;
	_ =	sdelay $0x1  }
0x13: {  	s18 =	sshra.s32 s20, $0x2  }
0x14: {  	[tilespmem:s18+$0x2830] =	vst v0  }
0x15: {  	[tilespmem:s18+$0x2820] =	vst v0  }
0x16: {  	[tilespmem:s18+$0x2800] =	vst v0  }
0x17: {  	[tilespmem:s18+$0x2810] =	vst v0;
	s18 =	simm.s32 $0x0  }
0x18: {  	[tilespmem:s18], [sflag:$0x2] =	stream.linear.gather [hbm4b:s4+s18], $0x2800, $0x38;
	[tilespmem:$0x10800] =	vst v63  }
0x19: {  	_ =	swait.ge [sflag:s11], $0x2800  }
0x1a: {  	[sflag:s11] =	ssyncset.done $0x0  }
0x1b: {  	[sflag:s11] =	ssyncadd.s32 $0xFFFFD800  }
0x1c: {  	[spmem:s5] =	stream.linear.scatter [tilespmem:s12], [sflag:$0x2], $0x4000, $0x38;
	[tilespmem:$0x10800] =	vst v63  }
0x1d: {  	_ =	swait.ge [sflag:s11], $0x4000  }
0x1e: {  	[sflag:s11] =	ssyncset.done $0x0  }
0x1f: {  	[sflag:s11] =	ssyncadd.s32 $0xFFFFC000  }
0x20: {  	[spmem:s6] =	stream.linear.scatter [tilespmem:s12], [sflag:$0x2], $0x4000, $0x38;
	[tilespmem:$0x10800] =	vst v63  }
0x21: {  	_ =	swait.ge [sflag:s11], $0x4000  }
0x22: {  	[sflag:s11] =	ssyncset.done $0x0  }
0x23: {  	[sflag:s11] =	ssyncadd.s32 $0xFFFFC000  }
0x24: {  	[spmem:s7] =	stream.linear.scatter [tilespmem:s12], [sflag:$0x2], $0x4000, $0x38;
	[tilespmem:$0x10800] =	vst v63  }
0x25: {  	_ =	swait.ge [sflag:s11], $0x4000  }
0x26: {  	[sflag:s11] =	ssyncset.done $0x0  }
0x27: {  	[sflag:s11] =	ssyncadd.s32 $0xFFFFC000  }
0x28: {  	[spmem:s8] =	stream.linear.scatter [tilespmem:s12], [sflag:$0x2], $0x4000, $0x38;
	[tilespmem:$0x10800] =	vst v63  }
0x29: {  	_ =	swait.ge [sflag:s11], $0x4000  }
0x2a: {  	[sflag:s11] =	ssyncset.done $0x0  }
0x2b: {  	[sflag:s11] =	ssyncadd.s32 $0xFFFFC000  }
0x2c: {  	[spmem:s9] =	stream.linear.scatter [tilespmem:s12], [sflag:$0x2], $0x4000, $0x38;
	[tilespmem:$0x10800] =	vst v63  }
0x2d: {  	_ =	swait.ge [sflag:s11], $0x4000  }
0x2e: {  	[sflag:s11] =	ssyncset.done $0x0  }
0x2f: {  	[sflag:s11] =	ssyncadd.s32 $0xFFFFC000  }
0x30: {  	s20 =	simm.s32 $0x200;
	s19 =	simm.s32 $0x0;
	[bflag:$0x0] =	sbarrier.arrive $0xFFFF  }
.LBB2_4:
0x31: {  	p0 =	sne.s32 s20, $0xFE00;
	[tilespmem:s19+$0x2830] =	vst v1;
	s21 =	smov.u32 s20;
	s20 =	sadd.s32 $0x200, s20  }
.Ltmp1:
0x32: {  	[tilespmem:s19+$0x2820] =	vst v1;
	(pc) =	sbr.rel @p0 .LBB2_4-.Ltmp1, $3  }
0x33: {  	[tilespmem:s19+$0x2800] =	vst v1  }
0x34: {  	[tilespmem:s19+$0x2810] =	vst v1;
	_ =	sdelay $0x1  }
0x35: {  	s19 =	sshra.s32 s21, $0x2  }
0x36: {  	[tilespmem:s19+$0x2830] =	vst v1  }
0x37: {  	[tilespmem:s19+$0x2820] =	vst v1  }
0x38: {  	[tilespmem:s19+$0x2800] =	vst v1  }
0x39: {  	[tilespmem:s19+$0x2810] =	vst v1  }
.LBB2_6:
0x3a: {  	p0 =	sne.s32 s18, $0x9E00  }
.Ltmp2:
0x3b: {  	_ = 	snop;
	(pc) =	sbr.rel @p0 .LBB2_6-.Ltmp2, $3  }
0x3c: {  	_ =	sdelay $0x1  }
0x3d: {  	s19 =	sshra.s32 s18, $0x2;
	s18 =	sadd.s32 $0x200, s18  }
0x3e: {  	[spmem:s2] =	stream.indirect.scatter.add.f32 [tilespmem:s12], [sflag:$0x1], $0x40, s19, s13, $0xb8;
	[tilespmem:$0x10800] =	vst v63  }
0x3f: {  	_ =	swait.ge [sflag:s14], $0x2000  }
0x40: {  	s18 =	simm.s32 $0x4F;
	[sflag:s14] =	ssyncset.done $0x0  }
.LBB2_8:
0x41: {  	p0 =	sne.s32 s18, $0x1;
	s18 =	sadd.s32 $0xFFFFFFFF, s18;
	[sflag:s14] =	ssyncadd.s32 $0xFFFFE000  }
.Ltmp3:
0x42: {  	(pc) =	sbr.rel @p0 .LBB2_8-.Ltmp3, $3  }
0x43: {  	_ =	sdelay $0x1  }
0x44: {  	_ =	swait.ge [sflag:s14], $0x2000  }
0x45: {  	[sflag:s14] =	ssyncset.done $0x0  }
0x46: {  	s3 =	sadd.s32 $0x1, s3  }
0x47: {  	[sflag:s14] =	ssyncadd.s32 $0xFFFFE000;
	p0 =	sne.s32 s3, s10  }
.Ltmp4:
0x48: {  	[bflag:$0x0] =	sbarrier.arrive $0xFFFF;
	(pc) =	sbr.rel @p0 .LBB2_1-.Ltmp4, $4  }
0x49: {  	[hbm:s15], [sflag:s16] =	dma.local [spmem:s17], $0x2800  }
0x4a: {  	_ =	swait.ge [sflag:s11], $0x2800  }
0x4b: {  	[sflag:s11] =	ssyncset.done $0x0  }
0x4c: {  	[sflag:s11] =	ssyncadd.s32 $0xFFFFD800  }
0x4d: {  	_ =	sfence.sel $0x180000  }
0x4e: {  	[bflag:$0x0] =	sbarrier.arrive $0xFFFF  }
0x4f: {  	p0 =	sne.s32 s0, $0x0;
	_ =	strace $0x90000047  }
0x50: {  	s0 =	sadd.s32 @!p0 $0x100000, s1;
	[bflag:$0x2] =	sbarrier.arrive $0xFFFF  }
0x51: {  	[sflag:s0] =	ssyncadd.tile.s32 @!p0 $0x1;
	_ =	shalt  }
.Lfunc_end2:
_tile_overlayer_lowered:
.L_overlay_start_2:
0x52: {  	(tag) =	ssettag $0x2  }
0x53: {  	s0 =	rddreg [dreg:$0x0];
	s2 =	stileid.u32  }
0x54: {  	s1 =	rddreg [dreg:$0x1];
	p0 =	sne.s32 s2, $0x0  }
0x55: {  	s3 =	rddreg [dreg:$0x2];
	[bflag:$0x3] =	sbarrier.arrive $0xFFFF;
	s2 =	simm.s32 @!p0 $0x1C02  }
0x56: {  	[timem:s3], [sflag:s2] =	dma.local @!p0 [hbm:s0], s1  }
0x57: {  	s0 =	simm.s32 @!p0 $0x2  }
0x58: {  	_ =	swait.ge @!p0 [sflag:s0], s1  }
0x59: {  	s1 =	ssub.s32 @!p0 $0x0, s1;
	[sflag:s0] =	ssyncset.done @!p0 $0x0  }
0x5a: {  	[sflag:s0] =	ssyncadd.s32 @!p0 s1  }
0x5b: {  	[bflag:$0x3] =	sbarrier.arrive $0xFFFF  }
0x5c: {  	_ =	shalt  }

</sc_bundles>
